<compile_context>
chip_gen: v7x
topology: tpu7x:2x2x1
jax: 0.10.2.dev20260603
libtpu: 0.0.44.dev20260713+nightly
codegen_flags: <defaults>
</compile_context>

<pallas_src>
import functools

import jax
import jax.numpy as jnp
from jax import lax
from jax.experimental import pallas as pl
from jax.experimental.pallas import tpu as pltpu
from jax.experimental.pallas import tpu_sc as plsc

N = 10000
IN_F = 128
OUT_F = 128
ALPHA = 0.2
E = 320000
DG = 16
NC = 2
NS = 16
NW = NC * NS
EC = E // NW
B = 80
NCHUNK = EC // B
RT = N // NS
RTA = 632
NBLA = (RTA + 15) // 16


def _tc1_body(h_ref, w_ref, a2_ref, u_ref, g16_ref):
    wh = jax.nn.leaky_relu(
        jnp.dot(h_ref[...], w_ref[...], preferred_element_type=jnp.float32),
        negative_slope=ALPHA)
    e2 = jnp.sum(wh * a2_ref[...], axis=1, keepdims=True)
    g = jnp.exp(e2 - jnp.max(e2))
    u_ref[...] = (wh * g).astype(jnp.bfloat16)
    lane = lax.broadcasted_iota(jnp.int32, (N, OUT_F), 1)
    g16_ref[...] = jnp.where(lane == 0, g, 0.0)


def _tc1(h, w, a2):
    return pl.pallas_call(
        _tc1_body,
        out_shape=(
            jax.ShapeDtypeStruct((N, OUT_F), jnp.bfloat16),
            jax.ShapeDtypeStruct((N, OUT_F), jnp.float32),
        ),
    )(h, w, a2)


NBUF = 3
LQ = 16


def _sc_body(u_hbm, g16_hbm, ei_hbm, zn_hbm, out_num, out_den,
             src_ring, dst_all, rows_n, gbuf, gpart, g_vmem, den_local,
             den_stage, dred, accn_sh, g_sh, den_all,
             sem_i, sem_g, sem_sc):
    cid = lax.axis_index("c")
    sid = lax.axis_index("s")
    wid = sid * NC + cid
    ebase = wid * EC
    rbase = sid * RT
    ra = pl.multiple_of(rbase - lax.rem(rbase, 8), 8)
    iota = lax.iota(jnp.int32, LQ)
    zeros16 = jnp.zeros((LQ,), jnp.float32)
    zidx = jnp.zeros((LQ,), jnp.int32)

    pltpu.sync_copy(zn_hbm, rows_n.at[0])
    nfull = RT // B
    for k in range(nfull):
        pltpu.sync_copy(rows_n.at[0], accn_sh.at[pl.ds(rbase + k * B, B)])
    rem = RT - nfull * B
    if rem:
        pltpu.sync_copy(rows_n.at[0, pl.ds(0, rem)],
                        accn_sh.at[pl.ds(rbase + nfull * B, rem)])
    pltpu.sync_copy(ei_hbm.at[1, pl.ds(ebase, EC)], dst_all)

    pltpu.sync_copy(g16_hbm.at[pl.ds(ra, RTA), pl.ds(0, DG)],
                    gbuf.at[pl.ds(0, RTA)])

    def _extract(kk, carry):
        gv = plsc.load_gather(gbuf, [iota + kk * LQ, zidx])
        gpart[pl.ds(kk * LQ, LQ)] = gv
        return carry

    lax.fori_loop(0, NBLA, _extract, 0)
    pltpu.sync_copy(gpart.at[pl.ds(0, RTA)], g_sh.at[pl.ds(ra, RTA)])

    def _zden(i, carry):
        den_local[pl.ds(i * LQ, LQ)] = zeros16
        return carry

    lax.fori_loop(0, N // LQ, _zden, 0)
    plsc.subcore_barrier()
    pltpu.sync_copy(g_sh, g_vmem)

    def _fetch(j, buf):
        pltpu.async_copy(ei_hbm.at[0, pl.ds(ebase + j * B, B)],
                         src_ring.at[buf], sem_i)
        idx = dst_all.at[pl.ds(j * B, B)]
        pltpu.async_copy(u_hbm.at[idx], rows_n.at[buf], sem_g)

    def _drain(sem, ref):
        pltpu.make_async_copy(u_hbm.at[pl.ds(0, B)], ref, sem).wait()

    _fetch(0, 0)

    def body(j, carry):
        nxt = j + 1

        @pl.when(nxt < NCHUNK)
        def _prefetch():
            @pl.when(nxt >= NBUF)
            def _free_buf():
                _drain(sem_sc, rows_n.at[0])
            _fetch(nxt, lax.rem(nxt, NBUF))

        _drain(sem_g, rows_n.at[0])
        _drain(sem_i, src_ring.at[0])
        buf = lax.rem(j, NBUF)
        pltpu.async_copy(rows_n.at[buf], accn_sh.at[src_ring.at[buf]],
                         sem_sc, add=True)
        for k in range(B // LQ):
            s16 = src_ring[buf, pl.ds(k * LQ, LQ)]
            d16 = dst_all[pl.ds(j * B + k * LQ, LQ)]
            gv = plsc.load_gather(g_vmem, [d16])
            plsc.addupdate_scatter(den_local, [s16], gv)
        return carry

    lax.fori_loop(0, NCHUNK, body, 0)
    for _ in range(NBUF):
        _drain(sem_sc, rows_n.at[0])
    pltpu.sync_copy(den_local, den_all.at[sid])
    plsc.subcore_barrier()

    for t in range(NS):
        pltpu.sync_copy(den_all.at[t, pl.ds(ra, RTA)],
                        dred.at[t, pl.ds(0, RTA)])

    def _zstage(i, carry):
        den_stage[i, :] = zeros16
        return carry

    lax.fori_loop(0, RTA, _zstage, 0)

    def _reduce(kk, carry):
        acc = zeros16
        for t in range(NS):
            acc = acc + dred[t, pl.ds(kk * LQ, LQ)]
        plsc.store_scatter(den_stage, [iota + kk * LQ, zidx], acc,
                           mask=(iota + kk * LQ) < RTA)
        return carry

    lax.fori_loop(0, NBLA, _reduce, 0)

    pltpu.sync_copy(den_stage, out_den.at[cid, pl.ds(ra, RTA)])
    for k in range(nfull + (1 if rem else 0)):
        r0 = rbase + k * B
        w = min(B, RT - k * B)
        pltpu.sync_copy(accn_sh.at[pl.ds(r0, w)], rows_n.at[0, pl.ds(0, w)])
        pltpu.sync_copy(rows_n.at[0, pl.ds(0, w)],
                        out_num.at[cid, pl.ds(r0, w)])


@functools.lru_cache(maxsize=None)
def _sc_agg():
    return pl.kernel(
        _sc_body,
        out_type=(
            jax.ShapeDtypeStruct((NC, N, OUT_F), jnp.bfloat16),
            jax.ShapeDtypeStruct((NC, N, DG), jnp.float32),
        ),
        mesh=plsc.VectorSubcoreMesh(core_axis_name="c", subcore_axis_name="s"),
        compiler_params=pltpu.CompilerParams(use_tc_tiling_on_sc=False,
                                             needs_layout_passes=False),
        scratch_types=[
            pltpu.VMEM((NBUF, B), jnp.int32),
            pltpu.VMEM((EC,), jnp.int32),
            pltpu.VMEM((NBUF, B, OUT_F), jnp.bfloat16),
            pltpu.VMEM((NBLA * LQ, DG), jnp.float32),
            pltpu.VMEM((NBLA * LQ,), jnp.float32),
            pltpu.VMEM((N,), jnp.float32),
            pltpu.VMEM((N,), jnp.float32),
            pltpu.VMEM((RTA, DG), jnp.float32),
            pltpu.VMEM((NS, NBLA * LQ), jnp.float32),
            pltpu.VMEM_SHARED((N, OUT_F), jnp.bfloat16),
            pltpu.VMEM_SHARED((N,), jnp.float32),
            pltpu.VMEM_SHARED((NS, N), jnp.float32),
            pltpu.SemaphoreType.DMA,
            pltpu.SemaphoreType.DMA,
            pltpu.SemaphoreType.DMA,
        ],
    )


def _tc2_body(num_ref, den_ref, out_ref):
    nv = jnp.reshape(num_ref[...], (NC * N, OUT_F))
    num = (nv[:N].astype(jnp.float32) + nv[N:].astype(jnp.float32))
    den = jnp.sum(den_ref[0] + den_ref[1], axis=1, keepdims=True)
    pos = den > 0.0
    hp = jnp.where(pos, num / jnp.where(pos, den, 1.0), 0.0)
    out_ref[...] = jnp.where(hp > 0.0, hp,
                             jnp.exp(jnp.minimum(hp, 0.0)) - 1.0)


def _tc2(num, den):
    return pl.pallas_call(
        _tc2_body,
        out_shape=jax.ShapeDtypeStruct((N, OUT_F), jnp.float32),
    )(num.reshape(-1), den)


def kernel(h, edge_index, W, a):
    a2 = a[OUT_F:, 0][None, :]
    u, g16 = _tc1(h, W, a2)
    zn = jnp.zeros((B, OUT_F), jnp.bfloat16)
    num, den = _sc_agg()(u, g16, edge_index, zn)
    return _tc2(num, den)

# --- scband reference (transcript-rebuilt; emitter-appended) ---
"""Pipeline reference for scband-graph-attention-layerv2-45277545234535 (READ-ONLY COPY).

The authoritative reference and input builder live on the scoring server;
editing this copy changes nothing except your own understanding.
"""

import jax, jax.numpy as jnp
import numpy as np

NNODE = 10000
IN_F = 128
OUT_F = 128
ALPHA = 0.2
N_EDGES = 320000


def setup_inputs(seed: int = 0) -> dict:
    key = jax.random.key(seed)
    k1, k2, k3, k4 = jax.random.split(key, 4)
    h = jax.random.normal(k1, (NNODE, IN_F), dtype=jnp.float32)
    edge_index = jax.random.randint(k2, (2, N_EDGES), 0, NNODE, dtype=jnp.int32)
    # xavier_uniform-ish init (gain=1.414) approximated with scaled normals
    W = jax.random.normal(k3, (IN_F, OUT_F), dtype=jnp.float32) * (1.414 * np.sqrt(2.0 / (IN_F + OUT_F)))
    a = jax.random.normal(k4, (2 * OUT_F, 1), dtype=jnp.float32) * (1.414 * np.sqrt(2.0 / (2 * OUT_F + 1)))
    return {"h": h, "edge_index": edge_index, "W": W, "a": a}


def reference(h, edge_index, W, a):
    # Wh = leakyrelu(h @ W)
    Wh = jax.nn.leaky_relu(jnp.dot(h, W), negative_slope=ALPHA)
    # e1 = Wh @ a[:out_features], e2 = Wh @ a[out_features:]
    e1 = jnp.dot(Wh, a[:OUT_F, :])  # [N, 1]
    e2 = jnp.dot(Wh, a[OUT_F:, :])  # [N, 1]
    src = edge_index[0]
    dst = edge_index[1]
    e = (e1[src] + e2[dst]).reshape(-1)  # [E]
    # sparse softmax over dim=1 (per-row of the sparse [N, N] matrix, row = src)
    e_max = jax.ops.segment_max(e, src, num_segments=NNODE)  # [N]
    e_max = jnp.where(jnp.isfinite(e_max), e_max, 0.0)  # empty rows -> 0 to avoid nan
    ex = jnp.exp(e - e_max[src])
    denom = jax.ops.segment_sum(ex, src, num_segments=NNODE)  # [N]
    attn = ex / denom[src]
    # h_prime = sparse.mm(attn_matrix, Wh): row i accumulates attn_ij * Wh[j]
    h_prime = jax.ops.segment_sum(attn[:, None] * Wh[dst], src, num_segments=NNODE)  # [N, out]
    # concat=True -> elu
    return jax.nn.elu(h_prime)

if __name__ == "__main__":
    import jax
    _d = setup_inputs()
    print(jax.jit(kernel)(*tuple(_d.values())))

</pallas_src>

<mosaic_0001>
#map = affine_map<(d0, d1) -> (0, 0)>
#map1 = affine_map<(d0, d1) -> (0, 0, 0)>
module attributes {stable_mosaic.version = 14 : i64} {
  func.func @_sc_body(%arg0: i32, %arg1: i32, %arg2: memref<10000x128xbf16, #tpu.memory_space<hbm>>, %arg3: memref<10000x128xf32, #tpu.memory_space<hbm>>, %arg4: memref<2x320000xi32, #tpu.memory_space<hbm>>, %arg5: memref<80x128xbf16, #tpu.memory_space<hbm>>, %arg6: memref<2x10000x128xbf16, #tpu.memory_space<hbm>>, %arg7: memref<2x10000x16xf32, #tpu.memory_space<hbm>>, %arg8: memref<3x80xi32, #tpu.memory_space<vmem>>, %arg9: memref<10000xi32, #tpu.memory_space<vmem>>, %arg10: memref<3x80x128xbf16, #tpu.memory_space<vmem>>, %arg11: memref<640x16xf32, #tpu.memory_space<vmem>>, %arg12: memref<640xf32, #tpu.memory_space<vmem>>, %arg13: memref<10000xf32, #tpu.memory_space<vmem>>, %arg14: memref<10000xf32, #tpu.memory_space<vmem>>, %arg15: memref<632x16xf32, #tpu.memory_space<vmem>>, %arg16: memref<16x640xf32, #tpu.memory_space<vmem>>, %arg17: memref<10000x128xbf16, #tpu.memory_space<vmem_shared>>, %arg18: memref<10000xf32, #tpu.memory_space<vmem_shared>>, %arg19: memref<16x10000xf32, #tpu.memory_space<vmem_shared>>, %arg20: memref<!tpu.dma_semaphore, #tpu.memory_space<semaphore_mem>>, %arg21: memref<!tpu.dma_semaphore, #tpu.memory_space<semaphore_mem>>, %arg22: memref<!tpu.dma_semaphore, #tpu.memory_space<semaphore_mem>>) attributes {dimension_semantics = [#tpu.dimension_semantics<core_parallel>, #tpu.dimension_semantics<subcore_parallel>], iteration_bounds = array<i64: 2, 16>, scalar_prefetch = 0 : i64, scratch_operands = 15 : i64, tpu.core_type = #tpu.core_type<sc_vector_subcore>, window_params = [{transform_indices = #map}, {transform_indices = #map}, {transform_indices = #map}, {transform_indices = #map}, {transform_indices = #map1}, {transform_indices = #map1}]} {
    %mul3A = arith.constant 2 : i32
    %mul3A_0 = arith.muli %arg1, %mul3A : i32
    %add3A = arith.addi %mul3A_0, %arg0 : i32
    %mul3A_1 = arith.constant 10000 : i32
    %mul3A_2 = arith.muli %add3A, %mul3A_1 : i32
    %mul3A_3 = arith.constant 625 : i32
    %mul3A_4 = arith.muli %arg1, %mul3A_3 : i32
    %rem3A = arith.constant 8 : i32
    %rem3A_5 = arith.remsi %mul3A_4, %rem3A : i32
    %sub3A = arith.subi %mul3A_4, %rem3A_5 : i32
    %multiple_of3A = tpu.assume_multiple %sub3A, 8 : i32
    %iota3A = tpu.iota {dimensions = array<i32: 0>} : vector<16xi32>
    %broadcast_in_dim3A = arith.constant 0.000000e+00 : f32
    %broadcast_in_dim3A_6 = vector.broadcast %broadcast_in_dim3A : f32 to vector<16xf32>
    %broadcast_in_dim3A_7 = arith.constant 0 : i32
    %broadcast_in_dim3A_8 = vector.broadcast %broadcast_in_dim3A_7 : i32 to vector<16xi32>
    %run_scoped3A = arith.constant 0 : i32
    "tpu.region"() ({
      %run_scoped3A_195 = tpu.sem_alloc : memref<!tpu.dma_semaphore, #tpu.memory_space<semaphore_mem>>
      %dma_start3A_196 = arith.constant 0 : i32
      %dma_start3A_197 = arith.constant 0 : i32
      %dma_start3A_198 = tpu.memref_slice %arg10[%run_scoped3A, %dma_start3A_196, %dma_start3A_197] : memref<3x80x128xbf16, #tpu.memory_space<vmem>> -> memref<1x80x128xbf16, #tpu.memory_space<vmem>>
      %dma_start3A_199 = tpu.memref_squeeze %dma_start3A_198 : memref<1x80x128xbf16, #tpu.memory_space<vmem>> -> memref<80x128xbf16, #tpu.memory_space<vmem>>
      %dma_start3A_200 = arith.constant 0 : i32
      %dma_start3A_201 = arith.constant 0 : i32
      %dma_start3A_202 = tpu.memref_slice %arg10[%run_scoped3A, %dma_start3A_200, %dma_start3A_201] : memref<3x80x128xbf16, #tpu.memory_space<vmem>> -> memref<1x80x128xbf16, #tpu.memory_space<vmem>>
      %dma_start3A_203 = tpu.memref_squeeze %dma_start3A_202 : memref<1x80x128xbf16, #tpu.memory_space<vmem>> -> memref<80x128xbf16, #tpu.memory_space<vmem>>
      tpu.enqueue_dma source(%arg5 : memref<80x128xbf16, #tpu.memory_space<hbm>>) target(%dma_start3A_203 : memref<80x128xbf16, #tpu.memory_space<vmem>>) target_semaphore(%run_scoped3A_195 : memref<!tpu.dma_semaphore, #tpu.memory_space<semaphore_mem>>)
      %dma_wait3A_204 = arith.constant 0 : i32
      %dma_wait3A_205 = arith.constant 0 : i32
      %dma_wait3A_206 = tpu.memref_slice %arg10[%run_scoped3A, %dma_wait3A_204, %dma_wait3A_205] : memref<3x80x128xbf16, #tpu.memory_space<vmem>> -> memref<1x80x128xbf16, #tpu.memory_space<vmem>>
      %dma_wait3A_207 = tpu.memref_squeeze %dma_wait3A_206 : memref<1x80x128xbf16, #tpu.memory_space<vmem>> -> memref<80x128xbf16, #tpu.memory_space<vmem>>
      %dma_wait3A_208 = arith.constant 0 : i32
      %dma_wait3A_209 = arith.constant 0 : i32
      %dma_wait3A_210 = tpu.memref_slice %arg10[%run_scoped3A, %dma_wait3A_208, %dma_wait3A_209] : memref<3x80x128xbf16, #tpu.memory_space<vmem>> -> memref<1x80x128xbf16, #tpu.memory_space<vmem>>
      %dma_wait3A_211 = tpu.memref_squeeze %dma_wait3A_210 : memref<1x80x128xbf16, #tpu.memory_space<vmem>> -> memref<80x128xbf16, #tpu.memory_space<vmem>>
      tpu.wait_dma2 semaphore(%run_scoped3A_195 : memref<!tpu.dma_semaphore, #tpu.memory_space<semaphore_mem>>) src(%arg5 : memref<80x128xbf16, #tpu.memory_space<hbm>>) dst(%dma_wait3A_211 : memref<80x128xbf16, #tpu.memory_space<vmem>>)
      tpu.yield
    }) : () -> ()
    %add3A_9 = arith.constant 0 : i32
    %add3A_10 = arith.addi %mul3A_4, %add3A_9 : i32
    %run_scoped3A_11 = arith.constant 0 : i32
    "tpu.region"() ({
      %run_scoped3A_195 = tpu.sem_alloc : memref<!tpu.dma_semaphore, #tpu.memory_space<semaphore_mem>>
      %dma_start3A_196 = arith.constant 0 : i32
      %dma_start3A_197 = arith.constant 0 : i32
      %dma_start3A_198 = tpu.memref_slice %arg10[%run_scoped3A_11, %dma_start3A_196, %dma_start3A_197] : memref<3x80x128xbf16, #tpu.memory_space<vmem>> -> memref<1x80x128xbf16, #tpu.memory_space<vmem>>
      %dma_start3A_199 = tpu.memref_squeeze %dma_start3A_198 : memref<1x80x128xbf16, #tpu.memory_space<vmem>> -> memref<80x128xbf16, #tpu.memory_space<vmem>>
      %dma_start3A_200 = arith.constant 0 : i32
      %dma_start3A_201 = tpu.memref_slice %arg17[%add3A_10, %dma_start3A_200] : memref<10000x128xbf16, #tpu.memory_space<vmem_shared>> -> memref<80x128xbf16, #tpu.memory_space<vmem_shared>>
      %dma_start3A_202 = arith.constant 0 : i32
      %dma_start3A_203 = tpu.memref_slice %arg17[%add3A_10, %dma_start3A_202] : memref<10000x128xbf16, #tpu.memory_space<vmem_shared>> -> memref<80x128xbf16, #tpu.memory_space<vmem_shared>>
      %dma_start3A_204 = arith.constant 0 : i32
      %dma_start3A_205 = arith.constant 0 : i32
      %dma_start3A_206 = tpu.memref_slice %arg10[%run_scoped3A_11, %dma_start3A_204, %dma_start3A_205] : memref<3x80x128xbf16, #tpu.memory_space<vmem>> -> memref<1x80x128xbf16, #tpu.memory_space<vmem>>
      %dma_start3A_207 = tpu.memref_squeeze %dma_start3A_206 : memref<1x80x128xbf16, #tpu.memory_space<vmem>> -> memref<80x128xbf16, #tpu.memory_space<vmem>>
      tpu.enqueue_dma source(%dma_start3A_207 : memref<80x128xbf16, #tpu.memory_space<vmem>>) target(%dma_start3A_203 : memref<80x128xbf16, #tpu.memory_space<vmem_shared>>) target_semaphore(%run_scoped3A_195 : memref<!tpu.dma_semaphore, #tpu.memory_space<semaphore_mem>>)
      %dma_wait3A_208 = arith.constant 0 : i32
      %dma_wait3A_209 = arith.constant 0 : i32
      %dma_wait3A_210 = tpu.memref_slice %arg10[%run_scoped3A_11, %dma_wait3A_208, %dma_wait3A_209] : memref<3x80x128xbf16, #tpu.memory_space<vmem>> -> memref<1x80x128xbf16, #tpu.memory_space<vmem>>
      %dma_wait3A_211 = tpu.memref_squeeze %dma_wait3A_210 : memref<1x80x128xbf16, #tpu.memory_space<vmem>> -> memref<80x128xbf16, #tpu.memory_space<vmem>>
      %dma_wait3A_212 = arith.constant 0 : i32
      %dma_wait3A_213 = tpu.memref_slice %arg17[%add3A_10, %dma_wait3A_212] : memref<10000x128xbf16, #tpu.memory_space<vmem_shared>> -> memref<80x128xbf16, #tpu.memory_space<vmem_shared>>
      %dma_wait3A_214 = arith.constant 0 : i32
      %dma_wait3A_215 = tpu.memref_slice %arg17[%add3A_10, %dma_wait3A_214] : memref<10000x128xbf16, #tpu.memory_space<vmem_shared>> -> memref<80x128xbf16, #tpu.memory_space<vmem_shared>>
      %dma_wait3A_216 = arith.constant 0 : i32
      %dma_wait3A_217 = arith.constant 0 : i32
      %dma_wait3A_218 = tpu.memref_slice %arg10[%run_scoped3A_11, %dma_wait3A_216, %dma_wait3A_217] : memref<3x80x128xbf16, #tpu.memory_space<vmem>> -> memref<1x80x128xbf16, #tpu.memory_space<vmem>>
      %dma_wait3A_219 = tpu.memref_squeeze %dma_wait3A_218 : memref<1x80x128xbf16, #tpu.memory_space<vmem>> -> memref<80x128xbf16, #tpu.memory_space<vmem>>
      tpu.wait_dma2 semaphore(%run_scoped3A_195 : memref<!tpu.dma_semaphore, #tpu.memory_space<semaphore_mem>>) src(%dma_wait3A_219 : memref<80x128xbf16, #tpu.memory_space<vmem>>) dst(%dma_wait3A_215 : memref<80x128xbf16, #tpu.memory_space<vmem_shared>>)
      tpu.yield
    }) : () -> ()
    %add3A_12 = arith.constant 80 : i32
    %add3A_13 = arith.addi %mul3A_4, %add3A_12 : i32
    %run_scoped3A_14 = arith.constant 0 : i32
    "tpu.region"() ({
      %run_scoped3A_195 = tpu.sem_alloc : memref<!tpu.dma_semaphore, #tpu.memory_space<semaphore_mem>>
      %dma_start3A_196 = arith.constant 0 : i32
      %dma_start3A_197 = arith.constant 0 : i32
      %dma_start3A_198 = tpu.memref_slice %arg10[%run_scoped3A_14, %dma_start3A_196, %dma_start3A_197] : memref<3x80x128xbf16, #tpu.memory_space<vmem>> -> memref<1x80x128xbf16, #tpu.memory_space<vmem>>
      %dma_start3A_199 = tpu.memref_squeeze %dma_start3A_198 : memref<1x80x128xbf16, #tpu.memory_space<vmem>> -> memref<80x128xbf16, #tpu.memory_space<vmem>>
      %dma_start3A_200 = arith.constant 0 : i32
      %dma_start3A_201 = tpu.memref_slice %arg17[%add3A_13, %dma_start3A_200] : memref<10000x128xbf16, #tpu.memory_space<vmem_shared>> -> memref<80x128xbf16, #tpu.memory_space<vmem_shared>>
      %dma_start3A_202 = arith.constant 0 : i32
      %dma_start3A_203 = tpu.memref_slice %arg17[%add3A_13, %dma_start3A_202] : memref<10000x128xbf16, #tpu.memory_space<vmem_shared>> -> memref<80x128xbf16, #tpu.memory_space<vmem_shared>>
      %dma_start3A_204 = arith.constant 0 : i32
      %dma_start3A_205 = arith.constant 0 : i32
      %dma_start3A_206 = tpu.memref_slice %arg10[%run_scoped3A_14, %dma_start3A_204, %dma_start3A_205] : memref<3x80x128xbf16, #tpu.memory_space<vmem>> -> memref<1x80x128xbf16, #tpu.memory_space<vmem>>
      %dma_start3A_207 = tpu.memref_squeeze %dma_start3A_206 : memref<1x80x128xbf16, #tpu.memory_space<vmem>> -> memref<80x128xbf16, #tpu.memory_space<vmem>>
      tpu.enqueue_dma source(%dma_start3A_207 : memref<80x128xbf16, #tpu.memory_space<vmem>>) target(%dma_start3A_203 : memref<80x128xbf16, #tpu.memory_space<vmem_shared>>) target_semaphore(%run_scoped3A_195 : memref<!tpu.dma_semaphore, #tpu.memory_space<semaphore_mem>>)
      %dma_wait3A_208 = arith.constant 0 : i32
      %dma_wait3A_209 = arith.constant 0 : i32
      %dma_wait3A_210 = tpu.memref_slice %arg10[%run_scoped3A_14, %dma_wait3A_208, %dma_wait3A_209] : memref<3x80x128xbf16, #tpu.memory_space<vmem>> -> memref<1x80x128xbf16, #tpu.memory_space<vmem>>
      %dma_wait3A_211 = tpu.memref_squeeze %dma_wait3A_210 : memref<1x80x128xbf16, #tpu.memory_space<vmem>> -> memref<80x128xbf16, #tpu.memory_space<vmem>>
      %dma_wait3A_212 = arith.constant 0 : i32
      %dma_wait3A_213 = tpu.memref_slice %arg17[%add3A_13, %dma_wait3A_212] : memref<10000x128xbf16, #tpu.memory_space<vmem_shared>> -> memref<80x128xbf16, #tpu.memory_space<vmem_shared>>
      %dma_wait3A_214 = arith.constant 0 : i32
      %dma_wait3A_215 = tpu.memref_slice %arg17[%add3A_13, %dma_wait3A_214] : memref<10000x128xbf16, #tpu.memory_space<vmem_shared>> -> memref<80x128xbf16, #tpu.memory_space<vmem_shared>>
      %dma_wait3A_216 = arith.constant 0 : i32
      %dma_wait3A_217 = arith.constant 0 : i32
      %dma_wait3A_218 = tpu.memref_slice %arg10[%run_scoped3A_14, %dma_wait3A_216, %dma_wait3A_217] : memref<3x80x128xbf16, #tpu.memory_space<vmem>> -> memref<1x80x128xbf16, #tpu.memory_space<vmem>>
      %dma_wait3A_219 = tpu.memref_squeeze %dma_wait3A_218 : memref<1x80x128xbf16, #tpu.memory_space<vmem>> -> memref<80x128xbf16, #tpu.memory_space<vmem>>
      tpu.wait_dma2 semaphore(%run_scoped3A_195 : memref<!tpu.dma_semaphore, #tpu.memory_space<semaphore_mem>>) src(%dma_wait3A_219 : memref<80x128xbf16, #tpu.memory_space<vmem>>) dst(%dma_wait3A_215 : memref<80x128xbf16, #tpu.memory_space<vmem_shared>>)
      tpu.yield
    }) : () -> ()
    %add3A_15 = arith.constant 160 : i32
    %add3A_16 = arith.addi %mul3A_4, %add3A_15 : i32
    %run_scoped3A_17 = arith.constant 0 : i32
    "tpu.region"() ({
      %run_scoped3A_195 = tpu.sem_alloc : memref<!tpu.dma_semaphore, #tpu.memory_space<semaphore_mem>>
      %dma_start3A_196 = arith.constant 0 : i32
      %dma_start3A_197 = arith.constant 0 : i32
      %dma_start3A_198 = tpu.memref_slice %arg10[%run_scoped3A_17, %dma_start3A_196, %dma_start3A_197] : memref<3x80x128xbf16, #tpu.memory_space<vmem>> -> memref<1x80x128xbf16, #tpu.memory_space<vmem>>
      %dma_start3A_199 = tpu.memref_squeeze %dma_start3A_198 : memref<1x80x128xbf16, #tpu.memory_space<vmem>> -> memref<80x128xbf16, #tpu.memory_space<vmem>>
      %dma_start3A_200 = arith.constant 0 : i32
      %dma_start3A_201 = tpu.memref_slice %arg17[%add3A_16, %dma_start3A_200] : memref<10000x128xbf16, #tpu.memory_space<vmem_shared>> -> memref<80x128xbf16, #tpu.memory_space<vmem_shared>>
      %dma_start3A_202 = arith.constant 0 : i32
      %dma_start3A_203 = tpu.memref_slice %arg17[%add3A_16, %dma_start3A_202] : memref<10000x128xbf16, #tpu.memory_space<vmem_shared>> -> memref<80x128xbf16, #tpu.memory_space<vmem_shared>>
      %dma_start3A_204 = arith.constant 0 : i32
      %dma_start3A_205 = arith.constant 0 : i32
      %dma_start3A_206 = tpu.memref_slice %arg10[%run_scoped3A_17, %dma_start3A_204, %dma_start3A_205] : memref<3x80x128xbf16, #tpu.memory_space<vmem>> -> memref<1x80x128xbf16, #tpu.memory_space<vmem>>
      %dma_start3A_207 = tpu.memref_squeeze %dma_start3A_206 : memref<1x80x128xbf16, #tpu.memory_space<vmem>> -> memref<80x128xbf16, #tpu.memory_space<vmem>>
      tpu.enqueue_dma source(%dma_start3A_207 : memref<80x128xbf16, #tpu.memory_space<vmem>>) target(%dma_start3A_203 : memref<80x128xbf16, #tpu.memory_space<vmem_shared>>) target_semaphore(%run_scoped3A_195 : memref<!tpu.dma_semaphore, #tpu.memory_space<semaphore_mem>>)
      %dma_wait3A_208 = arith.constant 0 : i32
      %dma_wait3A_209 = arith.constant 0 : i32
      %dma_wait3A_210 = tpu.memref_slice %arg10[%run_scoped3A_17, %dma_wait3A_208, %dma_wait3A_209] : memref<3x80x128xbf16, #tpu.memory_space<vmem>> -> memref<1x80x128xbf16, #tpu.memory_space<vmem>>
      %dma_wait3A_211 = tpu.memref_squeeze %dma_wait3A_210 : memref<1x80x128xbf16, #tpu.memory_space<vmem>> -> memref<80x128xbf16, #tpu.memory_space<vmem>>
      %dma_wait3A_212 = arith.constant 0 : i32
      %dma_wait3A_213 = tpu.memref_slice %arg17[%add3A_16, %dma_wait3A_212] : memref<10000x128xbf16, #tpu.memory_space<vmem_shared>> -> memref<80x128xbf16, #tpu.memory_space<vmem_shared>>
      %dma_wait3A_214 = arith.constant 0 : i32
      %dma_wait3A_215 = tpu.memref_slice %arg17[%add3A_16, %dma_wait3A_214] : memref<10000x128xbf16, #tpu.memory_space<vmem_shared>> -> memref<80x128xbf16, #tpu.memory_space<vmem_shared>>
      %dma_wait3A_216 = arith.constant 0 : i32
      %dma_wait3A_217 = arith.constant 0 : i32
      %dma_wait3A_218 = tpu.memref_slice %arg10[%run_scoped3A_17, %dma_wait3A_216, %dma_wait3A_217] : memref<3x80x128xbf16, #tpu.memory_space<vmem>> -> memref<1x80x128xbf16, #tpu.memory_space<vmem>>
      %dma_wait3A_219 = tpu.memref_squeeze %dma_wait3A_218 : memref<1x80x128xbf16, #tpu.memory_space<vmem>> -> memref<80x128xbf16, #tpu.memory_space<vmem>>
      tpu.wait_dma2 semaphore(%run_scoped3A_195 : memref<!tpu.dma_semaphore, #tpu.memory_space<semaphore_mem>>) src(%dma_wait3A_219 : memref<80x128xbf16, #tpu.memory_space<vmem>>) dst(%dma_wait3A_215 : memref<80x128xbf16, #tpu.memory_space<vmem_shared>>)
      tpu.yield
    }) : () -> ()
    %add3A_18 = arith.constant 240 : i32
    %add3A_19 = arith.addi %mul3A_4, %add3A_18 : i32
    %run_scoped3A_20 = arith.constant 0 : i32
    "tpu.region"() ({
      %run_scoped3A_195 = tpu.sem_alloc : memref<!tpu.dma_semaphore, #tpu.memory_space<semaphore_mem>>
      %dma_start3A_196 = arith.constant 0 : i32
      %dma_start3A_197 = arith.constant 0 : i32
      %dma_start3A_198 = tpu.memref_slice %arg10[%run_scoped3A_20, %dma_start3A_196, %dma_start3A_197] : memref<3x80x128xbf16, #tpu.memory_space<vmem>> -> memref<1x80x128xbf16, #tpu.memory_space<vmem>>
      %dma_start3A_199 = tpu.memref_squeeze %dma_start3A_198 : memref<1x80x128xbf16, #tpu.memory_space<vmem>> -> memref<80x128xbf16, #tpu.memory_space<vmem>>
      %dma_start3A_200 = arith.constant 0 : i32
      %dma_start3A_201 = tpu.memref_slice %arg17[%add3A_19, %dma_start3A_200] : memref<10000x128xbf16, #tpu.memory_space<vmem_shared>> -> memref<80x128xbf16, #tpu.memory_space<vmem_shared>>
      %dma_start3A_202 = arith.constant 0 : i32
      %dma_start3A_203 = tpu.memref_slice %arg17[%add3A_19, %dma_start3A_202] : memref<10000x128xbf16, #tpu.memory_space<vmem_shared>> -> memref<80x128xbf16, #tpu.memory_space<vmem_shared>>
      %dma_start3A_204 = arith.constant 0 : i32
      %dma_start3A_205 = arith.constant 0 : i32
      %dma_start3A_206 = tpu.memref_slice %arg10[%run_scoped3A_20, %dma_start3A_204, %dma_start3A_205] : memref<3x80x128xbf16, #tpu.memory_space<vmem>> -> memref<1x80x128xbf16, #tpu.memory_space<vmem>>
      %dma_start3A_207 = tpu.memref_squeeze %dma_start3A_206 : memref<1x80x128xbf16, #tpu.memory_space<vmem>> -> memref<80x128xbf16, #tpu.memory_space<vmem>>
      tpu.enqueue_dma source(%dma_start3A_207 : memref<80x128xbf16, #tpu.memory_space<vmem>>) target(%dma_start3A_203 : memref<80x128xbf16, #tpu.memory_space<vmem_shared>>) target_semaphore(%run_scoped3A_195 : memref<!tpu.dma_semaphore, #tpu.memory_space<semaphore_mem>>)
      %dma_wait3A_208 = arith.constant 0 : i32
      %dma_wait3A_209 = arith.constant 0 : i32
      %dma_wait3A_210 = tpu.memref_slice %arg10[%run_scoped3A_20, %dma_wait3A_208, %dma_wait3A_209] : memref<3x80x128xbf16, #tpu.memory_space<vmem>> -> memref<1x80x128xbf16, #tpu.memory_space<vmem>>
      %dma_wait3A_211 = tpu.memref_squeeze %dma_wait3A_210 : memref<1x80x128xbf16, #tpu.memory_space<vmem>> -> memref<80x128xbf16, #tpu.memory_space<vmem>>
      %dma_wait3A_212 = arith.constant 0 : i32
      %dma_wait3A_213 = tpu.memref_slice %arg17[%add3A_19, %dma_wait3A_212] : memref<10000x128xbf16, #tpu.memory_space<vmem_shared>> -> memref<80x128xbf16, #tpu.memory_space<vmem_shared>>
      %dma_wait3A_214 = arith.constant 0 : i32
      %dma_wait3A_215 = tpu.memref_slice %arg17[%add3A_19, %dma_wait3A_214] : memref<10000x128xbf16, #tpu.memory_space<vmem_shared>> -> memref<80x128xbf16, #tpu.memory_space<vmem_shared>>
      %dma_wait3A_216 = arith.constant 0 : i32
      %dma_wait3A_217 = arith.constant 0 : i32
      %dma_wait3A_218 = tpu.memref_slice %arg10[%run_scoped3A_20, %dma_wait3A_216, %dma_wait3A_217] : memref<3x80x128xbf16, #tpu.memory_space<vmem>> -> memref<1x80x128xbf16, #tpu.memory_space<vmem>>
      %dma_wait3A_219 = tpu.memref_squeeze %dma_wait3A_218 : memref<1x80x128xbf16, #tpu.memory_space<vmem>> -> memref<80x128xbf16, #tpu.memory_space<vmem>>
      tpu.wait_dma2 semaphore(%run_scoped3A_195 : memref<!tpu.dma_semaphore, #tpu.memory_space<semaphore_mem>>) src(%dma_wait3A_219 : memref<80x128xbf16, #tpu.memory_space<vmem>>) dst(%dma_wait3A_215 : memref<80x128xbf16, #tpu.memory_space<vmem_shared>>)
      tpu.yield
    }) : () -> ()
    %add3A_21 = arith.constant 320 : i32
    %add3A_22 = arith.addi %mul3A_4, %add3A_21 : i32
    %run_scoped3A_23 = arith.constant 0 : i32
    "tpu.region"() ({
      %run_scoped3A_195 = tpu.sem_alloc : memref<!tpu.dma_semaphore, #tpu.memory_space<semaphore_mem>>
      %dma_start3A_196 = arith.constant 0 : i32
      %dma_start3A_197 = arith.constant 0 : i32
      %dma_start3A_198 = tpu.memref_slice %arg10[%run_scoped3A_23, %dma_start3A_196, %dma_start3A_197] : memref<3x80x128xbf16, #tpu.memory_space<vmem>> -> memref<1x80x128xbf16, #tpu.memory_space<vmem>>
      %dma_start3A_199 = tpu.memref_squeeze %dma_start3A_198 : memref<1x80x128xbf16, #tpu.memory_space<vmem>> -> memref<80x128xbf16, #tpu.memory_space<vmem>>
      %dma_start3A_200 = arith.constant 0 : i32
      %dma_start3A_201 = tpu.memref_slice %arg17[%add3A_22, %dma_start3A_200] : memref<10000x128xbf16, #tpu.memory_space<vmem_shared>> -> memref<80x128xbf16, #tpu.memory_space<vmem_shared>>
      %dma_start3A_202 = arith.constant 0 : i32
      %dma_start3A_203 = tpu.memref_slice %arg17[%add3A_22, %dma_start3A_202] : memref<10000x128xbf16, #tpu.memory_space<vmem_shared>> -> memref<80x128xbf16, #tpu.memory_space<vmem_shared>>
      %dma_start3A_204 = arith.constant 0 : i32
      %dma_start3A_205 = arith.constant 0 : i32
      %dma_start3A_206 = tpu.memref_slice %arg10[%run_scoped3A_23, %dma_start3A_204, %dma_start3A_205] : memref<3x80x128xbf16, #tpu.memory_space<vmem>> -> memref<1x80x128xbf16, #tpu.memory_space<vmem>>
      %dma_start3A_207 = tpu.memref_squeeze %dma_start3A_206 : memref<1x80x128xbf16, #tpu.memory_space<vmem>> -> memref<80x128xbf16, #tpu.memory_space<vmem>>
      tpu.enqueue_dma source(%dma_start3A_207 : memref<80x128xbf16, #tpu.memory_space<vmem>>) target(%dma_start3A_203 : memref<80x128xbf16, #tpu.memory_space<vmem_shared>>) target_semaphore(%run_scoped3A_195 : memref<!tpu.dma_semaphore, #tpu.memory_space<semaphore_mem>>)
      %dma_wait3A_208 = arith.constant 0 : i32
      %dma_wait3A_209 = arith.constant 0 : i32
      %dma_wait3A_210 = tpu.memref_slice %arg10[%run_scoped3A_23, %dma_wait3A_208, %dma_wait3A_209] : memref<3x80x128xbf16, #tpu.memory_space<vmem>> -> memref<1x80x128xbf16, #tpu.memory_space<vmem>>
      %dma_wait3A_211 = tpu.memref_squeeze %dma_wait3A_210 : memref<1x80x128xbf16, #tpu.memory_space<vmem>> -> memref<80x128xbf16, #tpu.memory_space<vmem>>
      %dma_wait3A_212 = arith.constant 0 : i32
      %dma_wait3A_213 = tpu.memref_slice %arg17[%add3A_22, %dma_wait3A_212] : memref<10000x128xbf16, #tpu.memory_space<vmem_shared>> -> memref<80x128xbf16, #tpu.memory_space<vmem_shared>>
      %dma_wait3A_214 = arith.constant 0 : i32
      %dma_wait3A_215 = tpu.memref_slice %arg17[%add3A_22, %dma_wait3A_214] : memref<10000x128xbf16, #tpu.memory_space<vmem_shared>> -> memref<80x128xbf16, #tpu.memory_space<vmem_shared>>
      %dma_wait3A_216 = arith.constant 0 : i32
      %dma_wait3A_217 = arith.constant 0 : i32
      %dma_wait3A_218 = tpu.memref_slice %arg10[%run_scoped3A_23, %dma_wait3A_216, %dma_wait3A_217] : memref<3x80x128xbf16, #tpu.memory_space<vmem>> -> memref<1x80x128xbf16, #tpu.memory_space<vmem>>
      %dma_wait3A_219 = tpu.memref_squeeze %dma_wait3A_218 : memref<1x80x128xbf16, #tpu.memory_space<vmem>> -> memref<80x128xbf16, #tpu.memory_space<vmem>>
      tpu.wait_dma2 semaphore(%run_scoped3A_195 : memref<!tpu.dma_semaphore, #tpu.memory_space<semaphore_mem>>) src(%dma_wait3A_219 : memref<80x128xbf16, #tpu.memory_space<vmem>>) dst(%dma_wait3A_215 : memref<80x128xbf16, #tpu.memory_space<vmem_shared>>)
      tpu.yield
    }) : () -> ()
    %add3A_24 = arith.constant 400 : i32
    %add3A_25 = arith.addi %mul3A_4, %add3A_24 : i32
    %run_scoped3A_26 = arith.constant 0 : i32
    "tpu.region"() ({
      %run_scoped3A_195 = tpu.sem_alloc : memref<!tpu.dma_semaphore, #tpu.memory_space<semaphore_mem>>
      %dma_start3A_196 = arith.constant 0 : i32
      %dma_start3A_197 = arith.constant 0 : i32
      %dma_start3A_198 = tpu.memref_slice %arg10[%run_scoped3A_26, %dma_start3A_196, %dma_start3A_197] : memref<3x80x128xbf16, #tpu.memory_space<vmem>> -> memref<1x80x128xbf16, #tpu.memory_space<vmem>>
      %dma_start3A_199 = tpu.memref_squeeze %dma_start3A_198 : memref<1x80x128xbf16, #tpu.memory_space<vmem>> -> memref<80x128xbf16, #tpu.memory_space<vmem>>
      %dma_start3A_200 = arith.constant 0 : i32
      %dma_start3A_201 = tpu.memref_slice %arg17[%add3A_25, %dma_start3A_200] : memref<10000x128xbf16, #tpu.memory_space<vmem_shared>> -> memref<80x128xbf16, #tpu.memory_space<vmem_shared>>
      %dma_start3A_202 = arith.constant 0 : i32
      %dma_start3A_203 = tpu.memref_slice %arg17[%add3A_25, %dma_start3A_202] : memref<10000x128xbf16, #tpu.memory_space<vmem_shared>> -> memref<80x128xbf16, #tpu.memory_space<vmem_shared>>
      %dma_start3A_204 = arith.constant 0 : i32
      %dma_start3A_205 = arith.constant 0 : i32
      %dma_start3A_206 = tpu.memref_slice %arg10[%run_scoped3A_26, %dma_start3A_204, %dma_start3A_205] : memref<3x80x128xbf16, #tpu.memory_space<vmem>> -> memref<1x80x128xbf16, #tpu.memory_space<vmem>>
      %dma_start3A_207 = tpu.memref_squeeze %dma_start3A_206 : memref<1x80x128xbf16, #tpu.memory_space<vmem>> -> memref<80x128xbf16, #tpu.memory_space<vmem>>
      tpu.enqueue_dma source(%dma_start3A_207 : memref<80x128xbf16, #tpu.memory_space<vmem>>) target(%dma_start3A_203 : memref<80x128xbf16, #tpu.memory_space<vmem_shared>>) target_semaphore(%run_scoped3A_195 : memref<!tpu.dma_semaphore, #tpu.memory_space<semaphore_mem>>)
      %dma_wait3A_208 = arith.constant 0 : i32
      %dma_wait3A_209 = arith.constant 0 : i32
      %dma_wait3A_210 = tpu.memref_slice %arg10[%run_scoped3A_26, %dma_wait3A_208, %dma_wait3A_209] : memref<3x80x128xbf16, #tpu.memory_space<vmem>> -> memref<1x80x128xbf16, #tpu.memory_space<vmem>>
      %dma_wait3A_211 = tpu.memref_squeeze %dma_wait3A_210 : memref<1x80x128xbf16, #tpu.memory_space<vmem>> -> memref<80x128xbf16, #tpu.memory_space<vmem>>
      %dma_wait3A_212 = arith.constant 0 : i32
      %dma_wait3A_213 = tpu.memref_slice %arg17[%add3A_25, %dma_wait3A_212] : memref<10000x128xbf16, #tpu.memory_space<vmem_shared>> -> memref<80x128xbf16, #tpu.memory_space<vmem_shared>>
      %dma_wait3A_214 = arith.constant 0 : i32
      %dma_wait3A_215 = tpu.memref_slice %arg17[%add3A_25, %dma_wait3A_214] : memref<10000x128xbf16, #tpu.memory_space<vmem_shared>> -> memref<80x128xbf16, #tpu.memory_space<vmem_shared>>
      %dma_wait3A_216 = arith.constant 0 : i32
      %dma_wait3A_217 = arith.constant 0 : i32
      %dma_wait3A_218 = tpu.memref_slice %arg10[%run_scoped3A_26, %dma_wait3A_216, %dma_wait3A_217] : memref<3x80x128xbf16, #tpu.memory_space<vmem>> -> memref<1x80x128xbf16, #tpu.memory_space<vmem>>
      %dma_wait3A_219 = tpu.memref_squeeze %dma_wait3A_218 : memref<1x80x128xbf16, #tpu.memory_space<vmem>> -> memref<80x128xbf16, #tpu.memory_space<vmem>>
      tpu.wait_dma2 semaphore(%run_scoped3A_195 : memref<!tpu.dma_semaphore, #tpu.memory_space<semaphore_mem>>) src(%dma_wait3A_219 : memref<80x128xbf16, #tpu.memory_space<vmem>>) dst(%dma_wait3A_215 : memref<80x128xbf16, #tpu.memory_space<vmem_shared>>)
      tpu.yield
    }) : () -> ()
    %add3A_27 = arith.constant 480 : i32
    %add3A_28 = arith.addi %mul3A_4, %add3A_27 : i32
    %run_scoped3A_29 = arith.constant 0 : i32
    "tpu.region"() ({
      %run_scoped3A_195 = tpu.sem_alloc : memref<!tpu.dma_semaphore, #tpu.memory_space<semaphore_mem>>
      %dma_start3A_196 = arith.constant 0 : i32
      %dma_start3A_197 = arith.constant 0 : i32
      %dma_start3A_198 = tpu.memref_slice %arg10[%run_scoped3A_29, %dma_start3A_196, %dma_start3A_197] : memref<3x80x128xbf16, #tpu.memory_space<vmem>> -> memref<1x80x128xbf16, #tpu.memory_space<vmem>>
      %dma_start3A_199 = tpu.memref_squeeze %dma_start3A_198 : memref<1x80x128xbf16, #tpu.memory_space<vmem>> -> memref<80x128xbf16, #tpu.memory_space<vmem>>
      %dma_start3A_200 = arith.constant 0 : i32
      %dma_start3A_201 = tpu.memref_slice %arg17[%add3A_28, %dma_start3A_200] : memref<10000x128xbf16, #tpu.memory_space<vmem_shared>> -> memref<80x128xbf16, #tpu.memory_space<vmem_shared>>
      %dma_start3A_202 = arith.constant 0 : i32
      %dma_start3A_203 = tpu.memref_slice %arg17[%add3A_28, %dma_start3A_202] : memref<10000x128xbf16, #tpu.memory_space<vmem_shared>> -> memref<80x128xbf16, #tpu.memory_space<vmem_shared>>
      %dma_start3A_204 = arith.constant 0 : i32
      %dma_start3A_205 = arith.constant 0 : i32
      %dma_start3A_206 = tpu.memref_slice %arg10[%run_scoped3A_29, %dma_start3A_204, %dma_start3A_205] : memref<3x80x128xbf16, #tpu.memory_space<vmem>> -> memref<1x80x128xbf16, #tpu.memory_space<vmem>>
      %dma_start3A_207 = tpu.memref_squeeze %dma_start3A_206 : memref<1x80x128xbf16, #tpu.memory_space<vmem>> -> memref<80x128xbf16, #tpu.memory_space<vmem>>
      tpu.enqueue_dma source(%dma_start3A_207 : memref<80x128xbf16, #tpu.memory_space<vmem>>) target(%dma_start3A_203 : memref<80x128xbf16, #tpu.memory_space<vmem_shared>>) target_semaphore(%run_scoped3A_195 : memref<!tpu.dma_semaphore, #tpu.memory_space<semaphore_mem>>)
      %dma_wait3A_208 = arith.constant 0 : i32
      %dma_wait3A_209 = arith.constant 0 : i32
      %dma_wait3A_210 = tpu.memref_slice %arg10[%run_scoped3A_29, %dma_wait3A_208, %dma_wait3A_209] : memref<3x80x128xbf16, #tpu.memory_space<vmem>> -> memref<1x80x128xbf16, #tpu.memory_space<vmem>>
      %dma_wait3A_211 = tpu.memref_squeeze %dma_wait3A_210 : memref<1x80x128xbf16, #tpu.memory_space<vmem>> -> memref<80x128xbf16, #tpu.memory_space<vmem>>
      %dma_wait3A_212 = arith.constant 0 : i32
      %dma_wait3A_213 = tpu.memref_slice %arg17[%add3A_28, %dma_wait3A_212] : memref<10000x128xbf16, #tpu.memory_space<vmem_shared>> -> memref<80x128xbf16, #tpu.memory_space<vmem_shared>>
      %dma_wait3A_214 = arith.constant 0 : i32
      %dma_wait3A_215 = tpu.memref_slice %arg17[%add3A_28, %dma_wait3A_214] : memref<10000x128xbf16, #tpu.memory_space<vmem_shared>> -> memref<80x128xbf16, #tpu.memory_space<vmem_shared>>
      %dma_wait3A_216 = arith.constant 0 : i32
      %dma_wait3A_217 = arith.constant 0 : i32
      %dma_wait3A_218 = tpu.memref_slice %arg10[%run_scoped3A_29, %dma_wait3A_216, %dma_wait3A_217] : memref<3x80x128xbf16, #tpu.memory_space<vmem>> -> memref<1x80x128xbf16, #tpu.memory_space<vmem>>
      %dma_wait3A_219 = tpu.memref_squeeze %dma_wait3A_218 : memref<1x80x128xbf16, #tpu.memory_space<vmem>> -> memref<80x128xbf16, #tpu.memory_space<vmem>>
      tpu.wait_dma2 semaphore(%run_scoped3A_195 : memref<!tpu.dma_semaphore, #tpu.memory_space<semaphore_mem>>) src(%dma_wait3A_219 : memref<80x128xbf16, #tpu.memory_space<vmem>>) dst(%dma_wait3A_215 : memref<80x128xbf16, #tpu.memory_space<vmem_shared>>)
      tpu.yield
    }) : () -> ()
    %add3A_30 = arith.constant 560 : i32
    %add3A_31 = arith.addi %mul3A_4, %add3A_30 : i32
    %run_scoped3A_32 = arith.constant 0 : i32
    "tpu.region"() ({
      %run_scoped3A_195 = tpu.sem_alloc : memref<!tpu.dma_semaphore, #tpu.memory_space<semaphore_mem>>
      %dma_start3A_196 = arith.constant 0 : i32
      %dma_start3A_197 = arith.constant 0 : i32
      %dma_start3A_198 = tpu.memref_slice %arg10[%run_scoped3A_32, %dma_start3A_196, %dma_start3A_197] : memref<3x80x128xbf16, #tpu.memory_space<vmem>> -> memref<1x65x128xbf16, #tpu.memory_space<vmem>>
      %dma_start3A_199 = tpu.memref_squeeze %dma_start3A_198 : memref<1x65x128xbf16, #tpu.memory_space<vmem>> -> memref<65x128xbf16, #tpu.memory_space<vmem>>
      %dma_start3A_200 = arith.constant 0 : i32
      %dma_start3A_201 = tpu.memref_slice %arg17[%add3A_31, %dma_start3A_200] : memref<10000x128xbf16, #tpu.memory_space<vmem_shared>> -> memref<65x128xbf16, #tpu.memory_space<vmem_shared>>
      %dma_start3A_202 = arith.constant 0 : i32
      %dma_start3A_203 = tpu.memref_slice %arg17[%add3A_31, %dma_start3A_202] : memref<10000x128xbf16, #tpu.memory_space<vmem_shared>> -> memref<65x128xbf16, #tpu.memory_space<vmem_shared>>
      %dma_start3A_204 = arith.constant 0 : i32
      %dma_start3A_205 = arith.constant 0 : i32
      %dma_start3A_206 = tpu.memref_slice %arg10[%run_scoped3A_32, %dma_start3A_204, %dma_start3A_205] : memref<3x80x128xbf16, #tpu.memory_space<vmem>> -> memref<1x65x128xbf16, #tpu.memory_space<vmem>>
      %dma_start3A_207 = tpu.memref_squeeze %dma_start3A_206 : memref<1x65x128xbf16, #tpu.memory_space<vmem>> -> memref<65x128xbf16, #tpu.memory_space<vmem>>
      tpu.enqueue_dma source(%dma_start3A_207 : memref<65x128xbf16, #tpu.memory_space<vmem>>) target(%dma_start3A_203 : memref<65x128xbf16, #tpu.memory_space<vmem_shared>>) target_semaphore(%run_scoped3A_195 : memref<!tpu.dma_semaphore, #tpu.memory_space<semaphore_mem>>)
      %dma_wait3A_208 = arith.constant 0 : i32
      %dma_wait3A_209 = arith.constant 0 : i32
      %dma_wait3A_210 = tpu.memref_slice %arg10[%run_scoped3A_32, %dma_wait3A_208, %dma_wait3A_209] : memref<3x80x128xbf16, #tpu.memory_space<vmem>> -> memref<1x65x128xbf16, #tpu.memory_space<vmem>>
      %dma_wait3A_211 = tpu.memref_squeeze %dma_wait3A_210 : memref<1x65x128xbf16, #tpu.memory_space<vmem>> -> memref<65x128xbf16, #tpu.memory_space<vmem>>
      %dma_wait3A_212 = arith.constant 0 : i32
      %dma_wait3A_213 = tpu.memref_slice %arg17[%add3A_31, %dma_wait3A_212] : memref<10000x128xbf16, #tpu.memory_space<vmem_shared>> -> memref<65x128xbf16, #tpu.memory_space<vmem_shared>>
      %dma_wait3A_214 = arith.constant 0 : i32
      %dma_wait3A_215 = tpu.memref_slice %arg17[%add3A_31, %dma_wait3A_214] : memref<10000x128xbf16, #tpu.memory_space<vmem_shared>> -> memref<65x128xbf16, #tpu.memory_space<vmem_shared>>
      %dma_wait3A_216 = arith.constant 0 : i32
      %dma_wait3A_217 = arith.constant 0 : i32
      %dma_wait3A_218 = tpu.memref_slice %arg10[%run_scoped3A_32, %dma_wait3A_216, %dma_wait3A_217] : memref<3x80x128xbf16, #tpu.memory_space<vmem>> -> memref<1x65x128xbf16, #tpu.memory_space<vmem>>
      %dma_wait3A_219 = tpu.memref_squeeze %dma_wait3A_218 : memref<1x65x128xbf16, #tpu.memory_space<vmem>> -> memref<65x128xbf16, #tpu.memory_space<vmem>>
      tpu.wait_dma2 semaphore(%run_scoped3A_195 : memref<!tpu.dma_semaphore, #tpu.memory_space<semaphore_mem>>) src(%dma_wait3A_219 : memref<65x128xbf16, #tpu.memory_space<vmem>>) dst(%dma_wait3A_215 : memref<65x128xbf16, #tpu.memory_space<vmem_shared>>)
      tpu.yield
    }) : () -> ()
    %run_scoped3A_33 = arith.constant 1 : i32
    "tpu.region"() ({
      %run_scoped3A_195 = tpu.sem_alloc : memref<!tpu.dma_semaphore, #tpu.memory_space<semaphore_mem>>
      %dma_start3A_196 = tpu.memref_slice %arg4[%run_scoped3A_33, %mul3A_2] : memref<2x320000xi32, #tpu.memory_space<hbm>> -> memref<1x10000xi32, #tpu.memory_space<hbm>>
      %dma_start3A_197 = tpu.memref_squeeze %dma_start3A_196 : memref<1x10000xi32, #tpu.memory_space<hbm>> -> memref<10000xi32, #tpu.memory_space<hbm>>
      %dma_start3A_198 = tpu.memref_slice %arg4[%run_scoped3A_33, %mul3A_2] : memref<2x320000xi32, #tpu.memory_space<hbm>> -> memref<1x10000xi32, #tpu.memory_space<hbm>>
      %dma_start3A_199 = tpu.memref_squeeze %dma_start3A_198 : memref<1x10000xi32, #tpu.memory_space<hbm>> -> memref<10000xi32, #tpu.memory_space<hbm>>
      tpu.enqueue_dma source(%dma_start3A_199 : memref<10000xi32, #tpu.memory_space<hbm>>) target(%arg9 : memref<10000xi32, #tpu.memory_space<vmem>>) target_semaphore(%run_scoped3A_195 : memref<!tpu.dma_semaphore, #tpu.memory_space<semaphore_mem>>)
      %dma_wait3A_200 = tpu.memref_slice %arg4[%run_scoped3A_33, %mul3A_2] : memref<2x320000xi32, #tpu.memory_space<hbm>> -> memref<1x10000xi32, #tpu.memory_space<hbm>>
      %dma_wait3A_201 = tpu.memref_squeeze %dma_wait3A_200 : memref<1x10000xi32, #tpu.memory_space<hbm>> -> memref<10000xi32, #tpu.memory_space<hbm>>
      %dma_wait3A_202 = tpu.memref_slice %arg4[%run_scoped3A_33, %mul3A_2] : memref<2x320000xi32, #tpu.memory_space<hbm>> -> memref<1x10000xi32, #tpu.memory_space<hbm>>
      %dma_wait3A_203 = tpu.memref_squeeze %dma_wait3A_202 : memref<1x10000xi32, #tpu.memory_space<hbm>> -> memref<10000xi32, #tpu.memory_space<hbm>>
      tpu.wait_dma2 semaphore(%run_scoped3A_195 : memref<!tpu.dma_semaphore, #tpu.memory_space<semaphore_mem>>) src(%dma_wait3A_203 : memref<10000xi32, #tpu.memory_space<hbm>>) dst(%arg9 : memref<10000xi32, #tpu.memory_space<vmem>>)
      tpu.yield
    }) : () -> ()
    "tpu.region"() ({
      %run_scoped3A_195 = tpu.sem_alloc : memref<!tpu.dma_semaphore, #tpu.memory_space<semaphore_mem>>
      %dma_start3A_196 = arith.constant 0 : i32
      %dma_start3A_197 = arith.constant 0 : i32
      %dma_start3A_198 = tpu.memref_slice %arg11[%dma_start3A_196, %dma_start3A_197] : memref<640x16xf32, #tpu.memory_space<vmem>> -> memref<632x16xf32, #tpu.memory_space<vmem>>
      %dma_start3A_199 = arith.constant 0 : i32
      %dma_start3A_200 = tpu.memref_slice %arg3[%multiple_of3A, %dma_start3A_199] : memref<10000x128xf32, #tpu.memory_space<hbm>> -> memref<632x16xf32, #tpu.memory_space<hbm>>
      %dma_start3A_201 = arith.constant 0 : i32
      %dma_start3A_202 = arith.constant 0 : i32
      %dma_start3A_203 = tpu.memref_slice %arg11[%dma_start3A_201, %dma_start3A_202] : memref<640x16xf32, #tpu.memory_space<vmem>> -> memref<632x16xf32, #tpu.memory_space<vmem>>
      %dma_start3A_204 = arith.constant 0 : i32
      %dma_start3A_205 = tpu.memref_slice %arg3[%multiple_of3A, %dma_start3A_204] : memref<10000x128xf32, #tpu.memory_space<hbm>> -> memref<632x16xf32, #tpu.memory_space<hbm>>
      tpu.enqueue_dma source(%dma_start3A_205 : memref<632x16xf32, #tpu.memory_space<hbm>>) target(%dma_start3A_203 : memref<632x16xf32, #tpu.memory_space<vmem>>) target_semaphore(%run_scoped3A_195 : memref<!tpu.dma_semaphore, #tpu.memory_space<semaphore_mem>>)
      %dma_wait3A_206 = arith.constant 0 : i32
      %dma_wait3A_207 = arith.constant 0 : i32
      %dma_wait3A_208 = tpu.memref_slice %arg11[%dma_wait3A_206, %dma_wait3A_207] : memref<640x16xf32, #tpu.memory_space<vmem>> -> memref<632x16xf32, #tpu.memory_space<vmem>>
      %dma_wait3A_209 = arith.constant 0 : i32
      %dma_wait3A_210 = tpu.memref_slice %arg3[%multiple_of3A, %dma_wait3A_209] : memref<10000x128xf32, #tpu.memory_space<hbm>> -> memref<632x16xf32, #tpu.memory_space<hbm>>
      %dma_wait3A_211 = arith.constant 0 : i32
      %dma_wait3A_212 = arith.constant 0 : i32
      %dma_wait3A_213 = tpu.memref_slice %arg11[%dma_wait3A_211, %dma_wait3A_212] : memref<640x16xf32, #tpu.memory_space<vmem>> -> memref<632x16xf32, #tpu.memory_space<vmem>>
      %dma_wait3A_214 = arith.constant 0 : i32
      %dma_wait3A_215 = tpu.memref_slice %arg3[%multiple_of3A, %dma_wait3A_214] : memref<10000x128xf32, #tpu.memory_space<hbm>> -> memref<632x16xf32, #tpu.memory_space<hbm>>
      tpu.wait_dma2 semaphore(%run_scoped3A_195 : memref<!tpu.dma_semaphore, #tpu.memory_space<semaphore_mem>>) src(%dma_wait3A_215 : memref<632x16xf32, #tpu.memory_space<hbm>>) dst(%dma_wait3A_213 : memref<632x16xf32, #tpu.memory_space<vmem>>)
      tpu.yield
    }) : () -> ()
    %scan3A = arith.constant 0 : i32
    %scan3A_34 = arith.constant 0 : i32
    %scan3A_35 = arith.constant 40 : i32
    %scan3A_36 = arith.addi %scan3A_34, %scan3A_35 : i32
    %scan3A_37 = arith.constant 1 : i32
    scf.for %scan3A_195 = %scan3A_34 to %scan3A_36 step %scan3A_37  : i32 {
      %mul3A_196 = arith.constant 16 : i32
      %mul3A_197 = arith.muli %scan3A_195, %mul3A_196 : i32
      %add3A_198 = vector.broadcast %mul3A_197 : i32 to vector<16xi32>
      %add3A_199 = arith.addi %iota3A, %add3A_198 : vector<16xi32>
      %gather3A = tpu.vector_load_idx %arg11[%add3A_199, %broadcast_in_dim3A_8] : memref<640x16xf32, #tpu.memory_space<vmem>>[vector<16xi32>, vector<16xi32>], vector<16xf32>,
      %mul3A_200 = arith.constant 16 : i32
      %mul3A_201 = arith.muli %scan3A_195, %mul3A_200 : i32
      %swap3A = arith.index_cast %mul3A_201 : i32 to index
      %swap3A_202 = tpu.vector_load %arg12[%swap3A] {strides = array<i32>} : memref<640xf32, #tpu.memory_space<vmem>>, vector<16xf32>,
      tpu.vector_store %arg12[%swap3A], %gather3A {strides = array<i32>} : memref<640xf32, #tpu.memory_space<vmem>>, vector<16xf32>,
    }
    %scan3A_38 = arith.constant 40 : i32
    "tpu.region"() ({
      %run_scoped3A_195 = tpu.sem_alloc : memref<!tpu.dma_semaphore, #tpu.memory_space<semaphore_mem>>
      %dma_start3A_196 = arith.constant 0 : i32
      %dma_start3A_197 = tpu.memref_slice %arg12[%dma_start3A_196] : memref<640xf32, #tpu.memory_space<vmem>> -> memref<632xf32, #tpu.memory_space<vmem>>
      %dma_start3A_198 = tpu.memref_slice %arg18[%multiple_of3A] : memref<10000xf32, #tpu.memory_space<vmem_shared>> -> memref<632xf32, #tpu.memory_space<vmem_shared>>
      %dma_start3A_199 = tpu.memref_slice %arg18[%multiple_of3A] : memref<10000xf32, #tpu.memory_space<vmem_shared>> -> memref<632xf32, #tpu.memory_space<vmem_shared>>
      %dma_start3A_200 = arith.constant 0 : i32
      %dma_start3A_201 = tpu.memref_slice %arg12[%dma_start3A_200] : memref<640xf32, #tpu.memory_space<vmem>> -> memref<632xf32, #tpu.memory_space<vmem>>
      tpu.enqueue_dma source(%dma_start3A_201 : memref<632xf32, #tpu.memory_space<vmem>>) target(%dma_start3A_199 : memref<632xf32, #tpu.memory_space<vmem_shared>>) target_semaphore(%run_scoped3A_195 : memref<!tpu.dma_semaphore, #tpu.memory_space<semaphore_mem>>)
      %dma_wait3A_202 = arith.constant 0 : i32
      %dma_wait3A_203 = tpu.memref_slice %arg12[%dma_wait3A_202] : memref<640xf32, #tpu.memory_space<vmem>> -> memref<632xf32, #tpu.memory_space<vmem>>
      %dma_wait3A_204 = tpu.memref_slice %arg18[%multiple_of3A] : memref<10000xf32, #tpu.memory_space<vmem_shared>> -> memref<632xf32, #tpu.memory_space<vmem_shared>>
      %dma_wait3A_205 = tpu.memref_slice %arg18[%multiple_of3A] : memref<10000xf32, #tpu.memory_space<vmem_shared>> -> memref<632xf32, #tpu.memory_space<vmem_shared>>
      %dma_wait3A_206 = arith.constant 0 : i32
      %dma_wait3A_207 = tpu.memref_slice %arg12[%dma_wait3A_206] : memref<640xf32, #tpu.memory_space<vmem>> -> memref<632xf32, #tpu.memory_space<vmem>>
      tpu.wait_dma2 semaphore(%run_scoped3A_195 : memref<!tpu.dma_semaphore, #tpu.memory_space<semaphore_mem>>) src(%dma_wait3A_207 : memref<632xf32, #tpu.memory_space<vmem>>) dst(%dma_wait3A_205 : memref<632xf32, #tpu.memory_space<vmem_shared>>)
      tpu.yield
    }) : () -> ()
    %scan3A_39 = arith.constant 0 : i32
    %scan3A_40 = arith.constant 0 : i32
    %scan3A_41 = arith.constant 625 : i32
    %scan3A_42 = arith.addi %scan3A_40, %scan3A_41 : i32
    %scan3A_43 = arith.constant 1 : i32
    scf.for %scan3A_195 = %scan3A_40 to %scan3A_42 step %scan3A_43  : i32 {
      %mul3A_196 = arith.constant 16 : i32
      %mul3A_197 = arith.muli %scan3A_195, %mul3A_196 : i32
      %swap3A = arith.index_cast %mul3A_197 : i32 to index
      %swap3A_198 = tpu.vector_load %arg14[%swap3A] {strides = array<i32>} : memref<10000xf32, #tpu.memory_space<vmem>>, vector<16xf32>,
      tpu.vector_store %arg14[%swap3A], %broadcast_in_dim3A_6 {strides = array<i32>} : memref<10000xf32, #tpu.memory_space<vmem>>, vector<16xf32>,
    }
    %scan3A_44 = arith.constant 625 : i32
    %barrier3A = arith.constant 0 : index
    tpu.barrier barrier_id(%barrier3A)
    "tpu.region"() ({
      %run_scoped3A_195 = tpu.sem_alloc : memref<!tpu.dma_semaphore, #tpu.memory_space<semaphore_mem>>
      tpu.enqueue_dma source(%arg18 : memref<10000xf32, #tpu.memory_space<vmem_shared>>) target(%arg13 : memref<10000xf32, #tpu.memory_space<vmem>>) target_semaphore(%run_scoped3A_195 : memref<!tpu.dma_semaphore, #tpu.memory_space<semaphore_mem>>)
      tpu.wait_dma2 semaphore(%run_scoped3A_195 : memref<!tpu.dma_semaphore, #tpu.memory_space<semaphore_mem>>) src(%arg18 : memref<10000xf32, #tpu.memory_space<vmem_shared>>) dst(%arg13 : memref<10000xf32, #tpu.memory_space<vmem>>)
      tpu.yield
    }) : () -> ()
    %add3A_45 = arith.constant 0 : i32
    %add3A_46 = arith.addi %mul3A_2, %add3A_45 : i32
    %dma_start3A = arith.constant 0 : i32
    %dma_start3A_47 = arith.constant 0 : i32
    %dma_start3A_48 = arith.constant 0 : i32
    %dma_start3A_49 = tpu.memref_slice %arg8[%dma_start3A_47, %dma_start3A_48] : memref<3x80xi32, #tpu.memory_space<vmem>> -> memref<1x80xi32, #tpu.memory_space<vmem>>
    %dma_start3A_50 = tpu.memref_squeeze %dma_start3A_49 : memref<1x80xi32, #tpu.memory_space<vmem>> -> memref<80xi32, #tpu.memory_space<vmem>>
    %dma_start3A_51 = tpu.memref_slice %arg4[%dma_start3A, %add3A_46] : memref<2x320000xi32, #tpu.memory_space<hbm>> -> memref<1x80xi32, #tpu.memory_space<hbm>>
    %dma_start3A_52 = tpu.memref_squeeze %dma_start3A_51 : memref<1x80xi32, #tpu.memory_space<hbm>> -> memref<80xi32, #tpu.memory_space<hbm>>
    %dma_start3A_53 = arith.constant 0 : i32
    %dma_start3A_54 = tpu.memref_slice %arg8[%dma_start3A_47, %dma_start3A_53] : memref<3x80xi32, #tpu.memory_space<vmem>> -> memref<1x80xi32, #tpu.memory_space<vmem>>
    %dma_start3A_55 = tpu.memref_squeeze %dma_start3A_54 : memref<1x80xi32, #tpu.memory_space<vmem>> -> memref<80xi32, #tpu.memory_space<vmem>>
    %dma_start3A_56 = tpu.memref_slice %arg4[%dma_start3A, %add3A_46] : memref<2x320000xi32, #tpu.memory_space<hbm>> -> memref<1x80xi32, #tpu.memory_space<hbm>>
    %dma_start3A_57 = tpu.memref_squeeze %dma_start3A_56 : memref<1x80xi32, #tpu.memory_space<hbm>> -> memref<80xi32, #tpu.memory_space<hbm>>
    tpu.enqueue_dma source(%dma_start3A_57 : memref<80xi32, #tpu.memory_space<hbm>>) target(%dma_start3A_55 : memref<80xi32, #tpu.memory_space<vmem>>) target_semaphore(%arg20 : memref<!tpu.dma_semaphore, #tpu.memory_space<semaphore_mem>>)
    %dma_start3A_58 = arith.constant 0 : i32
    %dma_start3A_59 = arith.constant 0 : i32
    %dma_start3A_60 = arith.constant 0 : i32
    %dma_start3A_61 = tpu.memref_slice %arg10[%dma_start3A_58, %dma_start3A_59, %dma_start3A_60] : memref<3x80x128xbf16, #tpu.memory_space<vmem>> -> memref<1x80x128xbf16, #tpu.memory_space<vmem>>
    %dma_start3A_62 = tpu.memref_squeeze %dma_start3A_61 : memref<1x80x128xbf16, #tpu.memory_space<vmem>> -> memref<80x128xbf16, #tpu.memory_space<vmem>>
    %dma_start3A_63 = arith.constant 0 : i32
    %dma_start3A_64 = tpu.memref_slice %arg9[%dma_start3A_63] : memref<10000xi32, #tpu.memory_space<vmem>> -> memref<80xi32, #tpu.memory_space<vmem>>
    %dma_start3A_65 = arith.constant 0 : i32
    %dma_start3A_66 = arith.constant 0 : i32
    %dma_start3A_67 = tpu.memref_slice %arg2[%dma_start3A_65, %dma_start3A_66] : memref<10000x128xbf16, #tpu.memory_space<hbm>> -> memref<10000x128xbf16, #tpu.memory_space<hbm>>
    tpu.enqueue_indirect_dma source(%dma_start3A_67 : memref<10000x128xbf16, #tpu.memory_space<hbm>>) target(%dma_start3A_62 : memref<80x128xbf16, #tpu.memory_space<vmem>>) offsets(%dma_start3A_64 : memref<80xi32, #tpu.memory_space<vmem>>) semaphore(%arg21 : memref<!tpu.dma_semaphore, #tpu.memory_space<semaphore_mem>>)
    %scan3A_68 = arith.constant 0 : i32
    %scan3A_69 = arith.constant 0 : i32
    %scan3A_70 = arith.constant 125 : i32
    %scan3A_71 = arith.addi %scan3A_69, %scan3A_70 : i32
    %scan3A_72 = arith.constant 1 : i32
    scf.for %scan3A_195 = %scan3A_69 to %scan3A_71 step %scan3A_72  : i32 {
      %add3A_196 = arith.constant 1 : i32
      %add3A_197 = arith.addi %scan3A_195, %add3A_196 : i32
      %lt3A = arith.constant 125 : i32
      %lt3A_198 = arith.cmpi slt, %add3A_197, %lt3A : i32
      %convert_element_type3A = arith.extui %lt3A_198 : i1 to i32
      %cond3A = arith.constant 0 : i32
      %cond3A_199 = arith.cmpi ne, %convert_element_type3A, %cond3A : i32
      scf.if %cond3A_199 {
        %ge3A = arith.constant 3 : i32
        %ge3A_288 = arith.cmpi sge, %add3A_197, %ge3A : i32
        %convert_element_type3A_289 = arith.extui %ge3A_288 : i1 to i32
        %cond3A_290 = arith.constant 0 : i32
        %cond3A_291 = arith.cmpi ne, %convert_element_type3A_289, %cond3A_290 : i32
        scf.if %cond3A_291 {
          %dma_wait3A_318 = arith.constant 0 : i32
          %dma_wait3A_319 = arith.constant 0 : i32
          %dma_wait3A_320 = arith.constant 0 : i32
          %dma_wait3A_321 = tpu.memref_slice %arg10[%dma_wait3A_318, %dma_wait3A_319, %dma_wait3A_320] : memref<3x80x128xbf16, #tpu.memory_space<vmem>> -> memref<1x80x128xbf16, #tpu.memory_space<vmem>>
          %dma_wait3A_322 = tpu.memref_squeeze %dma_wait3A_321 : memref<1x80x128xbf16, #tpu.memory_space<vmem>> -> memref<80x128xbf16, #tpu.memory_space<vmem>>
          %dma_wait3A_323 = arith.constant 0 : i32
          %dma_wait3A_324 = arith.constant 0 : i32
          %dma_wait3A_325 = tpu.memref_slice %arg2[%dma_wait3A_323, %dma_wait3A_324] : memref<10000x128xbf16, #tpu.memory_space<hbm>> -> memref<80x128xbf16, #tpu.memory_space<hbm>>
          %dma_wait3A_326 = arith.constant 0 : i32
          %dma_wait3A_327 = arith.constant 0 : i32
          %dma_wait3A_328 = tpu.memref_slice %arg10[%dma_wait3A_318, %dma_wait3A_326, %dma_wait3A_327] : memref<3x80x128xbf16, #tpu.memory_space<vmem>> -> memref<1x80x128xbf16, #tpu.memory_space<vmem>>
          %dma_wait3A_329 = tpu.memref_squeeze %dma_wait3A_328 : memref<1x80x128xbf16, #tpu.memory_space<vmem>> -> memref<80x128xbf16, #tpu.memory_space<vmem>>
          %dma_wait3A_330 = arith.constant 0 : i32
          %dma_wait3A_331 = arith.constant 0 : i32
          %dma_wait3A_332 = tpu.memref_slice %arg2[%dma_wait3A_330, %dma_wait3A_331] : memref<10000x128xbf16, #tpu.memory_space<hbm>> -> memref<80x128xbf16, #tpu.memory_space<hbm>>
          tpu.wait_dma2 semaphore(%arg22 : memref<!tpu.dma_semaphore, #tpu.memory_space<semaphore_mem>>) src(%dma_wait3A_332 : memref<80x128xbf16, #tpu.memory_space<hbm>>) dst(%dma_wait3A_329 : memref<80x128xbf16, #tpu.memory_space<vmem>>)
        } else {
        }
        %rem3A_292 = arith.constant 3 : i32
        %rem3A_293 = arith.remsi %add3A_197, %rem3A_292 : i32
        %mul3A_294 = arith.constant 80 : i32
        %mul3A_295 = arith.muli %add3A_197, %mul3A_294 : i32
        %add3A_296 = arith.addi %mul3A_2, %mul3A_295 : i32
        %dma_start3A_297 = arith.constant 0 : i32
        %dma_start3A_298 = arith.constant 0 : i32
        %dma_start3A_299 = tpu.memref_slice %arg8[%rem3A_293, %dma_start3A_298] : memref<3x80xi32, #tpu.memory_space<vmem>> -> memref<1x80xi32, #tpu.memory_space<vmem>>
        %dma_start3A_300 = tpu.memref_squeeze %dma_start3A_299 : memref<1x80xi32, #tpu.memory_space<vmem>> -> memref<80xi32, #tpu.memory_space<vmem>>
        %dma_start3A_301 = tpu.memref_slice %arg4[%dma_start3A_297, %add3A_296] : memref<2x320000xi32, #tpu.memory_space<hbm>> -> memref<1x80xi32, #tpu.memory_space<hbm>>
        %dma_start3A_302 = tpu.memref_squeeze %dma_start3A_301 : memref<1x80xi32, #tpu.memory_space<hbm>> -> memref<80xi32, #tpu.memory_space<hbm>>
        %dma_start3A_303 = arith.constant 0 : i32
        %dma_start3A_304 = tpu.memref_slice %arg8[%rem3A_293, %dma_start3A_303] : memref<3x80xi32, #tpu.memory_space<vmem>> -> memref<1x80xi32, #tpu.memory_space<vmem>>
        %dma_start3A_305 = tpu.memref_squeeze %dma_start3A_304 : memref<1x80xi32, #tpu.memory_space<vmem>> -> memref<80xi32, #tpu.memory_space<vmem>>
        %dma_start3A_306 = tpu.memref_slice %arg4[%dma_start3A_297, %add3A_296] : memref<2x320000xi32, #tpu.memory_space<hbm>> -> memref<1x80xi32, #tpu.memory_space<hbm>>
        %dma_start3A_307 = tpu.memref_squeeze %dma_start3A_306 : memref<1x80xi32, #tpu.memory_space<hbm>> -> memref<80xi32, #tpu.memory_space<hbm>>
        tpu.enqueue_dma source(%dma_start3A_307 : memref<80xi32, #tpu.memory_space<hbm>>) target(%dma_start3A_305 : memref<80xi32, #tpu.memory_space<vmem>>) target_semaphore(%arg20 : memref<!tpu.dma_semaphore, #tpu.memory_space<semaphore_mem>>)
        %mul3A_308 = arith.constant 80 : i32
        %mul3A_309 = arith.muli %add3A_197, %mul3A_308 : i32
        %dma_start3A_310 = arith.constant 0 : i32
        %dma_start3A_311 = arith.constant 0 : i32
        %dma_start3A_312 = tpu.memref_slice %arg10[%rem3A_293, %dma_start3A_310, %dma_start3A_311] : memref<3x80x128xbf16, #tpu.memory_space<vmem>> -> memref<1x80x128xbf16, #tpu.memory_space<vmem>>
        %dma_start3A_313 = tpu.memref_squeeze %dma_start3A_312 : memref<1x80x128xbf16, #tpu.memory_space<vmem>> -> memref<80x128xbf16, #tpu.memory_space<vmem>>
        %dma_start3A_314 = tpu.memref_slice %arg9[%mul3A_309] : memref<10000xi32, #tpu.memory_space<vmem>> -> memref<80xi32, #tpu.memory_space<vmem>>
        %dma_start3A_315 = arith.constant 0 : i32
        %dma_start3A_316 = arith.constant 0 : i32
        %dma_start3A_317 = tpu.memref_slice %arg2[%dma_start3A_315, %dma_start3A_316] : memref<10000x128xbf16, #tpu.memory_space<hbm>> -> memref<10000x128xbf16, #tpu.memory_space<hbm>>
        tpu.enqueue_indirect_dma source(%dma_start3A_317 : memref<10000x128xbf16, #tpu.memory_space<hbm>>) target(%dma_start3A_313 : memref<80x128xbf16, #tpu.memory_space<vmem>>) offsets(%dma_start3A_314 : memref<80xi32, #tpu.memory_space<vmem>>) semaphore(%arg21 : memref<!tpu.dma_semaphore, #tpu.memory_space<semaphore_mem>>)
      } else {
      }
      %dma_wait3A_200 = arith.constant 0 : i32
      %dma_wait3A_201 = arith.constant 0 : i32
      %dma_wait3A_202 = arith.constant 0 : i32
      %dma_wait3A_203 = tpu.memref_slice %arg10[%dma_wait3A_200, %dma_wait3A_201, %dma_wait3A_202] : memref<3x80x128xbf16, #tpu.memory_space<vmem>> -> memref<1x80x128xbf16, #tpu.memory_space<vmem>>
      %dma_wait3A_204 = tpu.memref_squeeze %dma_wait3A_203 : memref<1x80x128xbf16, #tpu.memory_space<vmem>> -> memref<80x128xbf16, #tpu.memory_space<vmem>>
      %dma_wait3A_205 = arith.constant 0 : i32
      %dma_wait3A_206 = arith.constant 0 : i32
      %dma_wait3A_207 = tpu.memref_slice %arg2[%dma_wait3A_205, %dma_wait3A_206] : memref<10000x128xbf16, #tpu.memory_space<hbm>> -> memref<80x128xbf16, #tpu.memory_space<hbm>>
      %dma_wait3A_208 = arith.constant 0 : i32
      %dma_wait3A_209 = arith.constant 0 : i32
      %dma_wait3A_210 = tpu.memref_slice %arg10[%dma_wait3A_200, %dma_wait3A_208, %dma_wait3A_209] : memref<3x80x128xbf16, #tpu.memory_space<vmem>> -> memref<1x80x128xbf16, #tpu.memory_space<vmem>>
      %dma_wait3A_211 = tpu.memref_squeeze %dma_wait3A_210 : memref<1x80x128xbf16, #tpu.memory_space<vmem>> -> memref<80x128xbf16, #tpu.memory_space<vmem>>
      %dma_wait3A_212 = arith.constant 0 : i32
      %dma_wait3A_213 = arith.constant 0 : i32
      %dma_wait3A_214 = tpu.memref_slice %arg2[%dma_wait3A_212, %dma_wait3A_213] : memref<10000x128xbf16, #tpu.memory_space<hbm>> -> memref<80x128xbf16, #tpu.memory_space<hbm>>
      tpu.wait_dma2 semaphore(%arg21 : memref<!tpu.dma_semaphore, #tpu.memory_space<semaphore_mem>>) src(%dma_wait3A_214 : memref<80x128xbf16, #tpu.memory_space<hbm>>) dst(%dma_wait3A_211 : memref<80x128xbf16, #tpu.memory_space<vmem>>)
      %dma_wait3A_215 = arith.constant 0 : i32
      %dma_wait3A_216 = arith.constant 0 : i32
      %dma_wait3A_217 = tpu.memref_slice %arg8[%dma_wait3A_215, %dma_wait3A_216] : memref<3x80xi32, #tpu.memory_space<vmem>> -> memref<1x80xi32, #tpu.memory_space<vmem>>
      %dma_wait3A_218 = tpu.memref_squeeze %dma_wait3A_217 : memref<1x80xi32, #tpu.memory_space<vmem>> -> memref<80xi32, #tpu.memory_space<vmem>>
      %dma_wait3A_219 = arith.constant 0 : i32
      %dma_wait3A_220 = arith.constant 0 : i32
      %dma_wait3A_221 = tpu.memref_slice %arg2[%dma_wait3A_219, %dma_wait3A_220] : memref<10000x128xbf16, #tpu.memory_space<hbm>> -> memref<80x128xbf16, #tpu.memory_space<hbm>>
      %dma_wait3A_222 = arith.constant 0 : i32
      %dma_wait3A_223 = tpu.memref_slice %arg8[%dma_wait3A_215, %dma_wait3A_222] : memref<3x80xi32, #tpu.memory_space<vmem>> -> memref<1x80xi32, #tpu.memory_space<vmem>>
      %dma_wait3A_224 = tpu.memref_squeeze %dma_wait3A_223 : memref<1x80xi32, #tpu.memory_space<vmem>> -> memref<80xi32, #tpu.memory_space<vmem>>
      %dma_wait3A_225 = arith.constant 0 : i32
      %dma_wait3A_226 = arith.constant 0 : i32
      %dma_wait3A_227 = tpu.memref_slice %arg2[%dma_wait3A_225, %dma_wait3A_226] : memref<10000x128xbf16, #tpu.memory_space<hbm>> -> memref<80x128xbf16, #tpu.memory_space<hbm>>
      tpu.wait_dma2 semaphore(%arg20 : memref<!tpu.dma_semaphore, #tpu.memory_space<semaphore_mem>>) src(%dma_wait3A_227 : memref<80x128xbf16, #tpu.memory_space<hbm>>) dst(%dma_wait3A_224 : memref<80xi32, #tpu.memory_space<vmem>>)
      %rem3A_228 = arith.constant 3 : i32
      %rem3A_229 = arith.remsi %scan3A_195, %rem3A_228 : i32
      %dma_start3A_230 = arith.constant 0 : i32
      %dma_start3A_231 = arith.constant 0 : i32
      %dma_start3A_232 = tpu.memref_slice %arg10[%rem3A_229, %dma_start3A_230, %dma_start3A_231] : memref<3x80x128xbf16, #tpu.memory_space<vmem>> -> memref<1x80x128xbf16, #tpu.memory_space<vmem>>
      %dma_start3A_233 = tpu.memref_squeeze %dma_start3A_232 : memref<1x80x128xbf16, #tpu.memory_space<vmem>> -> memref<80x128xbf16, #tpu.memory_space<vmem>>
      %dma_start3A_234 = arith.constant 0 : i32
      %dma_start3A_235 = tpu.memref_slice %arg8[%rem3A_229, %dma_start3A_234] : memref<3x80xi32, #tpu.memory_space<vmem>> -> memref<1x80xi32, #tpu.memory_space<vmem>>
      %dma_start3A_236 = tpu.memref_squeeze %dma_start3A_235 : memref<1x80xi32, #tpu.memory_space<vmem>> -> memref<80xi32, #tpu.memory_space<vmem>>
      %dma_start3A_237 = arith.constant 0 : i32
      %dma_start3A_238 = arith.constant 0 : i32
      %dma_start3A_239 = tpu.memref_slice %arg17[%dma_start3A_237, %dma_start3A_238] : memref<10000x128xbf16, #tpu.memory_space<vmem_shared>> -> memref<10000x128xbf16, #tpu.memory_space<vmem_shared>>
      tpu.enqueue_indirect_dma source(%dma_start3A_233 : memref<80x128xbf16, #tpu.memory_space<vmem>>) target(%dma_start3A_239 : memref<10000x128xbf16, #tpu.memory_space<vmem_shared>>) offsets(%dma_start3A_236 : memref<80xi32, #tpu.memory_space<vmem>>) semaphore(%arg22 : memref<!tpu.dma_semaphore, #tpu.memory_space<semaphore_mem>>) {add = true}
      %get3A = arith.index_cast %rem3A_229 : i32 to index
      %get3A_240 = arith.constant 0 : index
      %get3A_241 = tpu.vector_load %arg8[%get3A, %get3A_240] {strides = array<i32>} : memref<3x80xi32, #tpu.memory_space<vmem>>, vector<16xi32>,
      %mul3A_242 = arith.constant 80 : i32
      %mul3A_243 = arith.muli %scan3A_195, %mul3A_242 : i32
      %add3A_244 = arith.constant 0 : i32
      %add3A_245 = arith.addi %mul3A_243, %add3A_244 : i32
      %get3A_246 = arith.index_cast %add3A_245 : i32 to index
      %get3A_247 = tpu.vector_load %arg9[%get3A_246] {strides = array<i32>} : memref<10000xi32, #tpu.memory_space<vmem>>, vector<16xi32>,
      %gather3A = tpu.vector_load_idx %arg13[%get3A_247] : memref<10000xf32, #tpu.memory_space<vmem>>[vector<16xi32>], vector<16xf32>,
      tpu.vector_store_idx %arg14[%get3A_241], %gather3A {add = true} : memref<10000xf32, #tpu.memory_space<vmem>>[vector<16xi32>], vector<16xf32>,
      %get3A_248 = arith.index_cast %rem3A_229 : i32 to index
      %get3A_249 = arith.constant 16 : index
      %get3A_250 = tpu.vector_load %arg8[%get3A_248, %get3A_249] {strides = array<i32>} : memref<3x80xi32, #tpu.memory_space<vmem>>, vector<16xi32>,
      %mul3A_251 = arith.constant 80 : i32
      %mul3A_252 = arith.muli %scan3A_195, %mul3A_251 : i32
      %add3A_253 = arith.constant 16 : i32
      %add3A_254 = arith.addi %mul3A_252, %add3A_253 : i32
      %get3A_255 = arith.index_cast %add3A_254 : i32 to index
      %get3A_256 = tpu.vector_load %arg9[%get3A_255] {strides = array<i32>} : memref<10000xi32, #tpu.memory_space<vmem>>, vector<16xi32>,
      %gather3A_257 = tpu.vector_load_idx %arg13[%get3A_256] : memref<10000xf32, #tpu.memory_space<vmem>>[vector<16xi32>], vector<16xf32>,
      tpu.vector_store_idx %arg14[%get3A_250], %gather3A_257 {add = true} : memref<10000xf32, #tpu.memory_space<vmem>>[vector<16xi32>], vector<16xf32>,
      %get3A_258 = arith.index_cast %rem3A_229 : i32 to index
      %get3A_259 = arith.constant 32 : index
      %get3A_260 = tpu.vector_load %arg8[%get3A_258, %get3A_259] {strides = array<i32>} : memref<3x80xi32, #tpu.memory_space<vmem>>, vector<16xi32>,
      %mul3A_261 = arith.constant 80 : i32
      %mul3A_262 = arith.muli %scan3A_195, %mul3A_261 : i32
      %add3A_263 = arith.constant 32 : i32
      %add3A_264 = arith.addi %mul3A_262, %add3A_263 : i32
      %get3A_265 = arith.index_cast %add3A_264 : i32 to index
      %get3A_266 = tpu.vector_load %arg9[%get3A_265] {strides = array<i32>} : memref<10000xi32, #tpu.memory_space<vmem>>, vector<16xi32>,
      %gather3A_267 = tpu.vector_load_idx %arg13[%get3A_266] : memref<10000xf32, #tpu.memory_space<vmem>>[vector<16xi32>], vector<16xf32>,
      tpu.vector_store_idx %arg14[%get3A_260], %gather3A_267 {add = true} : memref<10000xf32, #tpu.memory_space<vmem>>[vector<16xi32>], vector<16xf32>,
      %get3A_268 = arith.index_cast %rem3A_229 : i32 to index
      %get3A_269 = arith.constant 48 : index
      %get3A_270 = tpu.vector_load %arg8[%get3A_268, %get3A_269] {strides = array<i32>} : memref<3x80xi32, #tpu.memory_space<vmem>>, vector<16xi32>,
      %mul3A_271 = arith.constant 80 : i32
      %mul3A_272 = arith.muli %scan3A_195, %mul3A_271 : i32
      %add3A_273 = arith.constant 48 : i32
      %add3A_274 = arith.addi %mul3A_272, %add3A_273 : i32
      %get3A_275 = arith.index_cast %add3A_274 : i32 to index
      %get3A_276 = tpu.vector_load %arg9[%get3A_275] {strides = array<i32>} : memref<10000xi32, #tpu.memory_space<vmem>>, vector<16xi32>,
      %gather3A_277 = tpu.vector_load_idx %arg13[%get3A_276] : memref<10000xf32, #tpu.memory_space<vmem>>[vector<16xi32>], vector<16xf32>,
      tpu.vector_store_idx %arg14[%get3A_270], %gather3A_277 {add = true} : memref<10000xf32, #tpu.memory_space<vmem>>[vector<16xi32>], vector<16xf32>,
      %get3A_278 = arith.index_cast %rem3A_229 : i32 to index
      %get3A_279 = arith.constant 64 : index
      %get3A_280 = tpu.vector_load %arg8[%get3A_278, %get3A_279] {strides = array<i32>} : memref<3x80xi32, #tpu.memory_space<vmem>>, vector<16xi32>,
      %mul3A_281 = arith.constant 80 : i32
      %mul3A_282 = arith.muli %scan3A_195, %mul3A_281 : i32
      %add3A_283 = arith.constant 64 : i32
      %add3A_284 = arith.addi %mul3A_282, %add3A_283 : i32
      %get3A_285 = arith.index_cast %add3A_284 : i32 to index
      %get3A_286 = tpu.vector_load %arg9[%get3A_285] {strides = array<i32>} : memref<10000xi32, #tpu.memory_space<vmem>>, vector<16xi32>,
      %gather3A_287 = tpu.vector_load_idx %arg13[%get3A_286] : memref<10000xf32, #tpu.memory_space<vmem>>[vector<16xi32>], vector<16xf32>,
      tpu.vector_store_idx %arg14[%get3A_280], %gather3A_287 {add = true} : memref<10000xf32, #tpu.memory_space<vmem>>[vector<16xi32>], vector<16xf32>,
    }
    %scan3A_73 = arith.constant 125 : i32
    %dma_wait3A = arith.constant 0 : i32
    %dma_wait3A_74 = arith.constant 0 : i32
    %dma_wait3A_75 = arith.constant 0 : i32
    %dma_wait3A_76 = tpu.memref_slice %arg10[%dma_wait3A, %dma_wait3A_74, %dma_wait3A_75] : memref<3x80x128xbf16, #tpu.memory_space<vmem>> -> memref<1x80x128xbf16, #tpu.memory_space<vmem>>
    %dma_wait3A_77 = tpu.memref_squeeze %dma_wait3A_76 : memref<1x80x128xbf16, #tpu.memory_space<vmem>> -> memref<80x128xbf16, #tpu.memory_space<vmem>>
    %dma_wait3A_78 = arith.constant 0 : i32
    %dma_wait3A_79 = arith.constant 0 : i32
    %dma_wait3A_80 = tpu.memref_slice %arg2[%dma_wait3A_78, %dma_wait3A_79] : memref<10000x128xbf16, #tpu.memory_space<hbm>> -> memref<80x128xbf16, #tpu.memory_space<hbm>>
    %dma_wait3A_81 = arith.constant 0 : i32
    %dma_wait3A_82 = arith.constant 0 : i32
    %dma_wait3A_83 = tpu.memref_slice %arg10[%dma_wait3A, %dma_wait3A_81, %dma_wait3A_82] : memref<3x80x128xbf16, #tpu.memory_space<vmem>> -> memref<1x80x128xbf16, #tpu.memory_space<vmem>>
    %dma_wait3A_84 = tpu.memref_squeeze %dma_wait3A_83 : memref<1x80x128xbf16, #tpu.memory_space<vmem>> -> memref<80x128xbf16, #tpu.memory_space<vmem>>
    %dma_wait3A_85 = arith.constant 0 : i32
    %dma_wait3A_86 = arith.constant 0 : i32
    %dma_wait3A_87 = tpu.memref_slice %arg2[%dma_wait3A_85, %dma_wait3A_86] : memref<10000x128xbf16, #tpu.memory_space<hbm>> -> memref<80x128xbf16, #tpu.memory_space<hbm>>
    tpu.wait_dma2 semaphore(%arg22 : memref<!tpu.dma_semaphore, #tpu.memory_space<semaphore_mem>>) src(%dma_wait3A_87 : memref<80x128xbf16, #tpu.memory_space<hbm>>) dst(%dma_wait3A_84 : memref<80x128xbf16, #tpu.memory_space<vmem>>)
    %dma_wait3A_88 = arith.constant 0 : i32
    %dma_wait3A_89 = arith.constant 0 : i32
    %dma_wait3A_90 = arith.constant 0 : i32
    %dma_wait3A_91 = tpu.memref_slice %arg10[%dma_wait3A_88, %dma_wait3A_89, %dma_wait3A_90] : memref<3x80x128xbf16, #tpu.memory_space<vmem>> -> memref<1x80x128xbf16, #tpu.memory_space<vmem>>
    %dma_wait3A_92 = tpu.memref_squeeze %dma_wait3A_91 : memref<1x80x128xbf16, #tpu.memory_space<vmem>> -> memref<80x128xbf16, #tpu.memory_space<vmem>>
    %dma_wait3A_93 = arith.constant 0 : i32
    %dma_wait3A_94 = arith.constant 0 : i32
    %dma_wait3A_95 = tpu.memref_slice %arg2[%dma_wait3A_93, %dma_wait3A_94] : memref<10000x128xbf16, #tpu.memory_space<hbm>> -> memref<80x128xbf16, #tpu.memory_space<hbm>>
    %dma_wait3A_96 = arith.constant 0 : i32
    %dma_wait3A_97 = arith.constant 0 : i32
    %dma_wait3A_98 = tpu.memref_slice %arg10[%dma_wait3A_88, %dma_wait3A_96, %dma_wait3A_97] : memref<3x80x128xbf16, #tpu.memory_space<vmem>> -> memref<1x80x128xbf16, #tpu.memory_space<vmem>>
    %dma_wait3A_99 = tpu.memref_squeeze %dma_wait3A_98 : memref<1x80x128xbf16, #tpu.memory_space<vmem>> -> memref<80x128xbf16, #tpu.memory_space<vmem>>
    %dma_wait3A_100 = arith.constant 0 : i32
    %dma_wait3A_101 = arith.constant 0 : i32
    %dma_wait3A_102 = tpu.memref_slice %arg2[%dma_wait3A_100, %dma_wait3A_101] : memref<10000x128xbf16, #tpu.memory_space<hbm>> -> memref<80x128xbf16, #tpu.memory_space<hbm>>
    tpu.wait_dma2 semaphore(%arg22 : memref<!tpu.dma_semaphore, #tpu.memory_space<semaphore_mem>>) src(%dma_wait3A_102 : memref<80x128xbf16, #tpu.memory_space<hbm>>) dst(%dma_wait3A_99 : memref<80x128xbf16, #tpu.memory_space<vmem>>)
    %dma_wait3A_103 = arith.constant 0 : i32
    %dma_wait3A_104 = arith.constant 0 : i32
    %dma_wait3A_105 = arith.constant 0 : i32
    %dma_wait3A_106 = tpu.memref_slice %arg10[%dma_wait3A_103, %dma_wait3A_104, %dma_wait3A_105] : memref<3x80x128xbf16, #tpu.memory_space<vmem>> -> memref<1x80x128xbf16, #tpu.memory_space<vmem>>
    %dma_wait3A_107 = tpu.memref_squeeze %dma_wait3A_106 : memref<1x80x128xbf16, #tpu.memory_space<vmem>> -> memref<80x128xbf16, #tpu.memory_space<vmem>>
    %dma_wait3A_108 = arith.constant 0 : i32
    %dma_wait3A_109 = arith.constant 0 : i32
    %dma_wait3A_110 = tpu.memref_slice %arg2[%dma_wait3A_108, %dma_wait3A_109] : memref<10000x128xbf16, #tpu.memory_space<hbm>> -> memref<80x128xbf16, #tpu.memory_space<hbm>>
    %dma_wait3A_111 = arith.constant 0 : i32
    %dma_wait3A_112 = arith.constant 0 : i32
    %dma_wait3A_113 = tpu.memref_slice %arg10[%dma_wait3A_103, %dma_wait3A_111, %dma_wait3A_112] : memref<3x80x128xbf16, #tpu.memory_space<vmem>> -> memref<1x80x128xbf16, #tpu.memory_space<vmem>>
    %dma_wait3A_114 = tpu.memref_squeeze %dma_wait3A_113 : memref<1x80x128xbf16, #tpu.memory_space<vmem>> -> memref<80x128xbf16, #tpu.memory_space<vmem>>
    %dma_wait3A_115 = arith.constant 0 : i32
    %dma_wait3A_116 = arith.constant 0 : i32
    %dma_wait3A_117 = tpu.memref_slice %arg2[%dma_wait3A_115, %dma_wait3A_116] : memref<10000x128xbf16, #tpu.memory_space<hbm>> -> memref<80x128xbf16, #tpu.memory_space<hbm>>
    tpu.wait_dma2 semaphore(%arg22 : memref<!tpu.dma_semaphore, #tpu.memory_space<semaphore_mem>>) src(%dma_wait3A_117 : memref<80x128xbf16, #tpu.memory_space<hbm>>) dst(%dma_wait3A_114 : memref<80x128xbf16, #tpu.memory_space<vmem>>)
    "tpu.region"() ({
      %run_scoped3A_195 = tpu.sem_alloc : memref<!tpu.dma_semaphore, #tpu.memory_space<semaphore_mem>>
      %dma_start3A_196 = arith.constant 0 : i32
      %dma_start3A_197 = tpu.memref_slice %arg19[%arg1, %dma_start3A_196] : memref<16x10000xf32, #tpu.memory_space<vmem_shared>> -> memref<1x10000xf32, #tpu.memory_space<vmem_shared>>
      %dma_start3A_198 = tpu.memref_squeeze %dma_start3A_197 : memref<1x10000xf32, #tpu.memory_space<vmem_shared>> -> memref<10000xf32, #tpu.memory_space<vmem_shared>>
      %dma_start3A_199 = arith.constant 0 : i32
      %dma_start3A_200 = tpu.memref_slice %arg19[%arg1, %dma_start3A_199] : memref<16x10000xf32, #tpu.memory_space<vmem_shared>> -> memref<1x10000xf32, #tpu.memory_space<vmem_shared>>
      %dma_start3A_201 = tpu.memref_squeeze %dma_start3A_200 : memref<1x10000xf32, #tpu.memory_space<vmem_shared>> -> memref<10000xf32, #tpu.memory_space<vmem_shared>>
      tpu.enqueue_dma source(%arg14 : memref<10000xf32, #tpu.memory_space<vmem>>) target(%dma_start3A_201 : memref<10000xf32, #tpu.memory_space<vmem_shared>>) target_semaphore(%run_scoped3A_195 : memref<!tpu.dma_semaphore, #tpu.memory_space<semaphore_mem>>)
      %dma_wait3A_202 = arith.constant 0 : i32
      %dma_wait3A_203 = tpu.memref_slice %arg19[%arg1, %dma_wait3A_202] : memref<16x10000xf32, #tpu.memory_space<vmem_shared>> -> memref<1x10000xf32, #tpu.memory_space<vmem_shared>>
      %dma_wait3A_204 = tpu.memref_squeeze %dma_wait3A_203 : memref<1x10000xf32, #tpu.memory_space<vmem_shared>> -> memref<10000xf32, #tpu.memory_space<vmem_shared>>
      %dma_wait3A_205 = arith.constant 0 : i32
      %dma_wait3A_206 = tpu.memref_slice %arg19[%arg1, %dma_wait3A_205] : memref<16x10000xf32, #tpu.memory_space<vmem_shared>> -> memref<1x10000xf32, #tpu.memory_space<vmem_shared>>
      %dma_wait3A_207 = tpu.memref_squeeze %dma_wait3A_206 : memref<1x10000xf32, #tpu.memory_space<vmem_shared>> -> memref<10000xf32, #tpu.memory_space<vmem_shared>>
      tpu.wait_dma2 semaphore(%run_scoped3A_195 : memref<!tpu.dma_semaphore, #tpu.memory_space<semaphore_mem>>) src(%arg14 : memref<10000xf32, #tpu.memory_space<vmem>>) dst(%dma_wait3A_207 : memref<10000xf32, #tpu.memory_space<vmem_shared>>)
      tpu.yield
    }) : () -> ()
    %barrier3A_118 = arith.constant 0 : index
    tpu.barrier barrier_id(%barrier3A_118)
    %run_scoped3A_119 = arith.constant 0 : i32
    %run_scoped3A_120 = arith.constant 0 : i32
    "tpu.region"() ({
      %run_scoped3A_195 = tpu.sem_alloc : memref<!tpu.dma_semaphore, #tpu.memory_space<semaphore_mem>>
      %dma_start3A_196 = arith.constant 0 : i32
      %dma_start3A_197 = tpu.memref_slice %arg16[%run_scoped3A_120, %dma_start3A_196] : memref<16x640xf32, #tpu.memory_space<vmem>> -> memref<1x632xf32, #tpu.memory_space<vmem>>
      %dma_start3A_198 = tpu.memref_squeeze %dma_start3A_197 : memref<1x632xf32, #tpu.memory_space<vmem>> -> memref<632xf32, #tpu.memory_space<vmem>>
      %dma_start3A_199 = tpu.memref_slice %arg19[%run_scoped3A_119, %multiple_of3A] : memref<16x10000xf32, #tpu.memory_space<vmem_shared>> -> memref<1x632xf32, #tpu.memory_space<vmem_shared>>
      %dma_start3A_200 = tpu.memref_squeeze %dma_start3A_199 : memref<1x632xf32, #tpu.memory_space<vmem_shared>> -> memref<632xf32, #tpu.memory_space<vmem_shared>>
      %dma_start3A_201 = arith.constant 0 : i32
      %dma_start3A_202 = tpu.memref_slice %arg16[%run_scoped3A_120, %dma_start3A_201] : memref<16x640xf32, #tpu.memory_space<vmem>> -> memref<1x632xf32, #tpu.memory_space<vmem>>
      %dma_start3A_203 = tpu.memref_squeeze %dma_start3A_202 : memref<1x632xf32, #tpu.memory_space<vmem>> -> memref<632xf32, #tpu.memory_space<vmem>>
      %dma_start3A_204 = tpu.memref_slice %arg19[%run_scoped3A_119, %multiple_of3A] : memref<16x10000xf32, #tpu.memory_space<vmem_shared>> -> memref<1x632xf32, #tpu.memory_space<vmem_shared>>
      %dma_start3A_205 = tpu.memref_squeeze %dma_start3A_204 : memref<1x632xf32, #tpu.memory_space<vmem_shared>> -> memref<632xf32, #tpu.memory_space<vmem_shared>>
      tpu.enqueue_dma source(%dma_start3A_205 : memref<632xf32, #tpu.memory_space<vmem_shared>>) target(%dma_start3A_203 : memref<632xf32, #tpu.memory_space<vmem>>) target_semaphore(%run_scoped3A_195 : memref<!tpu.dma_semaphore, #tpu.memory_space<semaphore_mem>>)
      %dma_wait3A_206 = arith.constant 0 : i32
      %dma_wait3A_207 = tpu.memref_slice %arg16[%run_scoped3A_120, %dma_wait3A_206] : memref<16x640xf32, #tpu.memory_space<vmem>> -> memref<1x632xf32, #tpu.memory_space<vmem>>
      %dma_wait3A_208 = tpu.memref_squeeze %dma_wait3A_207 : memref<1x632xf32, #tpu.memory_space<vmem>> -> memref<632xf32, #tpu.memory_space<vmem>>
      %dma_wait3A_209 = tpu.memref_slice %arg19[%run_scoped3A_119, %multiple_of3A] : memref<16x10000xf32, #tpu.memory_space<vmem_shared>> -> memref<1x632xf32, #tpu.memory_space<vmem_shared>>
      %dma_wait3A_210 = tpu.memref_squeeze %dma_wait3A_209 : memref<1x632xf32, #tpu.memory_space<vmem_shared>> -> memref<632xf32, #tpu.memory_space<vmem_shared>>
      %dma_wait3A_211 = arith.constant 0 : i32
      %dma_wait3A_212 = tpu.memref_slice %arg16[%run_scoped3A_120, %dma_wait3A_211] : memref<16x640xf32, #tpu.memory_space<vmem>> -> memref<1x632xf32, #tpu.memory_space<vmem>>
      %dma_wait3A_213 = tpu.memref_squeeze %dma_wait3A_212 : memref<1x632xf32, #tpu.memory_space<vmem>> -> memref<632xf32, #tpu.memory_space<vmem>>
      %dma_wait3A_214 = tpu.memref_slice %arg19[%run_scoped3A_119, %multiple_of3A] : memref<16x10000xf32, #tpu.memory_space<vmem_shared>> -> memref<1x632xf32, #tpu.memory_space<vmem_shared>>
      %dma_wait3A_215 = tpu.memref_squeeze %dma_wait3A_214 : memref<1x632xf32, #tpu.memory_space<vmem_shared>> -> memref<632xf32, #tpu.memory_space<vmem_shared>>
      tpu.wait_dma2 semaphore(%run_scoped3A_195 : memref<!tpu.dma_semaphore, #tpu.memory_space<semaphore_mem>>) src(%dma_wait3A_215 : memref<632xf32, #tpu.memory_space<vmem_shared>>) dst(%dma_wait3A_213 : memref<632xf32, #tpu.memory_space<vmem>>)
      tpu.yield
    }) : () -> ()
    %run_scoped3A_121 = arith.constant 1 : i32
    %run_scoped3A_122 = arith.constant 1 : i32
    "tpu.region"() ({
      %run_scoped3A_195 = tpu.sem_alloc : memref<!tpu.dma_semaphore, #tpu.memory_space<semaphore_mem>>
      %dma_start3A_196 = arith.constant 0 : i32
      %dma_start3A_197 = tpu.memref_slice %arg16[%run_scoped3A_122, %dma_start3A_196] : memref<16x640xf32, #tpu.memory_space<vmem>> -> memref<1x632xf32, #tpu.memory_space<vmem>>
      %dma_start3A_198 = tpu.memref_squeeze %dma_start3A_197 : memref<1x632xf32, #tpu.memory_space<vmem>> -> memref<632xf32, #tpu.memory_space<vmem>>
      %dma_start3A_199 = tpu.memref_slice %arg19[%run_scoped3A_121, %multiple_of3A] : memref<16x10000xf32, #tpu.memory_space<vmem_shared>> -> memref<1x632xf32, #tpu.memory_space<vmem_shared>>
      %dma_start3A_200 = tpu.memref_squeeze %dma_start3A_199 : memref<1x632xf32, #tpu.memory_space<vmem_shared>> -> memref<632xf32, #tpu.memory_space<vmem_shared>>
      %dma_start3A_201 = arith.constant 0 : i32
      %dma_start3A_202 = tpu.memref_slice %arg16[%run_scoped3A_122, %dma_start3A_201] : memref<16x640xf32, #tpu.memory_space<vmem>> -> memref<1x632xf32, #tpu.memory_space<vmem>>
      %dma_start3A_203 = tpu.memref_squeeze %dma_start3A_202 : memref<1x632xf32, #tpu.memory_space<vmem>> -> memref<632xf32, #tpu.memory_space<vmem>>
      %dma_start3A_204 = tpu.memref_slice %arg19[%run_scoped3A_121, %multiple_of3A] : memref<16x10000xf32, #tpu.memory_space<vmem_shared>> -> memref<1x632xf32, #tpu.memory_space<vmem_shared>>
      %dma_start3A_205 = tpu.memref_squeeze %dma_start3A_204 : memref<1x632xf32, #tpu.memory_space<vmem_shared>> -> memref<632xf32, #tpu.memory_space<vmem_shared>>
      tpu.enqueue_dma source(%dma_start3A_205 : memref<632xf32, #tpu.memory_space<vmem_shared>>) target(%dma_start3A_203 : memref<632xf32, #tpu.memory_space<vmem>>) target_semaphore(%run_scoped3A_195 : memref<!tpu.dma_semaphore, #tpu.memory_space<semaphore_mem>>)
      %dma_wait3A_206 = arith.constant 0 : i32
      %dma_wait3A_207 = tpu.memref_slice %arg16[%run_scoped3A_122, %dma_wait3A_206] : memref<16x640xf32, #tpu.memory_space<vmem>> -> memref<1x632xf32, #tpu.memory_space<vmem>>
      %dma_wait3A_208 = tpu.memref_squeeze %dma_wait3A_207 : memref<1x632xf32, #tpu.memory_space<vmem>> -> memref<632xf32, #tpu.memory_space<vmem>>
      %dma_wait3A_209 = tpu.memref_slice %arg19[%run_scoped3A_121, %multiple_of3A] : memref<16x10000xf32, #tpu.memory_space<vmem_shared>> -> memref<1x632xf32, #tpu.memory_space<vmem_shared>>
      %dma_wait3A_210 = tpu.memref_squeeze %dma_wait3A_209 : memref<1x632xf32, #tpu.memory_space<vmem_shared>> -> memref<632xf32, #tpu.memory_space<vmem_shared>>
      %dma_wait3A_211 = arith.constant 0 : i32
      %dma_wait3A_212 = tpu.memref_slice %arg16[%run_scoped3A_122, %dma_wait3A_211] : memref<16x640xf32, #tpu.memory_space<vmem>> -> memref<1x632xf32, #tpu.memory_space<vmem>>
      %dma_wait3A_213 = tpu.memref_squeeze %dma_wait3A_212 : memref<1x632xf32, #tpu.memory_space<vmem>> -> memref<632xf32, #tpu.memory_space<vmem>>
      %dma_wait3A_214 = tpu.memref_slice %arg19[%run_scoped3A_121, %multiple_of3A] : memref<16x10000xf32, #tpu.memory_space<vmem_shared>> -> memref<1x632xf32, #tpu.memory_space<vmem_shared>>
      %dma_wait3A_215 = tpu.memref_squeeze %dma_wait3A_214 : memref<1x632xf32, #tpu.memory_space<vmem_shared>> -> memref<632xf32, #tpu.memory_space<vmem_shared>>
      tpu.wait_dma2 semaphore(%run_scoped3A_195 : memref<!tpu.dma_semaphore, #tpu.memory_space<semaphore_mem>>) src(%dma_wait3A_215 : memref<632xf32, #tpu.memory_space<vmem_shared>>) dst(%dma_wait3A_213 : memref<632xf32, #tpu.memory_space<vmem>>)
      tpu.yield
    }) : () -> ()
    %run_scoped3A_123 = arith.constant 2 : i32
    %run_scoped3A_124 = arith.constant 2 : i32
    "tpu.region"() ({
      %run_scoped3A_195 = tpu.sem_alloc : memref<!tpu.dma_semaphore, #tpu.memory_space<semaphore_mem>>
      %dma_start3A_196 = arith.constant 0 : i32
      %dma_start3A_197 = tpu.memref_slice %arg16[%run_scoped3A_124, %dma_start3A_196] : memref<16x640xf32, #tpu.memory_space<vmem>> -> memref<1x632xf32, #tpu.memory_space<vmem>>
      %dma_start3A_198 = tpu.memref_squeeze %dma_start3A_197 : memref<1x632xf32, #tpu.memory_space<vmem>> -> memref<632xf32, #tpu.memory_space<vmem>>
      %dma_start3A_199 = tpu.memref_slice %arg19[%run_scoped3A_123, %multiple_of3A] : memref<16x10000xf32, #tpu.memory_space<vmem_shared>> -> memref<1x632xf32, #tpu.memory_space<vmem_shared>>
      %dma_start3A_200 = tpu.memref_squeeze %dma_start3A_199 : memref<1x632xf32, #tpu.memory_space<vmem_shared>> -> memref<632xf32, #tpu.memory_space<vmem_shared>>
      %dma_start3A_201 = arith.constant 0 : i32
      %dma_start3A_202 = tpu.memref_slice %arg16[%run_scoped3A_124, %dma_start3A_201] : memref<16x640xf32, #tpu.memory_space<vmem>> -> memref<1x632xf32, #tpu.memory_space<vmem>>
      %dma_start3A_203 = tpu.memref_squeeze %dma_start3A_202 : memref<1x632xf32, #tpu.memory_space<vmem>> -> memref<632xf32, #tpu.memory_space<vmem>>
      %dma_start3A_204 = tpu.memref_slice %arg19[%run_scoped3A_123, %multiple_of3A] : memref<16x10000xf32, #tpu.memory_space<vmem_shared>> -> memref<1x632xf32, #tpu.memory_space<vmem_shared>>
      %dma_start3A_205 = tpu.memref_squeeze %dma_start3A_204 : memref<1x632xf32, #tpu.memory_space<vmem_shared>> -> memref<632xf32, #tpu.memory_space<vmem_shared>>
      tpu.enqueue_dma source(%dma_start3A_205 : memref<632xf32, #tpu.memory_space<vmem_shared>>) target(%dma_start3A_203 : memref<632xf32, #tpu.memory_space<vmem>>) target_semaphore(%run_scoped3A_195 : memref<!tpu.dma_semaphore, #tpu.memory_space<semaphore_mem>>)
      %dma_wait3A_206 = arith.constant 0 : i32
      %dma_wait3A_207 = tpu.memref_slice %arg16[%run_scoped3A_124, %dma_wait3A_206] : memref<16x640xf32, #tpu.memory_space<vmem>> -> memref<1x632xf32, #tpu.memory_space<vmem>>
      %dma_wait3A_208 = tpu.memref_squeeze %dma_wait3A_207 : memref<1x632xf32, #tpu.memory_space<vmem>> -> memref<632xf32, #tpu.memory_space<vmem>>
      %dma_wait3A_209 = tpu.memref_slice %arg19[%run_scoped3A_123, %multiple_of3A] : memref<16x10000xf32, #tpu.memory_space<vmem_shared>> -> memref<1x632xf32, #tpu.memory_space<vmem_shared>>
      %dma_wait3A_210 = tpu.memref_squeeze %dma_wait3A_209 : memref<1x632xf32, #tpu.memory_space<vmem_shared>> -> memref<632xf32, #tpu.memory_space<vmem_shared>>
      %dma_wait3A_211 = arith.constant 0 : i32
      %dma_wait3A_212 = tpu.memref_slice %arg16[%run_scoped3A_124, %dma_wait3A_211] : memref<16x640xf32, #tpu.memory_space<vmem>> -> memref<1x632xf32, #tpu.memory_space<vmem>>
      %dma_wait3A_213 = tpu.memref_squeeze %dma_wait3A_212 : memref<1x632xf32, #tpu.memory_space<vmem>> -> memref<632xf32, #tpu.memory_space<vmem>>
      %dma_wait3A_214 = tpu.memref_slice %arg19[%run_scoped3A_123, %multiple_of3A] : memref<16x10000xf32, #tpu.memory_space<vmem_shared>> -> memref<1x632xf32, #tpu.memory_space<vmem_shared>>
      %dma_wait3A_215 = tpu.memref_squeeze %dma_wait3A_214 : memref<1x632xf32, #tpu.memory_space<vmem_shared>> -> memref<632xf32, #tpu.memory_space<vmem_shared>>
      tpu.wait_dma2 semaphore(%run_scoped3A_195 : memref<!tpu.dma_semaphore, #tpu.memory_space<semaphore_mem>>) src(%dma_wait3A_215 : memref<632xf32, #tpu.memory_space<vmem_shared>>) dst(%dma_wait3A_213 : memref<632xf32, #tpu.memory_space<vmem>>)
      tpu.yield
    }) : () -> ()
    %run_scoped3A_125 = arith.constant 3 : i32
    %run_scoped3A_126 = arith.constant 3 : i32
    "tpu.region"() ({
      %run_scoped3A_195 = tpu.sem_alloc : memref<!tpu.dma_semaphore, #tpu.memory_space<semaphore_mem>>
      %dma_start3A_196 = arith.constant 0 : i32
      %dma_start3A_197 = tpu.memref_slice %arg16[%run_scoped3A_126, %dma_start3A_196] : memref<16x640xf32, #tpu.memory_space<vmem>> -> memref<1x632xf32, #tpu.memory_space<vmem>>
      %dma_start3A_198 = tpu.memref_squeeze %dma_start3A_197 : memref<1x632xf32, #tpu.memory_space<vmem>> -> memref<632xf32, #tpu.memory_space<vmem>>
      %dma_start3A_199 = tpu.memref_slice %arg19[%run_scoped3A_125, %multiple_of3A] : memref<16x10000xf32, #tpu.memory_space<vmem_shared>> -> memref<1x632xf32, #tpu.memory_space<vmem_shared>>
      %dma_start3A_200 = tpu.memref_squeeze %dma_start3A_199 : memref<1x632xf32, #tpu.memory_space<vmem_shared>> -> memref<632xf32, #tpu.memory_space<vmem_shared>>
      %dma_start3A_201 = arith.constant 0 : i32
      %dma_start3A_202 = tpu.memref_slice %arg16[%run_scoped3A_126, %dma_start3A_201] : memref<16x640xf32, #tpu.memory_space<vmem>> -> memref<1x632xf32, #tpu.memory_space<vmem>>
      %dma_start3A_203 = tpu.memref_squeeze %dma_start3A_202 : memref<1x632xf32, #tpu.memory_space<vmem>> -> memref<632xf32, #tpu.memory_space<vmem>>
      %dma_start3A_204 = tpu.memref_slice %arg19[%run_scoped3A_125, %multiple_of3A] : memref<16x10000xf32, #tpu.memory_space<vmem_shared>> -> memref<1x632xf32, #tpu.memory_space<vmem_shared>>
      %dma_start3A_205 = tpu.memref_squeeze %dma_start3A_204 : memref<1x632xf32, #tpu.memory_space<vmem_shared>> -> memref<632xf32, #tpu.memory_space<vmem_shared>>
      tpu.enqueue_dma source(%dma_start3A_205 : memref<632xf32, #tpu.memory_space<vmem_shared>>) target(%dma_start3A_203 : memref<632xf32, #tpu.memory_space<vmem>>) target_semaphore(%run_scoped3A_195 : memref<!tpu.dma_semaphore, #tpu.memory_space<semaphore_mem>>)
      %dma_wait3A_206 = arith.constant 0 : i32
      %dma_wait3A_207 = tpu.memref_slice %arg16[%run_scoped3A_126, %dma_wait3A_206] : memref<16x640xf32, #tpu.memory_space<vmem>> -> memref<1x632xf32, #tpu.memory_space<vmem>>
      %dma_wait3A_208 = tpu.memref_squeeze %dma_wait3A_207 : memref<1x632xf32, #tpu.memory_space<vmem>> -> memref<632xf32, #tpu.memory_space<vmem>>
      %dma_wait3A_209 = tpu.memref_slice %arg19[%run_scoped3A_125, %multiple_of3A] : memref<16x10000xf32, #tpu.memory_space<vmem_shared>> -> memref<1x632xf32, #tpu.memory_space<vmem_shared>>
      %dma_wait3A_210 = tpu.memref_squeeze %dma_wait3A_209 : memref<1x632xf32, #tpu.memory_space<vmem_shared>> -> memref<632xf32, #tpu.memory_space<vmem_shared>>
      %dma_wait3A_211 = arith.constant 0 : i32
      %dma_wait3A_212 = tpu.memref_slice %arg16[%run_scoped3A_126, %dma_wait3A_211] : memref<16x640xf32, #tpu.memory_space<vmem>> -> memref<1x632xf32, #tpu.memory_space<vmem>>
      %dma_wait3A_213 = tpu.memref_squeeze %dma_wait3A_212 : memref<1x632xf32, #tpu.memory_space<vmem>> -> memref<632xf32, #tpu.memory_space<vmem>>
      %dma_wait3A_214 = tpu.memref_slice %arg19[%run_scoped3A_125, %multiple_of3A] : memref<16x10000xf32, #tpu.memory_space<vmem_shared>> -> memref<1x632xf32, #tpu.memory_space<vmem_shared>>
      %dma_wait3A_215 = tpu.memref_squeeze %dma_wait3A_214 : memref<1x632xf32, #tpu.memory_space<vmem_shared>> -> memref<632xf32, #tpu.memory_space<vmem_shared>>
      tpu.wait_dma2 semaphore(%run_scoped3A_195 : memref<!tpu.dma_semaphore, #tpu.memory_space<semaphore_mem>>) src(%dma_wait3A_215 : memref<632xf32, #tpu.memory_space<vmem_shared>>) dst(%dma_wait3A_213 : memref<632xf32, #tpu.memory_space<vmem>>)
      tpu.yield
    }) : () -> ()
    %run_scoped3A_127 = arith.constant 4 : i32
    %run_scoped3A_128 = arith.constant 4 : i32
    "tpu.region"() ({
      %run_scoped3A_195 = tpu.sem_alloc : memref<!tpu.dma_semaphore, #tpu.memory_space<semaphore_mem>>
      %dma_start3A_196 = arith.constant 0 : i32
      %dma_start3A_197 = tpu.memref_slice %arg16[%run_scoped3A_128, %dma_start3A_196] : memref<16x640xf32, #tpu.memory_space<vmem>> -> memref<1x632xf32, #tpu.memory_space<vmem>>
      %dma_start3A_198 = tpu.memref_squeeze %dma_start3A_197 : memref<1x632xf32, #tpu.memory_space<vmem>> -> memref<632xf32, #tpu.memory_space<vmem>>
      %dma_start3A_199 = tpu.memref_slice %arg19[%run_scoped3A_127, %multiple_of3A] : memref<16x10000xf32, #tpu.memory_space<vmem_shared>> -> memref<1x632xf32, #tpu.memory_space<vmem_shared>>
      %dma_start3A_200 = tpu.memref_squeeze %dma_start3A_199 : memref<1x632xf32, #tpu.memory_space<vmem_shared>> -> memref<632xf32, #tpu.memory_space<vmem_shared>>
      %dma_start3A_201 = arith.constant 0 : i32
      %dma_start3A_202 = tpu.memref_slice %arg16[%run_scoped3A_128, %dma_start3A_201] : memref<16x640xf32, #tpu.memory_space<vmem>> -> memref<1x632xf32, #tpu.memory_space<vmem>>
      %dma_start3A_203 = tpu.memref_squeeze %dma_start3A_202 : memref<1x632xf32, #tpu.memory_space<vmem>> -> memref<632xf32, #tpu.memory_space<vmem>>
      %dma_start3A_204 = tpu.memref_slice %arg19[%run_scoped3A_127, %multiple_of3A] : memref<16x10000xf32, #tpu.memory_space<vmem_shared>> -> memref<1x632xf32, #tpu.memory_space<vmem_shared>>
      %dma_start3A_205 = tpu.memref_squeeze %dma_start3A_204 : memref<1x632xf32, #tpu.memory_space<vmem_shared>> -> memref<632xf32, #tpu.memory_space<vmem_shared>>
      tpu.enqueue_dma source(%dma_start3A_205 : memref<632xf32, #tpu.memory_space<vmem_shared>>) target(%dma_start3A_203 : memref<632xf32, #tpu.memory_space<vmem>>) target_semaphore(%run_scoped3A_195 : memref<!tpu.dma_semaphore, #tpu.memory_space<semaphore_mem>>)
      %dma_wait3A_206 = arith.constant 0 : i32
      %dma_wait3A_207 = tpu.memref_slice %arg16[%run_scoped3A_128, %dma_wait3A_206] : memref<16x640xf32, #tpu.memory_space<vmem>> -> memref<1x632xf32, #tpu.memory_space<vmem>>
      %dma_wait3A_208 = tpu.memref_squeeze %dma_wait3A_207 : memref<1x632xf32, #tpu.memory_space<vmem>> -> memref<632xf32, #tpu.memory_space<vmem>>
      %dma_wait3A_209 = tpu.memref_slice %arg19[%run_scoped3A_127, %multiple_of3A] : memref<16x10000xf32, #tpu.memory_space<vmem_shared>> -> memref<1x632xf32, #tpu.memory_space<vmem_shared>>
      %dma_wait3A_210 = tpu.memref_squeeze %dma_wait3A_209 : memref<1x632xf32, #tpu.memory_space<vmem_shared>> -> memref<632xf32, #tpu.memory_space<vmem_shared>>
      %dma_wait3A_211 = arith.constant 0 : i32
      %dma_wait3A_212 = tpu.memref_slice %arg16[%run_scoped3A_128, %dma_wait3A_211] : memref<16x640xf32, #tpu.memory_space<vmem>> -> memref<1x632xf32, #tpu.memory_space<vmem>>
      %dma_wait3A_213 = tpu.memref_squeeze %dma_wait3A_212 : memref<1x632xf32, #tpu.memory_space<vmem>> -> memref<632xf32, #tpu.memory_space<vmem>>
      %dma_wait3A_214 = tpu.memref_slice %arg19[%run_scoped3A_127, %multiple_of3A] : memref<16x10000xf32, #tpu.memory_space<vmem_shared>> -> memref<1x632xf32, #tpu.memory_space<vmem_shared>>
      %dma_wait3A_215 = tpu.memref_squeeze %dma_wait3A_214 : memref<1x632xf32, #tpu.memory_space<vmem_shared>> -> memref<632xf32, #tpu.memory_space<vmem_shared>>
      tpu.wait_dma2 semaphore(%run_scoped3A_195 : memref<!tpu.dma_semaphore, #tpu.memory_space<semaphore_mem>>) src(%dma_wait3A_215 : memref<632xf32, #tpu.memory_space<vmem_shared>>) dst(%dma_wait3A_213 : memref<632xf32, #tpu.memory_space<vmem>>)
      tpu.yield
    }) : () -> ()
    %run_scoped3A_129 = arith.constant 5 : i32
    %run_scoped3A_130 = arith.constant 5 : i32
    "tpu.region"() ({
      %run_scoped3A_195 = tpu.sem_alloc : memref<!tpu.dma_semaphore, #tpu.memory_space<semaphore_mem>>
      %dma_start3A_196 = arith.constant 0 : i32
      %dma_start3A_197 = tpu.memref_slice %arg16[%run_scoped3A_130, %dma_start3A_196] : memref<16x640xf32, #tpu.memory_space<vmem>> -> memref<1x632xf32, #tpu.memory_space<vmem>>
      %dma_start3A_198 = tpu.memref_squeeze %dma_start3A_197 : memref<1x632xf32, #tpu.memory_space<vmem>> -> memref<632xf32, #tpu.memory_space<vmem>>
      %dma_start3A_199 = tpu.memref_slice %arg19[%run_scoped3A_129, %multiple_of3A] : memref<16x10000xf32, #tpu.memory_space<vmem_shared>> -> memref<1x632xf32, #tpu.memory_space<vmem_shared>>
      %dma_start3A_200 = tpu.memref_squeeze %dma_start3A_199 : memref<1x632xf32, #tpu.memory_space<vmem_shared>> -> memref<632xf32, #tpu.memory_space<vmem_shared>>
      %dma_start3A_201 = arith.constant 0 : i32
      %dma_start3A_202 = tpu.memref_slice %arg16[%run_scoped3A_130, %dma_start3A_201] : memref<16x640xf32, #tpu.memory_space<vmem>> -> memref<1x632xf32, #tpu.memory_space<vmem>>
      %dma_start3A_203 = tpu.memref_squeeze %dma_start3A_202 : memref<1x632xf32, #tpu.memory_space<vmem>> -> memref<632xf32, #tpu.memory_space<vmem>>
      %dma_start3A_204 = tpu.memref_slice %arg19[%run_scoped3A_129, %multiple_of3A] : memref<16x10000xf32, #tpu.memory_space<vmem_shared>> -> memref<1x632xf32, #tpu.memory_space<vmem_shared>>
      %dma_start3A_205 = tpu.memref_squeeze %dma_start3A_204 : memref<1x632xf32, #tpu.memory_space<vmem_shared>> -> memref<632xf32, #tpu.memory_space<vmem_shared>>
      tpu.enqueue_dma source(%dma_start3A_205 : memref<632xf32, #tpu.memory_space<vmem_shared>>) target(%dma_start3A_203 : memref<632xf32, #tpu.memory_space<vmem>>) target_semaphore(%run_scoped3A_195 : memref<!tpu.dma_semaphore, #tpu.memory_space<semaphore_mem>>)
      %dma_wait3A_206 = arith.constant 0 : i32
      %dma_wait3A_207 = tpu.memref_slice %arg16[%run_scoped3A_130, %dma_wait3A_206] : memref<16x640xf32, #tpu.memory_space<vmem>> -> memref<1x632xf32, #tpu.memory_space<vmem>>
      %dma_wait3A_208 = tpu.memref_squeeze %dma_wait3A_207 : memref<1x632xf32, #tpu.memory_space<vmem>> -> memref<632xf32, #tpu.memory_space<vmem>>
      %dma_wait3A_209 = tpu.memref_slice %arg19[%run_scoped3A_129, %multiple_of3A] : memref<16x10000xf32, #tpu.memory_space<vmem_shared>> -> memref<1x632xf32, #tpu.memory_space<vmem_shared>>
      %dma_wait3A_210 = tpu.memref_squeeze %dma_wait3A_209 : memref<1x632xf32, #tpu.memory_space<vmem_shared>> -> memref<632xf32, #tpu.memory_space<vmem_shared>>
      %dma_wait3A_211 = arith.constant 0 : i32
      %dma_wait3A_212 = tpu.memref_slice %arg16[%run_scoped3A_130, %dma_wait3A_211] : memref<16x640xf32, #tpu.memory_space<vmem>> -> memref<1x632xf32, #tpu.memory_space<vmem>>
      %dma_wait3A_213 = tpu.memref_squeeze %dma_wait3A_212 : memref<1x632xf32, #tpu.memory_space<vmem>> -> memref<632xf32, #tpu.memory_space<vmem>>
      %dma_wait3A_214 = tpu.memref_slice %arg19[%run_scoped3A_129, %multiple_of3A] : memref<16x10000xf32, #tpu.memory_space<vmem_shared>> -> memref<1x632xf32, #tpu.memory_space<vmem_shared>>
      %dma_wait3A_215 = tpu.memref_squeeze %dma_wait3A_214 : memref<1x632xf32, #tpu.memory_space<vmem_shared>> -> memref<632xf32, #tpu.memory_space<vmem_shared>>
      tpu.wait_dma2 semaphore(%run_scoped3A_195 : memref<!tpu.dma_semaphore, #tpu.memory_space<semaphore_mem>>) src(%dma_wait3A_215 : memref<632xf32, #tpu.memory_space<vmem_shared>>) dst(%dma_wait3A_213 : memref<632xf32, #tpu.memory_space<vmem>>)
      tpu.yield
    }) : () -> ()
    %run_scoped3A_131 = arith.constant 6 : i32
    %run_scoped3A_132 = arith.constant 6 : i32
    "tpu.region"() ({
      %run_scoped3A_195 = tpu.sem_alloc : memref<!tpu.dma_semaphore, #tpu.memory_space<semaphore_mem>>
      %dma_start3A_196 = arith.constant 0 : i32
      %dma_start3A_197 = tpu.memref_slice %arg16[%run_scoped3A_132, %dma_start3A_196] : memref<16x640xf32, #tpu.memory_space<vmem>> -> memref<1x632xf32, #tpu.memory_space<vmem>>
      %dma_start3A_198 = tpu.memref_squeeze %dma_start3A_197 : memref<1x632xf32, #tpu.memory_space<vmem>> -> memref<632xf32, #tpu.memory_space<vmem>>
      %dma_start3A_199 = tpu.memref_slice %arg19[%run_scoped3A_131, %multiple_of3A] : memref<16x10000xf32, #tpu.memory_space<vmem_shared>> -> memref<1x632xf32, #tpu.memory_space<vmem_shared>>
      %dma_start3A_200 = tpu.memref_squeeze %dma_start3A_199 : memref<1x632xf32, #tpu.memory_space<vmem_shared>> -> memref<632xf32, #tpu.memory_space<vmem_shared>>
      %dma_start3A_201 = arith.constant 0 : i32
      %dma_start3A_202 = tpu.memref_slice %arg16[%run_scoped3A_132, %dma_start3A_201] : memref<16x640xf32, #tpu.memory_space<vmem>> -> memref<1x632xf32, #tpu.memory_space<vmem>>
      %dma_start3A_203 = tpu.memref_squeeze %dma_start3A_202 : memref<1x632xf32, #tpu.memory_space<vmem>> -> memref<632xf32, #tpu.memory_space<vmem>>
      %dma_start3A_204 = tpu.memref_slice %arg19[%run_scoped3A_131, %multiple_of3A] : memref<16x10000xf32, #tpu.memory_space<vmem_shared>> -> memref<1x632xf32, #tpu.memory_space<vmem_shared>>
      %dma_start3A_205 = tpu.memref_squeeze %dma_start3A_204 : memref<1x632xf32, #tpu.memory_space<vmem_shared>> -> memref<632xf32, #tpu.memory_space<vmem_shared>>
      tpu.enqueue_dma source(%dma_start3A_205 : memref<632xf32, #tpu.memory_space<vmem_shared>>) target(%dma_start3A_203 : memref<632xf32, #tpu.memory_space<vmem>>) target_semaphore(%run_scoped3A_195 : memref<!tpu.dma_semaphore, #tpu.memory_space<semaphore_mem>>)
      %dma_wait3A_206 = arith.constant 0 : i32
      %dma_wait3A_207 = tpu.memref_slice %arg16[%run_scoped3A_132, %dma_wait3A_206] : memref<16x640xf32, #tpu.memory_space<vmem>> -> memref<1x632xf32, #tpu.memory_space<vmem>>
      %dma_wait3A_208 = tpu.memref_squeeze %dma_wait3A_207 : memref<1x632xf32, #tpu.memory_space<vmem>> -> memref<632xf32, #tpu.memory_space<vmem>>
      %dma_wait3A_209 = tpu.memref_slice %arg19[%run_scoped3A_131, %multiple_of3A] : memref<16x10000xf32, #tpu.memory_space<vmem_shared>> -> memref<1x632xf32, #tpu.memory_space<vmem_shared>>
      %dma_wait3A_210 = tpu.memref_squeeze %dma_wait3A_209 : memref<1x632xf32, #tpu.memory_space<vmem_shared>> -> memref<632xf32, #tpu.memory_space<vmem_shared>>
      %dma_wait3A_211 = arith.constant 0 : i32
      %dma_wait3A_212 = tpu.memref_slice %arg16[%run_scoped3A_132, %dma_wait3A_211] : memref<16x640xf32, #tpu.memory_space<vmem>> -> memref<1x632xf32, #tpu.memory_space<vmem>>
      %dma_wait3A_213 = tpu.memref_squeeze %dma_wait3A_212 : memref<1x632xf32, #tpu.memory_space<vmem>> -> memref<632xf32, #tpu.memory_space<vmem>>
      %dma_wait3A_214 = tpu.memref_slice %arg19[%run_scoped3A_131, %multiple_of3A] : memref<16x10000xf32, #tpu.memory_space<vmem_shared>> -> memref<1x632xf32, #tpu.memory_space<vmem_shared>>
      %dma_wait3A_215 = tpu.memref_squeeze %dma_wait3A_214 : memref<1x632xf32, #tpu.memory_space<vmem_shared>> -> memref<632xf32, #tpu.memory_space<vmem_shared>>
      tpu.wait_dma2 semaphore(%run_scoped3A_195 : memref<!tpu.dma_semaphore, #tpu.memory_space<semaphore_mem>>) src(%dma_wait3A_215 : memref<632xf32, #tpu.memory_space<vmem_shared>>) dst(%dma_wait3A_213 : memref<632xf32, #tpu.memory_space<vmem>>)
      tpu.yield
    }) : () -> ()
    %run_scoped3A_133 = arith.constant 7 : i32
    %run_scoped3A_134 = arith.constant 7 : i32
    "tpu.region"() ({
      %run_scoped3A_195 = tpu.sem_alloc : memref<!tpu.dma_semaphore, #tpu.memory_space<semaphore_mem>>
      %dma_start3A_196 = arith.constant 0 : i32
      %dma_start3A_197 = tpu.memref_slice %arg16[%run_scoped3A_134, %dma_start3A_196] : memref<16x640xf32, #tpu.memory_space<vmem>> -> memref<1x632xf32, #tpu.memory_space<vmem>>
      %dma_start3A_198 = tpu.memref_squeeze %dma_start3A_197 : memref<1x632xf32, #tpu.memory_space<vmem>> -> memref<632xf32, #tpu.memory_space<vmem>>
      %dma_start3A_199 = tpu.memref_slice %arg19[%run_scoped3A_133, %multiple_of3A] : memref<16x10000xf32, #tpu.memory_space<vmem_shared>> -> memref<1x632xf32, #tpu.memory_space<vmem_shared>>
      %dma_start3A_200 = tpu.memref_squeeze %dma_start3A_199 : memref<1x632xf32, #tpu.memory_space<vmem_shared>> -> memref<632xf32, #tpu.memory_space<vmem_shared>>
      %dma_start3A_201 = arith.constant 0 : i32
      %dma_start3A_202 = tpu.memref_slice %arg16[%run_scoped3A_134, %dma_start3A_201] : memref<16x640xf32, #tpu.memory_space<vmem>> -> memref<1x632xf32, #tpu.memory_space<vmem>>
      %dma_start3A_203 = tpu.memref_squeeze %dma_start3A_202 : memref<1x632xf32, #tpu.memory_space<vmem>> -> memref<632xf32, #tpu.memory_space<vmem>>
      %dma_start3A_204 = tpu.memref_slice %arg19[%run_scoped3A_133, %multiple_of3A] : memref<16x10000xf32, #tpu.memory_space<vmem_shared>> -> memref<1x632xf32, #tpu.memory_space<vmem_shared>>
      %dma_start3A_205 = tpu.memref_squeeze %dma_start3A_204 : memref<1x632xf32, #tpu.memory_space<vmem_shared>> -> memref<632xf32, #tpu.memory_space<vmem_shared>>
      tpu.enqueue_dma source(%dma_start3A_205 : memref<632xf32, #tpu.memory_space<vmem_shared>>) target(%dma_start3A_203 : memref<632xf32, #tpu.memory_space<vmem>>) target_semaphore(%run_scoped3A_195 : memref<!tpu.dma_semaphore, #tpu.memory_space<semaphore_mem>>)
      %dma_wait3A_206 = arith.constant 0 : i32
      %dma_wait3A_207 = tpu.memref_slice %arg16[%run_scoped3A_134, %dma_wait3A_206] : memref<16x640xf32, #tpu.memory_space<vmem>> -> memref<1x632xf32, #tpu.memory_space<vmem>>
      %dma_wait3A_208 = tpu.memref_squeeze %dma_wait3A_207 : memref<1x632xf32, #tpu.memory_space<vmem>> -> memref<632xf32, #tpu.memory_space<vmem>>
      %dma_wait3A_209 = tpu.memref_slice %arg19[%run_scoped3A_133, %multiple_of3A] : memref<16x10000xf32, #tpu.memory_space<vmem_shared>> -> memref<1x632xf32, #tpu.memory_space<vmem_shared>>
      %dma_wait3A_210 = tpu.memref_squeeze %dma_wait3A_209 : memref<1x632xf32, #tpu.memory_space<vmem_shared>> -> memref<632xf32, #tpu.memory_space<vmem_shared>>
      %dma_wait3A_211 = arith.constant 0 : i32
      %dma_wait3A_212 = tpu.memref_slice %arg16[%run_scoped3A_134, %dma_wait3A_211] : memref<16x640xf32, #tpu.memory_space<vmem>> -> memref<1x632xf32, #tpu.memory_space<vmem>>
      %dma_wait3A_213 = tpu.memref_squeeze %dma_wait3A_212 : memref<1x632xf32, #tpu.memory_space<vmem>> -> memref<632xf32, #tpu.memory_space<vmem>>
      %dma_wait3A_214 = tpu.memref_slice %arg19[%run_scoped3A_133, %multiple_of3A] : memref<16x10000xf32, #tpu.memory_space<vmem_shared>> -> memref<1x632xf32, #tpu.memory_space<vmem_shared>>
      %dma_wait3A_215 = tpu.memref_squeeze %dma_wait3A_214 : memref<1x632xf32, #tpu.memory_space<vmem_shared>> -> memref<632xf32, #tpu.memory_space<vmem_shared>>
      tpu.wait_dma2 semaphore(%run_scoped3A_195 : memref<!tpu.dma_semaphore, #tpu.memory_space<semaphore_mem>>) src(%dma_wait3A_215 : memref<632xf32, #tpu.memory_space<vmem_shared>>) dst(%dma_wait3A_213 : memref<632xf32, #tpu.memory_space<vmem>>)
      tpu.yield
    }) : () -> ()
    %run_scoped3A_135 = arith.constant 8 : i32
    %run_scoped3A_136 = arith.constant 8 : i32
    "tpu.region"() ({
      %run_scoped3A_195 = tpu.sem_alloc : memref<!tpu.dma_semaphore, #tpu.memory_space<semaphore_mem>>
      %dma_start3A_196 = arith.constant 0 : i32
      %dma_start3A_197 = tpu.memref_slice %arg16[%run_scoped3A_136, %dma_start3A_196] : memref<16x640xf32, #tpu.memory_space<vmem>> -> memref<1x632xf32, #tpu.memory_space<vmem>>
      %dma_start3A_198 = tpu.memref_squeeze %dma_start3A_197 : memref<1x632xf32, #tpu.memory_space<vmem>> -> memref<632xf32, #tpu.memory_space<vmem>>
      %dma_start3A_199 = tpu.memref_slice %arg19[%run_scoped3A_135, %multiple_of3A] : memref<16x10000xf32, #tpu.memory_space<vmem_shared>> -> memref<1x632xf32, #tpu.memory_space<vmem_shared>>
      %dma_start3A_200 = tpu.memref_squeeze %dma_start3A_199 : memref<1x632xf32, #tpu.memory_space<vmem_shared>> -> memref<632xf32, #tpu.memory_space<vmem_shared>>
      %dma_start3A_201 = arith.constant 0 : i32
      %dma_start3A_202 = tpu.memref_slice %arg16[%run_scoped3A_136, %dma_start3A_201] : memref<16x640xf32, #tpu.memory_space<vmem>> -> memref<1x632xf32, #tpu.memory_space<vmem>>
      %dma_start3A_203 = tpu.memref_squeeze %dma_start3A_202 : memref<1x632xf32, #tpu.memory_space<vmem>> -> memref<632xf32, #tpu.memory_space<vmem>>
      %dma_start3A_204 = tpu.memref_slice %arg19[%run_scoped3A_135, %multiple_of3A] : memref<16x10000xf32, #tpu.memory_space<vmem_shared>> -> memref<1x632xf32, #tpu.memory_space<vmem_shared>>
      %dma_start3A_205 = tpu.memref_squeeze %dma_start3A_204 : memref<1x632xf32, #tpu.memory_space<vmem_shared>> -> memref<632xf32, #tpu.memory_space<vmem_shared>>
      tpu.enqueue_dma source(%dma_start3A_205 : memref<632xf32, #tpu.memory_space<vmem_shared>>) target(%dma_start3A_203 : memref<632xf32, #tpu.memory_space<vmem>>) target_semaphore(%run_scoped3A_195 : memref<!tpu.dma_semaphore, #tpu.memory_space<semaphore_mem>>)
      %dma_wait3A_206 = arith.constant 0 : i32
      %dma_wait3A_207 = tpu.memref_slice %arg16[%run_scoped3A_136, %dma_wait3A_206] : memref<16x640xf32, #tpu.memory_space<vmem>> -> memref<1x632xf32, #tpu.memory_space<vmem>>
      %dma_wait3A_208 = tpu.memref_squeeze %dma_wait3A_207 : memref<1x632xf32, #tpu.memory_space<vmem>> -> memref<632xf32, #tpu.memory_space<vmem>>
      %dma_wait3A_209 = tpu.memref_slice %arg19[%run_scoped3A_135, %multiple_of3A] : memref<16x10000xf32, #tpu.memory_space<vmem_shared>> -> memref<1x632xf32, #tpu.memory_space<vmem_shared>>
      %dma_wait3A_210 = tpu.memref_squeeze %dma_wait3A_209 : memref<1x632xf32, #tpu.memory_space<vmem_shared>> -> memref<632xf32, #tpu.memory_space<vmem_shared>>
      %dma_wait3A_211 = arith.constant 0 : i32
      %dma_wait3A_212 = tpu.memref_slice %arg16[%run_scoped3A_136, %dma_wait3A_211] : memref<16x640xf32, #tpu.memory_space<vmem>> -> memref<1x632xf32, #tpu.memory_space<vmem>>
      %dma_wait3A_213 = tpu.memref_squeeze %dma_wait3A_212 : memref<1x632xf32, #tpu.memory_space<vmem>> -> memref<632xf32, #tpu.memory_space<vmem>>
      %dma_wait3A_214 = tpu.memref_slice %arg19[%run_scoped3A_135, %multiple_of3A] : memref<16x10000xf32, #tpu.memory_space<vmem_shared>> -> memref<1x632xf32, #tpu.memory_space<vmem_shared>>
      %dma_wait3A_215 = tpu.memref_squeeze %dma_wait3A_214 : memref<1x632xf32, #tpu.memory_space<vmem_shared>> -> memref<632xf32, #tpu.memory_space<vmem_shared>>
      tpu.wait_dma2 semaphore(%run_scoped3A_195 : memref<!tpu.dma_semaphore, #tpu.memory_space<semaphore_mem>>) src(%dma_wait3A_215 : memref<632xf32, #tpu.memory_space<vmem_shared>>) dst(%dma_wait3A_213 : memref<632xf32, #tpu.memory_space<vmem>>)
      tpu.yield
    }) : () -> ()
    %run_scoped3A_137 = arith.constant 9 : i32
    %run_scoped3A_138 = arith.constant 9 : i32
    "tpu.region"() ({
      %run_scoped3A_195 = tpu.sem_alloc : memref<!tpu.dma_semaphore, #tpu.memory_space<semaphore_mem>>
      %dma_start3A_196 = arith.constant 0 : i32
      %dma_start3A_197 = tpu.memref_slice %arg16[%run_scoped3A_138, %dma_start3A_196] : memref<16x640xf32, #tpu.memory_space<vmem>> -> memref<1x632xf32, #tpu.memory_space<vmem>>
      %dma_start3A_198 = tpu.memref_squeeze %dma_start3A_197 : memref<1x632xf32, #tpu.memory_space<vmem>> -> memref<632xf32, #tpu.memory_space<vmem>>
      %dma_start3A_199 = tpu.memref_slice %arg19[%run_scoped3A_137, %multiple_of3A] : memref<16x10000xf32, #tpu.memory_space<vmem_shared>> -> memref<1x632xf32, #tpu.memory_space<vmem_shared>>
      %dma_start3A_200 = tpu.memref_squeeze %dma_start3A_199 : memref<1x632xf32, #tpu.memory_space<vmem_shared>> -> memref<632xf32, #tpu.memory_space<vmem_shared>>
      %dma_start3A_201 = arith.constant 0 : i32
      %dma_start3A_202 = tpu.memref_slice %arg16[%run_scoped3A_138, %dma_start3A_201] : memref<16x640xf32, #tpu.memory_space<vmem>> -> memref<1x632xf32, #tpu.memory_space<vmem>>
      %dma_start3A_203 = tpu.memref_squeeze %dma_start3A_202 : memref<1x632xf32, #tpu.memory_space<vmem>> -> memref<632xf32, #tpu.memory_space<vmem>>
      %dma_start3A_204 = tpu.memref_slice %arg19[%run_scoped3A_137, %multiple_of3A] : memref<16x10000xf32, #tpu.memory_space<vmem_shared>> -> memref<1x632xf32, #tpu.memory_space<vmem_shared>>
      %dma_start3A_205 = tpu.memref_squeeze %dma_start3A_204 : memref<1x632xf32, #tpu.memory_space<vmem_shared>> -> memref<632xf32, #tpu.memory_space<vmem_shared>>
      tpu.enqueue_dma source(%dma_start3A_205 : memref<632xf32, #tpu.memory_space<vmem_shared>>) target(%dma_start3A_203 : memref<632xf32, #tpu.memory_space<vmem>>) target_semaphore(%run_scoped3A_195 : memref<!tpu.dma_semaphore, #tpu.memory_space<semaphore_mem>>)
      %dma_wait3A_206 = arith.constant 0 : i32
      %dma_wait3A_207 = tpu.memref_slice %arg16[%run_scoped3A_138, %dma_wait3A_206] : memref<16x640xf32, #tpu.memory_space<vmem>> -> memref<1x632xf32, #tpu.memory_space<vmem>>
      %dma_wait3A_208 = tpu.memref_squeeze %dma_wait3A_207 : memref<1x632xf32, #tpu.memory_space<vmem>> -> memref<632xf32, #tpu.memory_space<vmem>>
      %dma_wait3A_209 = tpu.memref_slice %arg19[%run_scoped3A_137, %multiple_of3A] : memref<16x10000xf32, #tpu.memory_space<vmem_shared>> -> memref<1x632xf32, #tpu.memory_space<vmem_shared>>
      %dma_wait3A_210 = tpu.memref_squeeze %dma_wait3A_209 : memref<1x632xf32, #tpu.memory_space<vmem_shared>> -> memref<632xf32, #tpu.memory_space<vmem_shared>>
      %dma_wait3A_211 = arith.constant 0 : i32
      %dma_wait3A_212 = tpu.memref_slice %arg16[%run_scoped3A_138, %dma_wait3A_211] : memref<16x640xf32, #tpu.memory_space<vmem>> -> memref<1x632xf32, #tpu.memory_space<vmem>>
      %dma_wait3A_213 = tpu.memref_squeeze %dma_wait3A_212 : memref<1x632xf32, #tpu.memory_space<vmem>> -> memref<632xf32, #tpu.memory_space<vmem>>
      %dma_wait3A_214 = tpu.memref_slice %arg19[%run_scoped3A_137, %multiple_of3A] : memref<16x10000xf32, #tpu.memory_space<vmem_shared>> -> memref<1x632xf32, #tpu.memory_space<vmem_shared>>
      %dma_wait3A_215 = tpu.memref_squeeze %dma_wait3A_214 : memref<1x632xf32, #tpu.memory_space<vmem_shared>> -> memref<632xf32, #tpu.memory_space<vmem_shared>>
      tpu.wait_dma2 semaphore(%run_scoped3A_195 : memref<!tpu.dma_semaphore, #tpu.memory_space<semaphore_mem>>) src(%dma_wait3A_215 : memref<632xf32, #tpu.memory_space<vmem_shared>>) dst(%dma_wait3A_213 : memref<632xf32, #tpu.memory_space<vmem>>)
      tpu.yield
    }) : () -> ()
    %run_scoped3A_139 = arith.constant 10 : i32
    %run_scoped3A_140 = arith.constant 10 : i32
    "tpu.region"() ({
      %run_scoped3A_195 = tpu.sem_alloc : memref<!tpu.dma_semaphore, #tpu.memory_space<semaphore_mem>>
      %dma_start3A_196 = arith.constant 0 : i32
      %dma_start3A_197 = tpu.memref_slice %arg16[%run_scoped3A_140, %dma_start3A_196] : memref<16x640xf32, #tpu.memory_space<vmem>> -> memref<1x632xf32, #tpu.memory_space<vmem>>
      %dma_start3A_198 = tpu.memref_squeeze %dma_start3A_197 : memref<1x632xf32, #tpu.memory_space<vmem>> -> memref<632xf32, #tpu.memory_space<vmem>>
      %dma_start3A_199 = tpu.memref_slice %arg19[%run_scoped3A_139, %multiple_of3A] : memref<16x10000xf32, #tpu.memory_space<vmem_shared>> -> memref<1x632xf32, #tpu.memory_space<vmem_shared>>
      %dma_start3A_200 = tpu.memref_squeeze %dma_start3A_199 : memref<1x632xf32, #tpu.memory_space<vmem_shared>> -> memref<632xf32, #tpu.memory_space<vmem_shared>>
      %dma_start3A_201 = arith.constant 0 : i32
      %dma_start3A_202 = tpu.memref_slice %arg16[%run_scoped3A_140, %dma_start3A_201] : memref<16x640xf32, #tpu.memory_space<vmem>> -> memref<1x632xf32, #tpu.memory_space<vmem>>
      %dma_start3A_203 = tpu.memref_squeeze %dma_start3A_202 : memref<1x632xf32, #tpu.memory_space<vmem>> -> memref<632xf32, #tpu.memory_space<vmem>>
      %dma_start3A_204 = tpu.memref_slice %arg19[%run_scoped3A_139, %multiple_of3A] : memref<16x10000xf32, #tpu.memory_space<vmem_shared>> -> memref<1x632xf32, #tpu.memory_space<vmem_shared>>
      %dma_start3A_205 = tpu.memref_squeeze %dma_start3A_204 : memref<1x632xf32, #tpu.memory_space<vmem_shared>> -> memref<632xf32, #tpu.memory_space<vmem_shared>>
      tpu.enqueue_dma source(%dma_start3A_205 : memref<632xf32, #tpu.memory_space<vmem_shared>>) target(%dma_start3A_203 : memref<632xf32, #tpu.memory_space<vmem>>) target_semaphore(%run_scoped3A_195 : memref<!tpu.dma_semaphore, #tpu.memory_space<semaphore_mem>>)
      %dma_wait3A_206 = arith.constant 0 : i32
      %dma_wait3A_207 = tpu.memref_slice %arg16[%run_scoped3A_140, %dma_wait3A_206] : memref<16x640xf32, #tpu.memory_space<vmem>> -> memref<1x632xf32, #tpu.memory_space<vmem>>
      %dma_wait3A_208 = tpu.memref_squeeze %dma_wait3A_207 : memref<1x632xf32, #tpu.memory_space<vmem>> -> memref<632xf32, #tpu.memory_space<vmem>>
      %dma_wait3A_209 = tpu.memref_slice %arg19[%run_scoped3A_139, %multiple_of3A] : memref<16x10000xf32, #tpu.memory_space<vmem_shared>> -> memref<1x632xf32, #tpu.memory_space<vmem_shared>>
      %dma_wait3A_210 = tpu.memref_squeeze %dma_wait3A_209 : memref<1x632xf32, #tpu.memory_space<vmem_shared>> -> memref<632xf32, #tpu.memory_space<vmem_shared>>
      %dma_wait3A_211 = arith.constant 0 : i32
      %dma_wait3A_212 = tpu.memref_slice %arg16[%run_scoped3A_140, %dma_wait3A_211] : memref<16x640xf32, #tpu.memory_space<vmem>> -> memref<1x632xf32, #tpu.memory_space<vmem>>
      %dma_wait3A_213 = tpu.memref_squeeze %dma_wait3A_212 : memref<1x632xf32, #tpu.memory_space<vmem>> -> memref<632xf32, #tpu.memory_space<vmem>>
      %dma_wait3A_214 = tpu.memref_slice %arg19[%run_scoped3A_139, %multiple_of3A] : memref<16x10000xf32, #tpu.memory_space<vmem_shared>> -> memref<1x632xf32, #tpu.memory_space<vmem_shared>>
      %dma_wait3A_215 = tpu.memref_squeeze %dma_wait3A_214 : memref<1x632xf32, #tpu.memory_space<vmem_shared>> -> memref<632xf32, #tpu.memory_space<vmem_shared>>
      tpu.wait_dma2 semaphore(%run_scoped3A_195 : memref<!tpu.dma_semaphore, #tpu.memory_space<semaphore_mem>>) src(%dma_wait3A_215 : memref<632xf32, #tpu.memory_space<vmem_shared>>) dst(%dma_wait3A_213 : memref<632xf32, #tpu.memory_space<vmem>>)
      tpu.yield
    }) : () -> ()
    %run_scoped3A_141 = arith.constant 11 : i32
    %run_scoped3A_142 = arith.constant 11 : i32
    "tpu.region"() ({
      %run_scoped3A_195 = tpu.sem_alloc : memref<!tpu.dma_semaphore, #tpu.memory_space<semaphore_mem>>
      %dma_start3A_196 = arith.constant 0 : i32
      %dma_start3A_197 = tpu.memref_slice %arg16[%run_scoped3A_142, %dma_start3A_196] : memref<16x640xf32, #tpu.memory_space<vmem>> -> memref<1x632xf32, #tpu.memory_space<vmem>>
      %dma_start3A_198 = tpu.memref_squeeze %dma_start3A_197 : memref<1x632xf32, #tpu.memory_space<vmem>> -> memref<632xf32, #tpu.memory_space<vmem>>
      %dma_start3A_199 = tpu.memref_slice %arg19[%run_scoped3A_141, %multiple_of3A] : memref<16x10000xf32, #tpu.memory_space<vmem_shared>> -> memref<1x632xf32, #tpu.memory_space<vmem_shared>>
      %dma_start3A_200 = tpu.memref_squeeze %dma_start3A_199 : memref<1x632xf32, #tpu.memory_space<vmem_shared>> -> memref<632xf32, #tpu.memory_space<vmem_shared>>
      %dma_start3A_201 = arith.constant 0 : i32
      %dma_start3A_202 = tpu.memref_slice %arg16[%run_scoped3A_142, %dma_start3A_201] : memref<16x640xf32, #tpu.memory_space<vmem>> -> memref<1x632xf32, #tpu.memory_space<vmem>>
      %dma_start3A_203 = tpu.memref_squeeze %dma_start3A_202 : memref<1x632xf32, #tpu.memory_space<vmem>> -> memref<632xf32, #tpu.memory_space<vmem>>
      %dma_start3A_204 = tpu.memref_slice %arg19[%run_scoped3A_141, %multiple_of3A] : memref<16x10000xf32, #tpu.memory_space<vmem_shared>> -> memref<1x632xf32, #tpu.memory_space<vmem_shared>>
      %dma_start3A_205 = tpu.memref_squeeze %dma_start3A_204 : memref<1x632xf32, #tpu.memory_space<vmem_shared>> -> memref<632xf32, #tpu.memory_space<vmem_shared>>
      tpu.enqueue_dma source(%dma_start3A_205 : memref<632xf32, #tpu.memory_space<vmem_shared>>) target(%dma_start3A_203 : memref<632xf32, #tpu.memory_space<vmem>>) target_semaphore(%run_scoped3A_195 : memref<!tpu.dma_semaphore, #tpu.memory_space<semaphore_mem>>)
      %dma_wait3A_206 = arith.constant 0 : i32
      %dma_wait3A_207 = tpu.memref_slice %arg16[%run_scoped3A_142, %dma_wait3A_206] : memref<16x640xf32, #tpu.memory_space<vmem>> -> memref<1x632xf32, #tpu.memory_space<vmem>>
      %dma_wait3A_208 = tpu.memref_squeeze %dma_wait3A_207 : memref<1x632xf32, #tpu.memory_space<vmem>> -> memref<632xf32, #tpu.memory_space<vmem>>
      %dma_wait3A_209 = tpu.memref_slice %arg19[%run_scoped3A_141, %multiple_of3A] : memref<16x10000xf32, #tpu.memory_space<vmem_shared>> -> memref<1x632xf32, #tpu.memory_space<vmem_shared>>
      %dma_wait3A_210 = tpu.memref_squeeze %dma_wait3A_209 : memref<1x632xf32, #tpu.memory_space<vmem_shared>> -> memref<632xf32, #tpu.memory_space<vmem_shared>>
      %dma_wait3A_211 = arith.constant 0 : i32
      %dma_wait3A_212 = tpu.memref_slice %arg16[%run_scoped3A_142, %dma_wait3A_211] : memref<16x640xf32, #tpu.memory_space<vmem>> -> memref<1x632xf32, #tpu.memory_space<vmem>>
      %dma_wait3A_213 = tpu.memref_squeeze %dma_wait3A_212 : memref<1x632xf32, #tpu.memory_space<vmem>> -> memref<632xf32, #tpu.memory_space<vmem>>
      %dma_wait3A_214 = tpu.memref_slice %arg19[%run_scoped3A_141, %multiple_of3A] : memref<16x10000xf32, #tpu.memory_space<vmem_shared>> -> memref<1x632xf32, #tpu.memory_space<vmem_shared>>
      %dma_wait3A_215 = tpu.memref_squeeze %dma_wait3A_214 : memref<1x632xf32, #tpu.memory_space<vmem_shared>> -> memref<632xf32, #tpu.memory_space<vmem_shared>>
      tpu.wait_dma2 semaphore(%run_scoped3A_195 : memref<!tpu.dma_semaphore, #tpu.memory_space<semaphore_mem>>) src(%dma_wait3A_215 : memref<632xf32, #tpu.memory_space<vmem_shared>>) dst(%dma_wait3A_213 : memref<632xf32, #tpu.memory_space<vmem>>)
      tpu.yield
    }) : () -> ()
    %run_scoped3A_143 = arith.constant 12 : i32
    %run_scoped3A_144 = arith.constant 12 : i32
    "tpu.region"() ({
      %run_scoped3A_195 = tpu.sem_alloc : memref<!tpu.dma_semaphore, #tpu.memory_space<semaphore_mem>>
      %dma_start3A_196 = arith.constant 0 : i32
      %dma_start3A_197 = tpu.memref_slice %arg16[%run_scoped3A_144, %dma_start3A_196] : memref<16x640xf32, #tpu.memory_space<vmem>> -> memref<1x632xf32, #tpu.memory_space<vmem>>
      %dma_start3A_198 = tpu.memref_squeeze %dma_start3A_197 : memref<1x632xf32, #tpu.memory_space<vmem>> -> memref<632xf32, #tpu.memory_space<vmem>>
      %dma_start3A_199 = tpu.memref_slice %arg19[%run_scoped3A_143, %multiple_of3A] : memref<16x10000xf32, #tpu.memory_space<vmem_shared>> -> memref<1x632xf32, #tpu.memory_space<vmem_shared>>
      %dma_start3A_200 = tpu.memref_squeeze %dma_start3A_199 : memref<1x632xf32, #tpu.memory_space<vmem_shared>> -> memref<632xf32, #tpu.memory_space<vmem_shared>>
      %dma_start3A_201 = arith.constant 0 : i32
      %dma_start3A_202 = tpu.memref_slice %arg16[%run_scoped3A_144, %dma_start3A_201] : memref<16x640xf32, #tpu.memory_space<vmem>> -> memref<1x632xf32, #tpu.memory_space<vmem>>
      %dma_start3A_203 = tpu.memref_squeeze %dma_start3A_202 : memref<1x632xf32, #tpu.memory_space<vmem>> -> memref<632xf32, #tpu.memory_space<vmem>>
      %dma_start3A_204 = tpu.memref_slice %arg19[%run_scoped3A_143, %multiple_of3A] : memref<16x10000xf32, #tpu.memory_space<vmem_shared>> -> memref<1x632xf32, #tpu.memory_space<vmem_shared>>
      %dma_start3A_205 = tpu.memref_squeeze %dma_start3A_204 : memref<1x632xf32, #tpu.memory_space<vmem_shared>> -> memref<632xf32, #tpu.memory_space<vmem_shared>>
      tpu.enqueue_dma source(%dma_start3A_205 : memref<632xf32, #tpu.memory_space<vmem_shared>>) target(%dma_start3A_203 : memref<632xf32, #tpu.memory_space<vmem>>) target_semaphore(%run_scoped3A_195 : memref<!tpu.dma_semaphore, #tpu.memory_space<semaphore_mem>>)
      %dma_wait3A_206 = arith.constant 0 : i32
      %dma_wait3A_207 = tpu.memref_slice %arg16[%run_scoped3A_144, %dma_wait3A_206] : memref<16x640xf32, #tpu.memory_space<vmem>> -> memref<1x632xf32, #tpu.memory_space<vmem>>
      %dma_wait3A_208 = tpu.memref_squeeze %dma_wait3A_207 : memref<1x632xf32, #tpu.memory_space<vmem>> -> memref<632xf32, #tpu.memory_space<vmem>>
      %dma_wait3A_209 = tpu.memref_slice %arg19[%run_scoped3A_143, %multiple_of3A] : memref<16x10000xf32, #tpu.memory_space<vmem_shared>> -> memref<1x632xf32, #tpu.memory_space<vmem_shared>>
      %dma_wait3A_210 = tpu.memref_squeeze %dma_wait3A_209 : memref<1x632xf32, #tpu.memory_space<vmem_shared>> -> memref<632xf32, #tpu.memory_space<vmem_shared>>
      %dma_wait3A_211 = arith.constant 0 : i32
      %dma_wait3A_212 = tpu.memref_slice %arg16[%run_scoped3A_144, %dma_wait3A_211] : memref<16x640xf32, #tpu.memory_space<vmem>> -> memref<1x632xf32, #tpu.memory_space<vmem>>
      %dma_wait3A_213 = tpu.memref_squeeze %dma_wait3A_212 : memref<1x632xf32, #tpu.memory_space<vmem>> -> memref<632xf32, #tpu.memory_space<vmem>>
      %dma_wait3A_214 = tpu.memref_slice %arg19[%run_scoped3A_143, %multiple_of3A] : memref<16x10000xf32, #tpu.memory_space<vmem_shared>> -> memref<1x632xf32, #tpu.memory_space<vmem_shared>>
      %dma_wait3A_215 = tpu.memref_squeeze %dma_wait3A_214 : memref<1x632xf32, #tpu.memory_space<vmem_shared>> -> memref<632xf32, #tpu.memory_space<vmem_shared>>
      tpu.wait_dma2 semaphore(%run_scoped3A_195 : memref<!tpu.dma_semaphore, #tpu.memory_space<semaphore_mem>>) src(%dma_wait3A_215 : memref<632xf32, #tpu.memory_space<vmem_shared>>) dst(%dma_wait3A_213 : memref<632xf32, #tpu.memory_space<vmem>>)
      tpu.yield
    }) : () -> ()
    %run_scoped3A_145 = arith.constant 13 : i32
    %run_scoped3A_146 = arith.constant 13 : i32
    "tpu.region"() ({
      %run_scoped3A_195 = tpu.sem_alloc : memref<!tpu.dma_semaphore, #tpu.memory_space<semaphore_mem>>
      %dma_start3A_196 = arith.constant 0 : i32
      %dma_start3A_197 = tpu.memref_slice %arg16[%run_scoped3A_146, %dma_start3A_196] : memref<16x640xf32, #tpu.memory_space<vmem>> -> memref<1x632xf32, #tpu.memory_space<vmem>>
      %dma_start3A_198 = tpu.memref_squeeze %dma_start3A_197 : memref<1x632xf32, #tpu.memory_space<vmem>> -> memref<632xf32, #tpu.memory_space<vmem>>
      %dma_start3A_199 = tpu.memref_slice %arg19[%run_scoped3A_145, %multiple_of3A] : memref<16x10000xf32, #tpu.memory_space<vmem_shared>> -> memref<1x632xf32, #tpu.memory_space<vmem_shared>>
      %dma_start3A_200 = tpu.memref_squeeze %dma_start3A_199 : memref<1x632xf32, #tpu.memory_space<vmem_shared>> -> memref<632xf32, #tpu.memory_space<vmem_shared>>
      %dma_start3A_201 = arith.constant 0 : i32
      %dma_start3A_202 = tpu.memref_slice %arg16[%run_scoped3A_146, %dma_start3A_201] : memref<16x640xf32, #tpu.memory_space<vmem>> -> memref<1x632xf32, #tpu.memory_space<vmem>>
      %dma_start3A_203 = tpu.memref_squeeze %dma_start3A_202 : memref<1x632xf32, #tpu.memory_space<vmem>> -> memref<632xf32, #tpu.memory_space<vmem>>
      %dma_start3A_204 = tpu.memref_slice %arg19[%run_scoped3A_145, %multiple_of3A] : memref<16x10000xf32, #tpu.memory_space<vmem_shared>> -> memref<1x632xf32, #tpu.memory_space<vmem_shared>>
      %dma_start3A_205 = tpu.memref_squeeze %dma_start3A_204 : memref<1x632xf32, #tpu.memory_space<vmem_shared>> -> memref<632xf32, #tpu.memory_space<vmem_shared>>
      tpu.enqueue_dma source(%dma_start3A_205 : memref<632xf32, #tpu.memory_space<vmem_shared>>) target(%dma_start3A_203 : memref<632xf32, #tpu.memory_space<vmem>>) target_semaphore(%run_scoped3A_195 : memref<!tpu.dma_semaphore, #tpu.memory_space<semaphore_mem>>)
      %dma_wait3A_206 = arith.constant 0 : i32
      %dma_wait3A_207 = tpu.memref_slice %arg16[%run_scoped3A_146, %dma_wait3A_206] : memref<16x640xf32, #tpu.memory_space<vmem>> -> memref<1x632xf32, #tpu.memory_space<vmem>>
      %dma_wait3A_208 = tpu.memref_squeeze %dma_wait3A_207 : memref<1x632xf32, #tpu.memory_space<vmem>> -> memref<632xf32, #tpu.memory_space<vmem>>
      %dma_wait3A_209 = tpu.memref_slice %arg19[%run_scoped3A_145, %multiple_of3A] : memref<16x10000xf32, #tpu.memory_space<vmem_shared>> -> memref<1x632xf32, #tpu.memory_space<vmem_shared>>
      %dma_wait3A_210 = tpu.memref_squeeze %dma_wait3A_209 : memref<1x632xf32, #tpu.memory_space<vmem_shared>> -> memref<632xf32, #tpu.memory_space<vmem_shared>>
      %dma_wait3A_211 = arith.constant 0 : i32
      %dma_wait3A_212 = tpu.memref_slice %arg16[%run_scoped3A_146, %dma_wait3A_211] : memref<16x640xf32, #tpu.memory_space<vmem>> -> memref<1x632xf32, #tpu.memory_space<vmem>>
      %dma_wait3A_213 = tpu.memref_squeeze %dma_wait3A_212 : memref<1x632xf32, #tpu.memory_space<vmem>> -> memref<632xf32, #tpu.memory_space<vmem>>
      %dma_wait3A_214 = tpu.memref_slice %arg19[%run_scoped3A_145, %multiple_of3A] : memref<16x10000xf32, #tpu.memory_space<vmem_shared>> -> memref<1x632xf32, #tpu.memory_space<vmem_shared>>
      %dma_wait3A_215 = tpu.memref_squeeze %dma_wait3A_214 : memref<1x632xf32, #tpu.memory_space<vmem_shared>> -> memref<632xf32, #tpu.memory_space<vmem_shared>>
      tpu.wait_dma2 semaphore(%run_scoped3A_195 : memref<!tpu.dma_semaphore, #tpu.memory_space<semaphore_mem>>) src(%dma_wait3A_215 : memref<632xf32, #tpu.memory_space<vmem_shared>>) dst(%dma_wait3A_213 : memref<632xf32, #tpu.memory_space<vmem>>)
      tpu.yield
    }) : () -> ()
    %run_scoped3A_147 = arith.constant 14 : i32
    %run_scoped3A_148 = arith.constant 14 : i32
    "tpu.region"() ({
      %run_scoped3A_195 = tpu.sem_alloc : memref<!tpu.dma_semaphore, #tpu.memory_space<semaphore_mem>>
      %dma_start3A_196 = arith.constant 0 : i32
      %dma_start3A_197 = tpu.memref_slice %arg16[%run_scoped3A_148, %dma_start3A_196] : memref<16x640xf32, #tpu.memory_space<vmem>> -> memref<1x632xf32, #tpu.memory_space<vmem>>
      %dma_start3A_198 = tpu.memref_squeeze %dma_start3A_197 : memref<1x632xf32, #tpu.memory_space<vmem>> -> memref<632xf32, #tpu.memory_space<vmem>>
      %dma_start3A_199 = tpu.memref_slice %arg19[%run_scoped3A_147, %multiple_of3A] : memref<16x10000xf32, #tpu.memory_space<vmem_shared>> -> memref<1x632xf32, #tpu.memory_space<vmem_shared>>
      %dma_start3A_200 = tpu.memref_squeeze %dma_start3A_199 : memref<1x632xf32, #tpu.memory_space<vmem_shared>> -> memref<632xf32, #tpu.memory_space<vmem_shared>>
      %dma_start3A_201 = arith.constant 0 : i32
      %dma_start3A_202 = tpu.memref_slice %arg16[%run_scoped3A_148, %dma_start3A_201] : memref<16x640xf32, #tpu.memory_space<vmem>> -> memref<1x632xf32, #tpu.memory_space<vmem>>
      %dma_start3A_203 = tpu.memref_squeeze %dma_start3A_202 : memref<1x632xf32, #tpu.memory_space<vmem>> -> memref<632xf32, #tpu.memory_space<vmem>>
      %dma_start3A_204 = tpu.memref_slice %arg19[%run_scoped3A_147, %multiple_of3A] : memref<16x10000xf32, #tpu.memory_space<vmem_shared>> -> memref<1x632xf32, #tpu.memory_space<vmem_shared>>
      %dma_start3A_205 = tpu.memref_squeeze %dma_start3A_204 : memref<1x632xf32, #tpu.memory_space<vmem_shared>> -> memref<632xf32, #tpu.memory_space<vmem_shared>>
      tpu.enqueue_dma source(%dma_start3A_205 : memref<632xf32, #tpu.memory_space<vmem_shared>>) target(%dma_start3A_203 : memref<632xf32, #tpu.memory_space<vmem>>) target_semaphore(%run_scoped3A_195 : memref<!tpu.dma_semaphore, #tpu.memory_space<semaphore_mem>>)
      %dma_wait3A_206 = arith.constant 0 : i32
      %dma_wait3A_207 = tpu.memref_slice %arg16[%run_scoped3A_148, %dma_wait3A_206] : memref<16x640xf32, #tpu.memory_space<vmem>> -> memref<1x632xf32, #tpu.memory_space<vmem>>
      %dma_wait3A_208 = tpu.memref_squeeze %dma_wait3A_207 : memref<1x632xf32, #tpu.memory_space<vmem>> -> memref<632xf32, #tpu.memory_space<vmem>>
      %dma_wait3A_209 = tpu.memref_slice %arg19[%run_scoped3A_147, %multiple_of3A] : memref<16x10000xf32, #tpu.memory_space<vmem_shared>> -> memref<1x632xf32, #tpu.memory_space<vmem_shared>>
      %dma_wait3A_210 = tpu.memref_squeeze %dma_wait3A_209 : memref<1x632xf32, #tpu.memory_space<vmem_shared>> -> memref<632xf32, #tpu.memory_space<vmem_shared>>
      %dma_wait3A_211 = arith.constant 0 : i32
      %dma_wait3A_212 = tpu.memref_slice %arg16[%run_scoped3A_148, %dma_wait3A_211] : memref<16x640xf32, #tpu.memory_space<vmem>> -> memref<1x632xf32, #tpu.memory_space<vmem>>
      %dma_wait3A_213 = tpu.memref_squeeze %dma_wait3A_212 : memref<1x632xf32, #tpu.memory_space<vmem>> -> memref<632xf32, #tpu.memory_space<vmem>>
      %dma_wait3A_214 = tpu.memref_slice %arg19[%run_scoped3A_147, %multiple_of3A] : memref<16x10000xf32, #tpu.memory_space<vmem_shared>> -> memref<1x632xf32, #tpu.memory_space<vmem_shared>>
      %dma_wait3A_215 = tpu.memref_squeeze %dma_wait3A_214 : memref<1x632xf32, #tpu.memory_space<vmem_shared>> -> memref<632xf32, #tpu.memory_space<vmem_shared>>
      tpu.wait_dma2 semaphore(%run_scoped3A_195 : memref<!tpu.dma_semaphore, #tpu.memory_space<semaphore_mem>>) src(%dma_wait3A_215 : memref<632xf32, #tpu.memory_space<vmem_shared>>) dst(%dma_wait3A_213 : memref<632xf32, #tpu.memory_space<vmem>>)
      tpu.yield
    }) : () -> ()
    %run_scoped3A_149 = arith.constant 15 : i32
    %run_scoped3A_150 = arith.constant 15 : i32
    "tpu.region"() ({
      %run_scoped3A_195 = tpu.sem_alloc : memref<!tpu.dma_semaphore, #tpu.memory_space<semaphore_mem>>
      %dma_start3A_196 = arith.constant 0 : i32
      %dma_start3A_197 = tpu.memref_slice %arg16[%run_scoped3A_150, %dma_start3A_196] : memref<16x640xf32, #tpu.memory_space<vmem>> -> memref<1x632xf32, #tpu.memory_space<vmem>>
      %dma_start3A_198 = tpu.memref_squeeze %dma_start3A_197 : memref<1x632xf32, #tpu.memory_space<vmem>> -> memref<632xf32, #tpu.memory_space<vmem>>
      %dma_start3A_199 = tpu.memref_slice %arg19[%run_scoped3A_149, %multiple_of3A] : memref<16x10000xf32, #tpu.memory_space<vmem_shared>> -> memref<1x632xf32, #tpu.memory_space<vmem_shared>>
      %dma_start3A_200 = tpu.memref_squeeze %dma_start3A_199 : memref<1x632xf32, #tpu.memory_space<vmem_shared>> -> memref<632xf32, #tpu.memory_space<vmem_shared>>
      %dma_start3A_201 = arith.constant 0 : i32
      %dma_start3A_202 = tpu.memref_slice %arg16[%run_scoped3A_150, %dma_start3A_201] : memref<16x640xf32, #tpu.memory_space<vmem>> -> memref<1x632xf32, #tpu.memory_space<vmem>>
      %dma_start3A_203 = tpu.memref_squeeze %dma_start3A_202 : memref<1x632xf32, #tpu.memory_space<vmem>> -> memref<632xf32, #tpu.memory_space<vmem>>
      %dma_start3A_204 = tpu.memref_slice %arg19[%run_scoped3A_149, %multiple_of3A] : memref<16x10000xf32, #tpu.memory_space<vmem_shared>> -> memref<1x632xf32, #tpu.memory_space<vmem_shared>>
      %dma_start3A_205 = tpu.memref_squeeze %dma_start3A_204 : memref<1x632xf32, #tpu.memory_space<vmem_shared>> -> memref<632xf32, #tpu.memory_space<vmem_shared>>
      tpu.enqueue_dma source(%dma_start3A_205 : memref<632xf32, #tpu.memory_space<vmem_shared>>) target(%dma_start3A_203 : memref<632xf32, #tpu.memory_space<vmem>>) target_semaphore(%run_scoped3A_195 : memref<!tpu.dma_semaphore, #tpu.memory_space<semaphore_mem>>)
      %dma_wait3A_206 = arith.constant 0 : i32
      %dma_wait3A_207 = tpu.memref_slice %arg16[%run_scoped3A_150, %dma_wait3A_206] : memref<16x640xf32, #tpu.memory_space<vmem>> -> memref<1x632xf32, #tpu.memory_space<vmem>>
      %dma_wait3A_208 = tpu.memref_squeeze %dma_wait3A_207 : memref<1x632xf32, #tpu.memory_space<vmem>> -> memref<632xf32, #tpu.memory_space<vmem>>
      %dma_wait3A_209 = tpu.memref_slice %arg19[%run_scoped3A_149, %multiple_of3A] : memref<16x10000xf32, #tpu.memory_space<vmem_shared>> -> memref<1x632xf32, #tpu.memory_space<vmem_shared>>
      %dma_wait3A_210 = tpu.memref_squeeze %dma_wait3A_209 : memref<1x632xf32, #tpu.memory_space<vmem_shared>> -> memref<632xf32, #tpu.memory_space<vmem_shared>>
      %dma_wait3A_211 = arith.constant 0 : i32
      %dma_wait3A_212 = tpu.memref_slice %arg16[%run_scoped3A_150, %dma_wait3A_211] : memref<16x640xf32, #tpu.memory_space<vmem>> -> memref<1x632xf32, #tpu.memory_space<vmem>>
      %dma_wait3A_213 = tpu.memref_squeeze %dma_wait3A_212 : memref<1x632xf32, #tpu.memory_space<vmem>> -> memref<632xf32, #tpu.memory_space<vmem>>
      %dma_wait3A_214 = tpu.memref_slice %arg19[%run_scoped3A_149, %multiple_of3A] : memref<16x10000xf32, #tpu.memory_space<vmem_shared>> -> memref<1x632xf32, #tpu.memory_space<vmem_shared>>
      %dma_wait3A_215 = tpu.memref_squeeze %dma_wait3A_214 : memref<1x632xf32, #tpu.memory_space<vmem_shared>> -> memref<632xf32, #tpu.memory_space<vmem_shared>>
      tpu.wait_dma2 semaphore(%run_scoped3A_195 : memref<!tpu.dma_semaphore, #tpu.memory_space<semaphore_mem>>) src(%dma_wait3A_215 : memref<632xf32, #tpu.memory_space<vmem_shared>>) dst(%dma_wait3A_213 : memref<632xf32, #tpu.memory_space<vmem>>)
      tpu.yield
    }) : () -> ()
    %scan3A_151 = arith.constant 0 : i32
    %scan3A_152 = arith.constant 0 : i32
    %scan3A_153 = arith.constant 632 : i32
    %scan3A_154 = arith.addi %scan3A_152, %scan3A_153 : i32
    %scan3A_155 = arith.constant 1 : i32
    scf.for %scan3A_195 = %scan3A_152 to %scan3A_154 step %scan3A_155  : i32 {
      %swap3A = arith.index_cast %scan3A_195 : i32 to index
      %swap3A_196 = arith.constant 0 : index
      %swap3A_197 = tpu.vector_load %arg15[%swap3A, %swap3A_196] {strides = array<i32>} : memref<632x16xf32, #tpu.memory_space<vmem>>, vector<16xf32>,
      tpu.vector_store %arg15[%swap3A, %swap3A_196], %broadcast_in_dim3A_6 {strides = array<i32>} : memref<632x16xf32, #tpu.memory_space<vmem>>, vector<16xf32>,
    }
    %scan3A_156 = arith.constant 632 : i32
    %scan3A_157 = arith.constant 0 : i32
    %scan3A_158 = arith.constant 0 : i32
    %scan3A_159 = arith.constant 40 : i32
    %scan3A_160 = arith.addi %scan3A_158, %scan3A_159 : i32
    %scan3A_161 = arith.constant 1 : i32
    scf.for %scan3A_195 = %scan3A_158 to %scan3A_160 step %scan3A_161  : i32 {
      %mul3A_196 = arith.constant 16 : i32
      %mul3A_197 = arith.muli %scan3A_195, %mul3A_196 : i32
      %get3A = arith.constant 0 : i32
      %get3A_198 = arith.index_cast %get3A : i32 to index
      %get3A_199 = arith.index_cast %mul3A_197 : i32 to index
      %get3A_200 = tpu.vector_load %arg16[%get3A_198, %get3A_199] {strides = array<i32>} : memref<16x640xf32, #tpu.memory_space<vmem>>, vector<16xf32>,
      %add3A_201 = arith.addf %broadcast_in_dim3A_6, %get3A_200 : vector<16xf32>
      %mul3A_202 = arith.constant 16 : i32
      %mul3A_203 = arith.muli %scan3A_195, %mul3A_202 : i32
      %get3A_204 = arith.constant 1 : i32
      %get3A_205 = arith.index_cast %get3A_204 : i32 to index
      %get3A_206 = arith.index_cast %mul3A_203 : i32 to index
      %get3A_207 = tpu.vector_load %arg16[%get3A_205, %get3A_206] {strides = array<i32>} : memref<16x640xf32, #tpu.memory_space<vmem>>, vector<16xf32>,
      %add3A_208 = arith.addf %add3A_201, %get3A_207 : vector<16xf32>
      %mul3A_209 = arith.constant 16 : i32
      %mul3A_210 = arith.muli %scan3A_195, %mul3A_209 : i32
      %get3A_211 = arith.constant 2 : i32
      %get3A_212 = arith.index_cast %get3A_211 : i32 to index
      %get3A_213 = arith.index_cast %mul3A_210 : i32 to index
      %get3A_214 = tpu.vector_load %arg16[%get3A_212, %get3A_213] {strides = array<i32>} : memref<16x640xf32, #tpu.memory_space<vmem>>, vector<16xf32>,
      %add3A_215 = arith.addf %add3A_208, %get3A_214 : vector<16xf32>
      %mul3A_216 = arith.constant 16 : i32
      %mul3A_217 = arith.muli %scan3A_195, %mul3A_216 : i32
      %get3A_218 = arith.constant 3 : i32
      %get3A_219 = arith.index_cast %get3A_218 : i32 to index
      %get3A_220 = arith.index_cast %mul3A_217 : i32 to index
      %get3A_221 = tpu.vector_load %arg16[%get3A_219, %get3A_220] {strides = array<i32>} : memref<16x640xf32, #tpu.memory_space<vmem>>, vector<16xf32>,
      %add3A_222 = arith.addf %add3A_215, %get3A_221 : vector<16xf32>
      %mul3A_223 = arith.constant 16 : i32
      %mul3A_224 = arith.muli %scan3A_195, %mul3A_223 : i32
      %get3A_225 = arith.constant 4 : i32
      %get3A_226 = arith.index_cast %get3A_225 : i32 to index
      %get3A_227 = arith.index_cast %mul3A_224 : i32 to index
      %get3A_228 = tpu.vector_load %arg16[%get3A_226, %get3A_227] {strides = array<i32>} : memref<16x640xf32, #tpu.memory_space<vmem>>, vector<16xf32>,
      %add3A_229 = arith.addf %add3A_222, %get3A_228 : vector<16xf32>
      %mul3A_230 = arith.constant 16 : i32
      %mul3A_231 = arith.muli %scan3A_195, %mul3A_230 : i32
      %get3A_232 = arith.constant 5 : i32
      %get3A_233 = arith.index_cast %get3A_232 : i32 to index
      %get3A_234 = arith.index_cast %mul3A_231 : i32 to index
      %get3A_235 = tpu.vector_load %arg16[%get3A_233, %get3A_234] {strides = array<i32>} : memref<16x640xf32, #tpu.memory_space<vmem>>, vector<16xf32>,
      %add3A_236 = arith.addf %add3A_229, %get3A_235 : vector<16xf32>
      %mul3A_237 = arith.constant 16 : i32
      %mul3A_238 = arith.muli %scan3A_195, %mul3A_237 : i32
      %get3A_239 = arith.constant 6 : i32
      %get3A_240 = arith.index_cast %get3A_239 : i32 to index
      %get3A_241 = arith.index_cast %mul3A_238 : i32 to index
      %get3A_242 = tpu.vector_load %arg16[%get3A_240, %get3A_241] {strides = array<i32>} : memref<16x640xf32, #tpu.memory_space<vmem>>, vector<16xf32>,
      %add3A_243 = arith.addf %add3A_236, %get3A_242 : vector<16xf32>
      %mul3A_244 = arith.constant 16 : i32
      %mul3A_245 = arith.muli %scan3A_195, %mul3A_244 : i32
      %get3A_246 = arith.constant 7 : i32
      %get3A_247 = arith.index_cast %get3A_246 : i32 to index
      %get3A_248 = arith.index_cast %mul3A_245 : i32 to index
      %get3A_249 = tpu.vector_load %arg16[%get3A_247, %get3A_248] {strides = array<i32>} : memref<16x640xf32, #tpu.memory_space<vmem>>, vector<16xf32>,
      %add3A_250 = arith.addf %add3A_243, %get3A_249 : vector<16xf32>
      %mul3A_251 = arith.constant 16 : i32
      %mul3A_252 = arith.muli %scan3A_195, %mul3A_251 : i32
      %get3A_253 = arith.constant 8 : i32
      %get3A_254 = arith.index_cast %get3A_253 : i32 to index
      %get3A_255 = arith.index_cast %mul3A_252 : i32 to index
      %get3A_256 = tpu.vector_load %arg16[%get3A_254, %get3A_255] {strides = array<i32>} : memref<16x640xf32, #tpu.memory_space<vmem>>, vector<16xf32>,
      %add3A_257 = arith.addf %add3A_250, %get3A_256 : vector<16xf32>
      %mul3A_258 = arith.constant 16 : i32
      %mul3A_259 = arith.muli %scan3A_195, %mul3A_258 : i32
      %get3A_260 = arith.constant 9 : i32
      %get3A_261 = arith.index_cast %get3A_260 : i32 to index
      %get3A_262 = arith.index_cast %mul3A_259 : i32 to index
      %get3A_263 = tpu.vector_load %arg16[%get3A_261, %get3A_262] {strides = array<i32>} : memref<16x640xf32, #tpu.memory_space<vmem>>, vector<16xf32>,
      %add3A_264 = arith.addf %add3A_257, %get3A_263 : vector<16xf32>
      %mul3A_265 = arith.constant 16 : i32
      %mul3A_266 = arith.muli %scan3A_195, %mul3A_265 : i32
      %get3A_267 = arith.constant 10 : i32
      %get3A_268 = arith.index_cast %get3A_267 : i32 to index
      %get3A_269 = arith.index_cast %mul3A_266 : i32 to index
      %get3A_270 = tpu.vector_load %arg16[%get3A_268, %get3A_269] {strides = array<i32>} : memref<16x640xf32, #tpu.memory_space<vmem>>, vector<16xf32>,
      %add3A_271 = arith.addf %add3A_264, %get3A_270 : vector<16xf32>
      %mul3A_272 = arith.constant 16 : i32
      %mul3A_273 = arith.muli %scan3A_195, %mul3A_272 : i32
      %get3A_274 = arith.constant 11 : i32
      %get3A_275 = arith.index_cast %get3A_274 : i32 to index
      %get3A_276 = arith.index_cast %mul3A_273 : i32 to index
      %get3A_277 = tpu.vector_load %arg16[%get3A_275, %get3A_276] {strides = array<i32>} : memref<16x640xf32, #tpu.memory_space<vmem>>, vector<16xf32>,
      %add3A_278 = arith.addf %add3A_271, %get3A_277 : vector<16xf32>
      %mul3A_279 = arith.constant 16 : i32
      %mul3A_280 = arith.muli %scan3A_195, %mul3A_279 : i32
      %get3A_281 = arith.constant 12 : i32
      %get3A_282 = arith.index_cast %get3A_281 : i32 to index
      %get3A_283 = arith.index_cast %mul3A_280 : i32 to index
      %get3A_284 = tpu.vector_load %arg16[%get3A_282, %get3A_283] {strides = array<i32>} : memref<16x640xf32, #tpu.memory_space<vmem>>, vector<16xf32>,
      %add3A_285 = arith.addf %add3A_278, %get3A_284 : vector<16xf32>
      %mul3A_286 = arith.constant 16 : i32
      %mul3A_287 = arith.muli %scan3A_195, %mul3A_286 : i32
      %get3A_288 = arith.constant 13 : i32
      %get3A_289 = arith.index_cast %get3A_288 : i32 to index
      %get3A_290 = arith.index_cast %mul3A_287 : i32 to index
      %get3A_291 = tpu.vector_load %arg16[%get3A_289, %get3A_290] {strides = array<i32>} : memref<16x640xf32, #tpu.memory_space<vmem>>, vector<16xf32>,
      %add3A_292 = arith.addf %add3A_285, %get3A_291 : vector<16xf32>
      %mul3A_293 = arith.constant 16 : i32
      %mul3A_294 = arith.muli %scan3A_195, %mul3A_293 : i32
      %get3A_295 = arith.constant 14 : i32
      %get3A_296 = arith.index_cast %get3A_295 : i32 to index
      %get3A_297 = arith.index_cast %mul3A_294 : i32 to index
      %get3A_298 = tpu.vector_load %arg16[%get3A_296, %get3A_297] {strides = array<i32>} : memref<16x640xf32, #tpu.memory_space<vmem>>, vector<16xf32>,
      %add3A_299 = arith.addf %add3A_292, %get3A_298 : vector<16xf32>
      %mul3A_300 = arith.constant 16 : i32
      %mul3A_301 = arith.muli %scan3A_195, %mul3A_300 : i32
      %get3A_302 = arith.constant 15 : i32
      %get3A_303 = arith.index_cast %get3A_302 : i32 to index
      %get3A_304 = arith.index_cast %mul3A_301 : i32 to index
      %get3A_305 = tpu.vector_load %arg16[%get3A_303, %get3A_304] {strides = array<i32>} : memref<16x640xf32, #tpu.memory_space<vmem>>, vector<16xf32>,
      %add3A_306 = arith.addf %add3A_299, %get3A_305 : vector<16xf32>
      %mul3A_307 = arith.constant 16 : i32
      %mul3A_308 = arith.muli %scan3A_195, %mul3A_307 : i32
      %add3A_309 = vector.broadcast %mul3A_308 : i32 to vector<16xi32>
      %add3A_310 = arith.addi %iota3A, %add3A_309 : vector<16xi32>
      %mul3A_311 = arith.constant 16 : i32
      %mul3A_312 = arith.muli %scan3A_195, %mul3A_311 : i32
      %add3A_313 = vector.broadcast %mul3A_312 : i32 to vector<16xi32>
      %add3A_314 = arith.addi %iota3A, %add3A_313 : vector<16xi32>
      %lt3A = arith.constant 632 : i32
      %lt3A_315 = vector.broadcast %lt3A : i32 to vector<16xi32>
      %lt3A_316 = arith.cmpi slt, %add3A_314, %lt3A_315 : vector<16xi32>
      tpu.vector_store_idx %arg15[%add3A_310, %broadcast_in_dim3A_8], %add3A_306 masked %lt3A_316 : memref<632x16xf32, #tpu.memory_space<vmem>>[vector<16xi32>, vector<16xi32>], vector<16xf32>, vector<16xi1>
    }
    %scan3A_162 = arith.constant 40 : i32
    "tpu.region"() ({
      %run_scoped3A_195 = tpu.sem_alloc : memref<!tpu.dma_semaphore, #tpu.memory_space<semaphore_mem>>
      %dma_start3A_196 = arith.constant 0 : i32
      %dma_start3A_197 = tpu.memref_slice %arg7[%arg0, %multiple_of3A, %dma_start3A_196] : memref<2x10000x16xf32, #tpu.memory_space<hbm>> -> memref<1x632x16xf32, #tpu.memory_space<hbm>>
      %dma_start3A_198 = tpu.memref_squeeze %dma_start3A_197 : memref<1x632x16xf32, #tpu.memory_space<hbm>> -> memref<632x16xf32, #tpu.memory_space<hbm>>
      %dma_start3A_199 = arith.constant 0 : i32
      %dma_start3A_200 = tpu.memref_slice %arg7[%arg0, %multiple_of3A, %dma_start3A_199] : memref<2x10000x16xf32, #tpu.memory_space<hbm>> -> memref<1x632x16xf32, #tpu.memory_space<hbm>>
      %dma_start3A_201 = tpu.memref_squeeze %dma_start3A_200 : memref<1x632x16xf32, #tpu.memory_space<hbm>> -> memref<632x16xf32, #tpu.memory_space<hbm>>
      tpu.enqueue_dma source(%arg15 : memref<632x16xf32, #tpu.memory_space<vmem>>) target(%dma_start3A_201 : memref<632x16xf32, #tpu.memory_space<hbm>>) target_semaphore(%run_scoped3A_195 : memref<!tpu.dma_semaphore, #tpu.memory_space<semaphore_mem>>)
      %dma_wait3A_202 = arith.constant 0 : i32
      %dma_wait3A_203 = tpu.memref_slice %arg7[%arg0, %multiple_of3A, %dma_wait3A_202] : memref<2x10000x16xf32, #tpu.memory_space<hbm>> -> memref<1x632x16xf32, #tpu.memory_space<hbm>>
      %dma_wait3A_204 = tpu.memref_squeeze %dma_wait3A_203 : memref<1x632x16xf32, #tpu.memory_space<hbm>> -> memref<632x16xf32, #tpu.memory_space<hbm>>
      %dma_wait3A_205 = arith.constant 0 : i32
      %dma_wait3A_206 = tpu.memref_slice %arg7[%arg0, %multiple_of3A, %dma_wait3A_205] : memref<2x10000x16xf32, #tpu.memory_space<hbm>> -> memref<1x632x16xf32, #tpu.memory_space<hbm>>
      %dma_wait3A_207 = tpu.memref_squeeze %dma_wait3A_206 : memref<1x632x16xf32, #tpu.memory_space<hbm>> -> memref<632x16xf32, #tpu.memory_space<hbm>>
      tpu.wait_dma2 semaphore(%run_scoped3A_195 : memref<!tpu.dma_semaphore, #tpu.memory_space<semaphore_mem>>) src(%arg15 : memref<632x16xf32, #tpu.memory_space<vmem>>) dst(%dma_wait3A_207 : memref<632x16xf32, #tpu.memory_space<hbm>>)
      tpu.yield
    }) : () -> ()
    %add3A_163 = arith.constant 0 : i32
    %add3A_164 = arith.addi %mul3A_4, %add3A_163 : i32
    %run_scoped3A_165 = arith.constant 0 : i32
    "tpu.region"() ({
      %run_scoped3A_195 = tpu.sem_alloc : memref<!tpu.dma_semaphore, #tpu.memory_space<semaphore_mem>>
      %dma_start3A_196 = arith.constant 0 : i32
      %dma_start3A_197 = arith.constant 0 : i32
      %dma_start3A_198 = tpu.memref_slice %arg10[%run_scoped3A_165, %dma_start3A_196, %dma_start3A_197] : memref<3x80x128xbf16, #tpu.memory_space<vmem>> -> memref<1x80x128xbf16, #tpu.memory_space<vmem>>
      %dma_start3A_199 = tpu.memref_squeeze %dma_start3A_198 : memref<1x80x128xbf16, #tpu.memory_space<vmem>> -> memref<80x128xbf16, #tpu.memory_space<vmem>>
      %dma_start3A_200 = arith.constant 0 : i32
      %dma_start3A_201 = tpu.memref_slice %arg17[%add3A_164, %dma_start3A_200] : memref<10000x128xbf16, #tpu.memory_space<vmem_shared>> -> memref<80x128xbf16, #tpu.memory_space<vmem_shared>>
      %dma_start3A_202 = arith.constant 0 : i32
      %dma_start3A_203 = arith.constant 0 : i32
      %dma_start3A_204 = tpu.memref_slice %arg10[%run_scoped3A_165, %dma_start3A_202, %dma_start3A_203] : memref<3x80x128xbf16, #tpu.memory_space<vmem>> -> memref<1x80x128xbf16, #tpu.memory_space<vmem>>
      %dma_start3A_205 = tpu.memref_squeeze %dma_start3A_204 : memref<1x80x128xbf16, #tpu.memory_space<vmem>> -> memref<80x128xbf16, #tpu.memory_space<vmem>>
      %dma_start3A_206 = arith.constant 0 : i32
      %dma_start3A_207 = tpu.memref_slice %arg17[%add3A_164, %dma_start3A_206] : memref<10000x128xbf16, #tpu.memory_space<vmem_shared>> -> memref<80x128xbf16, #tpu.memory_space<vmem_shared>>
      tpu.enqueue_dma source(%dma_start3A_207 : memref<80x128xbf16, #tpu.memory_space<vmem_shared>>) target(%dma_start3A_205 : memref<80x128xbf16, #tpu.memory_space<vmem>>) target_semaphore(%run_scoped3A_195 : memref<!tpu.dma_semaphore, #tpu.memory_space<semaphore_mem>>)
      %dma_wait3A_208 = arith.constant 0 : i32
      %dma_wait3A_209 = arith.constant 0 : i32
      %dma_wait3A_210 = tpu.memref_slice %arg10[%run_scoped3A_165, %dma_wait3A_208, %dma_wait3A_209] : memref<3x80x128xbf16, #tpu.memory_space<vmem>> -> memref<1x80x128xbf16, #tpu.memory_space<vmem>>
      %dma_wait3A_211 = tpu.memref_squeeze %dma_wait3A_210 : memref<1x80x128xbf16, #tpu.memory_space<vmem>> -> memref<80x128xbf16, #tpu.memory_space<vmem>>
      %dma_wait3A_212 = arith.constant 0 : i32
      %dma_wait3A_213 = tpu.memref_slice %arg17[%add3A_164, %dma_wait3A_212] : memref<10000x128xbf16, #tpu.memory_space<vmem_shared>> -> memref<80x128xbf16, #tpu.memory_space<vmem_shared>>
      %dma_wait3A_214 = arith.constant 0 : i32
      %dma_wait3A_215 = arith.constant 0 : i32
      %dma_wait3A_216 = tpu.memref_slice %arg10[%run_scoped3A_165, %dma_wait3A_214, %dma_wait3A_215] : memref<3x80x128xbf16, #tpu.memory_space<vmem>> -> memref<1x80x128xbf16, #tpu.memory_space<vmem>>
      %dma_wait3A_217 = tpu.memref_squeeze %dma_wait3A_216 : memref<1x80x128xbf16, #tpu.memory_space<vmem>> -> memref<80x128xbf16, #tpu.memory_space<vmem>>
      %dma_wait3A_218 = arith.constant 0 : i32
      %dma_wait3A_219 = tpu.memref_slice %arg17[%add3A_164, %dma_wait3A_218] : memref<10000x128xbf16, #tpu.memory_space<vmem_shared>> -> memref<80x128xbf16, #tpu.memory_space<vmem_shared>>
      tpu.wait_dma2 semaphore(%run_scoped3A_195 : memref<!tpu.dma_semaphore, #tpu.memory_space<semaphore_mem>>) src(%dma_wait3A_219 : memref<80x128xbf16, #tpu.memory_space<vmem_shared>>) dst(%dma_wait3A_217 : memref<80x128xbf16, #tpu.memory_space<vmem>>)
      tpu.yield
    }) : () -> ()
    %run_scoped3A_166 = arith.constant 0 : i32
    "tpu.region"() ({
      %run_scoped3A_195 = tpu.sem_alloc : memref<!tpu.dma_semaphore, #tpu.memory_space<semaphore_mem>>
      %dma_start3A_196 = arith.constant 0 : i32
      %dma_start3A_197 = arith.constant 0 : i32
      %dma_start3A_198 = tpu.memref_slice %arg10[%run_scoped3A_166, %dma_start3A_196, %dma_start3A_197] : memref<3x80x128xbf16, #tpu.memory_space<vmem>> -> memref<1x80x128xbf16, #tpu.memory_space<vmem>>
      %dma_start3A_199 = tpu.memref_squeeze %dma_start3A_198 : memref<1x80x128xbf16, #tpu.memory_space<vmem>> -> memref<80x128xbf16, #tpu.memory_space<vmem>>
      %dma_start3A_200 = arith.constant 0 : i32
      %dma_start3A_201 = tpu.memref_slice %arg6[%arg0, %add3A_164, %dma_start3A_200] : memref<2x10000x128xbf16, #tpu.memory_space<hbm>> -> memref<1x80x128xbf16, #tpu.memory_space<hbm>>
      %dma_start3A_202 = tpu.memref_squeeze %dma_start3A_201 : memref<1x80x128xbf16, #tpu.memory_space<hbm>> -> memref<80x128xbf16, #tpu.memory_space<hbm>>
      %dma_start3A_203 = arith.constant 0 : i32
      %dma_start3A_204 = tpu.memref_slice %arg6[%arg0, %add3A_164, %dma_start3A_203] : memref<2x10000x128xbf16, #tpu.memory_space<hbm>> -> memref<1x80x128xbf16, #tpu.memory_space<hbm>>
      %dma_start3A_205 = tpu.memref_squeeze %dma_start3A_204 : memref<1x80x128xbf16, #tpu.memory_space<hbm>> -> memref<80x128xbf16, #tpu.memory_space<hbm>>
      %dma_start3A_206 = arith.constant 0 : i32
      %dma_start3A_207 = arith.constant 0 : i32
      %dma_start3A_208 = tpu.memref_slice %arg10[%run_scoped3A_166, %dma_start3A_206, %dma_start3A_207] : memref<3x80x128xbf16, #tpu.memory_space<vmem>> -> memref<1x80x128xbf16, #tpu.memory_space<vmem>>
      %dma_start3A_209 = tpu.memref_squeeze %dma_start3A_208 : memref<1x80x128xbf16, #tpu.memory_space<vmem>> -> memref<80x128xbf16, #tpu.memory_space<vmem>>
      tpu.enqueue_dma source(%dma_start3A_209 : memref<80x128xbf16, #tpu.memory_space<vmem>>) target(%dma_start3A_205 : memref<80x128xbf16, #tpu.memory_space<hbm>>) target_semaphore(%run_scoped3A_195 : memref<!tpu.dma_semaphore, #tpu.memory_space<semaphore_mem>>)
      %dma_wait3A_210 = arith.constant 0 : i32
      %dma_wait3A_211 = arith.constant 0 : i32
      %dma_wait3A_212 = tpu.memref_slice %arg10[%run_scoped3A_166, %dma_wait3A_210, %dma_wait3A_211] : memref<3x80x128xbf16, #tpu.memory_space<vmem>> -> memref<1x80x128xbf16, #tpu.memory_space<vmem>>
      %dma_wait3A_213 = tpu.memref_squeeze %dma_wait3A_212 : memref<1x80x128xbf16, #tpu.memory_space<vmem>> -> memref<80x128xbf16, #tpu.memory_space<vmem>>
      %dma_wait3A_214 = arith.constant 0 : i32
      %dma_wait3A_215 = tpu.memref_slice %arg6[%arg0, %add3A_164, %dma_wait3A_214] : memref<2x10000x128xbf16, #tpu.memory_space<hbm>> -> memref<1x80x128xbf16, #tpu.memory_space<hbm>>
      %dma_wait3A_216 = tpu.memref_squeeze %dma_wait3A_215 : memref<1x80x128xbf16, #tpu.memory_space<hbm>> -> memref<80x128xbf16, #tpu.memory_space<hbm>>
      %dma_wait3A_217 = arith.constant 0 : i32
      %dma_wait3A_218 = tpu.memref_slice %arg6[%arg0, %add3A_164, %dma_wait3A_217] : memref<2x10000x128xbf16, #tpu.memory_space<hbm>> -> memref<1x80x128xbf16, #tpu.memory_space<hbm>>
      %dma_wait3A_219 = tpu.memref_squeeze %dma_wait3A_218 : memref<1x80x128xbf16, #tpu.memory_space<hbm>> -> memref<80x128xbf16, #tpu.memory_space<hbm>>
      %dma_wait3A_220 = arith.constant 0 : i32
      %dma_wait3A_221 = arith.constant 0 : i32
      %dma_wait3A_222 = tpu.memref_slice %arg10[%run_scoped3A_166, %dma_wait3A_220, %dma_wait3A_221] : memref<3x80x128xbf16, #tpu.memory_space<vmem>> -> memref<1x80x128xbf16, #tpu.memory_space<vmem>>
      %dma_wait3A_223 = tpu.memref_squeeze %dma_wait3A_222 : memref<1x80x128xbf16, #tpu.memory_space<vmem>> -> memref<80x128xbf16, #tpu.memory_space<vmem>>
      tpu.wait_dma2 semaphore(%run_scoped3A_195 : memref<!tpu.dma_semaphore, #tpu.memory_space<semaphore_mem>>) src(%dma_wait3A_223 : memref<80x128xbf16, #tpu.memory_space<vmem>>) dst(%dma_wait3A_219 : memref<80x128xbf16, #tpu.memory_space<hbm>>)
      tpu.yield
    }) : () -> ()
    %add3A_167 = arith.constant 80 : i32
    %add3A_168 = arith.addi %mul3A_4, %add3A_167 : i32
    %run_scoped3A_169 = arith.constant 0 : i32
    "tpu.region"() ({
      %run_scoped3A_195 = tpu.sem_alloc : memref<!tpu.dma_semaphore, #tpu.memory_space<semaphore_mem>>
      %dma_start3A_196 = arith.constant 0 : i32
      %dma_start3A_197 = arith.constant 0 : i32
      %dma_start3A_198 = tpu.memref_slice %arg10[%run_scoped3A_169, %dma_start3A_196, %dma_start3A_197] : memref<3x80x128xbf16, #tpu.memory_space<vmem>> -> memref<1x80x128xbf16, #tpu.memory_space<vmem>>
      %dma_start3A_199 = tpu.memref_squeeze %dma_start3A_198 : memref<1x80x128xbf16, #tpu.memory_space<vmem>> -> memref<80x128xbf16, #tpu.memory_space<vmem>>
      %dma_start3A_200 = arith.constant 0 : i32
      %dma_start3A_201 = tpu.memref_slice %arg17[%add3A_168, %dma_start3A_200] : memref<10000x128xbf16, #tpu.memory_space<vmem_shared>> -> memref<80x128xbf16, #tpu.memory_space<vmem_shared>>
      %dma_start3A_202 = arith.constant 0 : i32
      %dma_start3A_203 = arith.constant 0 : i32
      %dma_start3A_204 = tpu.memref_slice %arg10[%run_scoped3A_169, %dma_start3A_202, %dma_start3A_203] : memref<3x80x128xbf16, #tpu.memory_space<vmem>> -> memref<1x80x128xbf16, #tpu.memory_space<vmem>>
      %dma_start3A_205 = tpu.memref_squeeze %dma_start3A_204 : memref<1x80x128xbf16, #tpu.memory_space<vmem>> -> memref<80x128xbf16, #tpu.memory_space<vmem>>
      %dma_start3A_206 = arith.constant 0 : i32
      %dma_start3A_207 = tpu.memref_slice %arg17[%add3A_168, %dma_start3A_206] : memref<10000x128xbf16, #tpu.memory_space<vmem_shared>> -> memref<80x128xbf16, #tpu.memory_space<vmem_shared>>
      tpu.enqueue_dma source(%dma_start3A_207 : memref<80x128xbf16, #tpu.memory_space<vmem_shared>>) target(%dma_start3A_205 : memref<80x128xbf16, #tpu.memory_space<vmem>>) target_semaphore(%run_scoped3A_195 : memref<!tpu.dma_semaphore, #tpu.memory_space<semaphore_mem>>)
      %dma_wait3A_208 = arith.constant 0 : i32
      %dma_wait3A_209 = arith.constant 0 : i32
      %dma_wait3A_210 = tpu.memref_slice %arg10[%run_scoped3A_169, %dma_wait3A_208, %dma_wait3A_209] : memref<3x80x128xbf16, #tpu.memory_space<vmem>> -> memref<1x80x128xbf16, #tpu.memory_space<vmem>>
      %dma_wait3A_211 = tpu.memref_squeeze %dma_wait3A_210 : memref<1x80x128xbf16, #tpu.memory_space<vmem>> -> memref<80x128xbf16, #tpu.memory_space<vmem>>
      %dma_wait3A_212 = arith.constant 0 : i32
      %dma_wait3A_213 = tpu.memref_slice %arg17[%add3A_168, %dma_wait3A_212] : memref<10000x128xbf16, #tpu.memory_space<vmem_shared>> -> memref<80x128xbf16, #tpu.memory_space<vmem_shared>>
      %dma_wait3A_214 = arith.constant 0 : i32
      %dma_wait3A_215 = arith.constant 0 : i32
      %dma_wait3A_216 = tpu.memref_slice %arg10[%run_scoped3A_169, %dma_wait3A_214, %dma_wait3A_215] : memref<3x80x128xbf16, #tpu.memory_space<vmem>> -> memref<1x80x128xbf16, #tpu.memory_space<vmem>>
      %dma_wait3A_217 = tpu.memref_squeeze %dma_wait3A_216 : memref<1x80x128xbf16, #tpu.memory_space<vmem>> -> memref<80x128xbf16, #tpu.memory_space<vmem>>
      %dma_wait3A_218 = arith.constant 0 : i32
      %dma_wait3A_219 = tpu.memref_slice %arg17[%add3A_168, %dma_wait3A_218] : memref<10000x128xbf16, #tpu.memory_space<vmem_shared>> -> memref<80x128xbf16, #tpu.memory_space<vmem_shared>>
      tpu.wait_dma2 semaphore(%run_scoped3A_195 : memref<!tpu.dma_semaphore, #tpu.memory_space<semaphore_mem>>) src(%dma_wait3A_219 : memref<80x128xbf16, #tpu.memory_space<vmem_shared>>) dst(%dma_wait3A_217 : memref<80x128xbf16, #tpu.memory_space<vmem>>)
      tpu.yield
    }) : () -> ()
    %run_scoped3A_170 = arith.constant 0 : i32
    "tpu.region"() ({
      %run_scoped3A_195 = tpu.sem_alloc : memref<!tpu.dma_semaphore, #tpu.memory_space<semaphore_mem>>
      %dma_start3A_196 = arith.constant 0 : i32
      %dma_start3A_197 = arith.constant 0 : i32
      %dma_start3A_198 = tpu.memref_slice %arg10[%run_scoped3A_170, %dma_start3A_196, %dma_start3A_197] : memref<3x80x128xbf16, #tpu.memory_space<vmem>> -> memref<1x80x128xbf16, #tpu.memory_space<vmem>>
      %dma_start3A_199 = tpu.memref_squeeze %dma_start3A_198 : memref<1x80x128xbf16, #tpu.memory_space<vmem>> -> memref<80x128xbf16, #tpu.memory_space<vmem>>
      %dma_start3A_200 = arith.constant 0 : i32
      %dma_start3A_201 = tpu.memref_slice %arg6[%arg0, %add3A_168, %dma_start3A_200] : memref<2x10000x128xbf16, #tpu.memory_space<hbm>> -> memref<1x80x128xbf16, #tpu.memory_space<hbm>>
      %dma_start3A_202 = tpu.memref_squeeze %dma_start3A_201 : memref<1x80x128xbf16, #tpu.memory_space<hbm>> -> memref<80x128xbf16, #tpu.memory_space<hbm>>
      %dma_start3A_203 = arith.constant 0 : i32
      %dma_start3A_204 = tpu.memref_slice %arg6[%arg0, %add3A_168, %dma_start3A_203] : memref<2x10000x128xbf16, #tpu.memory_space<hbm>> -> memref<1x80x128xbf16, #tpu.memory_space<hbm>>
      %dma_start3A_205 = tpu.memref_squeeze %dma_start3A_204 : memref<1x80x128xbf16, #tpu.memory_space<hbm>> -> memref<80x128xbf16, #tpu.memory_space<hbm>>
      %dma_start3A_206 = arith.constant 0 : i32
      %dma_start3A_207 = arith.constant 0 : i32
      %dma_start3A_208 = tpu.memref_slice %arg10[%run_scoped3A_170, %dma_start3A_206, %dma_start3A_207] : memref<3x80x128xbf16, #tpu.memory_space<vmem>> -> memref<1x80x128xbf16, #tpu.memory_space<vmem>>
      %dma_start3A_209 = tpu.memref_squeeze %dma_start3A_208 : memref<1x80x128xbf16, #tpu.memory_space<vmem>> -> memref<80x128xbf16, #tpu.memory_space<vmem>>
      tpu.enqueue_dma source(%dma_start3A_209 : memref<80x128xbf16, #tpu.memory_space<vmem>>) target(%dma_start3A_205 : memref<80x128xbf16, #tpu.memory_space<hbm>>) target_semaphore(%run_scoped3A_195 : memref<!tpu.dma_semaphore, #tpu.memory_space<semaphore_mem>>)
      %dma_wait3A_210 = arith.constant 0 : i32
      %dma_wait3A_211 = arith.constant 0 : i32
      %dma_wait3A_212 = tpu.memref_slice %arg10[%run_scoped3A_170, %dma_wait3A_210, %dma_wait3A_211] : memref<3x80x128xbf16, #tpu.memory_space<vmem>> -> memref<1x80x128xbf16, #tpu.memory_space<vmem>>
      %dma_wait3A_213 = tpu.memref_squeeze %dma_wait3A_212 : memref<1x80x128xbf16, #tpu.memory_space<vmem>> -> memref<80x128xbf16, #tpu.memory_space<vmem>>
      %dma_wait3A_214 = arith.constant 0 : i32
      %dma_wait3A_215 = tpu.memref_slice %arg6[%arg0, %add3A_168, %dma_wait3A_214] : memref<2x10000x128xbf16, #tpu.memory_space<hbm>> -> memref<1x80x128xbf16, #tpu.memory_space<hbm>>
      %dma_wait3A_216 = tpu.memref_squeeze %dma_wait3A_215 : memref<1x80x128xbf16, #tpu.memory_space<hbm>> -> memref<80x128xbf16, #tpu.memory_space<hbm>>
      %dma_wait3A_217 = arith.constant 0 : i32
      %dma_wait3A_218 = tpu.memref_slice %arg6[%arg0, %add3A_168, %dma_wait3A_217] : memref<2x10000x128xbf16, #tpu.memory_space<hbm>> -> memref<1x80x128xbf16, #tpu.memory_space<hbm>>
      %dma_wait3A_219 = tpu.memref_squeeze %dma_wait3A_218 : memref<1x80x128xbf16, #tpu.memory_space<hbm>> -> memref<80x128xbf16, #tpu.memory_space<hbm>>
      %dma_wait3A_220 = arith.constant 0 : i32
      %dma_wait3A_221 = arith.constant 0 : i32
      %dma_wait3A_222 = tpu.memref_slice %arg10[%run_scoped3A_170, %dma_wait3A_220, %dma_wait3A_221] : memref<3x80x128xbf16, #tpu.memory_space<vmem>> -> memref<1x80x128xbf16, #tpu.memory_space<vmem>>
      %dma_wait3A_223 = tpu.memref_squeeze %dma_wait3A_222 : memref<1x80x128xbf16, #tpu.memory_space<vmem>> -> memref<80x128xbf16, #tpu.memory_space<vmem>>
      tpu.wait_dma2 semaphore(%run_scoped3A_195 : memref<!tpu.dma_semaphore, #tpu.memory_space<semaphore_mem>>) src(%dma_wait3A_223 : memref<80x128xbf16, #tpu.memory_space<vmem>>) dst(%dma_wait3A_219 : memref<80x128xbf16, #tpu.memory_space<hbm>>)
      tpu.yield
    }) : () -> ()
    %add3A_171 = arith.constant 160 : i32
    %add3A_172 = arith.addi %mul3A_4, %add3A_171 : i32
    %run_scoped3A_173 = arith.constant 0 : i32
    "tpu.region"() ({
      %run_scoped3A_195 = tpu.sem_alloc : memref<!tpu.dma_semaphore, #tpu.memory_space<semaphore_mem>>
      %dma_start3A_196 = arith.constant 0 : i32
      %dma_start3A_197 = arith.constant 0 : i32
      %dma_start3A_198 = tpu.memref_slice %arg10[%run_scoped3A_173, %dma_start3A_196, %dma_start3A_197] : memref<3x80x128xbf16, #tpu.memory_space<vmem>> -> memref<1x80x128xbf16, #tpu.memory_space<vmem>>
      %dma_start3A_199 = tpu.memref_squeeze %dma_start3A_198 : memref<1x80x128xbf16, #tpu.memory_space<vmem>> -> memref<80x128xbf16, #tpu.memory_space<vmem>>
      %dma_start3A_200 = arith.constant 0 : i32
      %dma_start3A_201 = tpu.memref_slice %arg17[%add3A_172, %dma_start3A_200] : memref<10000x128xbf16, #tpu.memory_space<vmem_shared>> -> memref<80x128xbf16, #tpu.memory_space<vmem_shared>>
      %dma_start3A_202 = arith.constant 0 : i32
      %dma_start3A_203 = arith.constant 0 : i32
      %dma_start3A_204 = tpu.memref_slice %arg10[%run_scoped3A_173, %dma_start3A_202, %dma_start3A_203] : memref<3x80x128xbf16, #tpu.memory_space<vmem>> -> memref<1x80x128xbf16, #tpu.memory_space<vmem>>
      %dma_start3A_205 = tpu.memref_squeeze %dma_start3A_204 : memref<1x80x128xbf16, #tpu.memory_space<vmem>> -> memref<80x128xbf16, #tpu.memory_space<vmem>>
      %dma_start3A_206 = arith.constant 0 : i32
      %dma_start3A_207 = tpu.memref_slice %arg17[%add3A_172, %dma_start3A_206] : memref<10000x128xbf16, #tpu.memory_space<vmem_shared>> -> memref<80x128xbf16, #tpu.memory_space<vmem_shared>>
      tpu.enqueue_dma source(%dma_start3A_207 : memref<80x128xbf16, #tpu.memory_space<vmem_shared>>) target(%dma_start3A_205 : memref<80x128xbf16, #tpu.memory_space<vmem>>) target_semaphore(%run_scoped3A_195 : memref<!tpu.dma_semaphore, #tpu.memory_space<semaphore_mem>>)
      %dma_wait3A_208 = arith.constant 0 : i32
      %dma_wait3A_209 = arith.constant 0 : i32
      %dma_wait3A_210 = tpu.memref_slice %arg10[%run_scoped3A_173, %dma_wait3A_208, %dma_wait3A_209] : memref<3x80x128xbf16, #tpu.memory_space<vmem>> -> memref<1x80x128xbf16, #tpu.memory_space<vmem>>
      %dma_wait3A_211 = tpu.memref_squeeze %dma_wait3A_210 : memref<1x80x128xbf16, #tpu.memory_space<vmem>> -> memref<80x128xbf16, #tpu.memory_space<vmem>>
      %dma_wait3A_212 = arith.constant 0 : i32
      %dma_wait3A_213 = tpu.memref_slice %arg17[%add3A_172, %dma_wait3A_212] : memref<10000x128xbf16, #tpu.memory_space<vmem_shared>> -> memref<80x128xbf16, #tpu.memory_space<vmem_shared>>
      %dma_wait3A_214 = arith.constant 0 : i32
      %dma_wait3A_215 = arith.constant 0 : i32
      %dma_wait3A_216 = tpu.memref_slice %arg10[%run_scoped3A_173, %dma_wait3A_214, %dma_wait3A_215] : memref<3x80x128xbf16, #tpu.memory_space<vmem>> -> memref<1x80x128xbf16, #tpu.memory_space<vmem>>
      %dma_wait3A_217 = tpu.memref_squeeze %dma_wait3A_216 : memref<1x80x128xbf16, #tpu.memory_space<vmem>> -> memref<80x128xbf16, #tpu.memory_space<vmem>>
      %dma_wait3A_218 = arith.constant 0 : i32
      %dma_wait3A_219 = tpu.memref_slice %arg17[%add3A_172, %dma_wait3A_218] : memref<10000x128xbf16, #tpu.memory_space<vmem_shared>> -> memref<80x128xbf16, #tpu.memory_space<vmem_shared>>
      tpu.wait_dma2 semaphore(%run_scoped3A_195 : memref<!tpu.dma_semaphore, #tpu.memory_space<semaphore_mem>>) src(%dma_wait3A_219 : memref<80x128xbf16, #tpu.memory_space<vmem_shared>>) dst(%dma_wait3A_217 : memref<80x128xbf16, #tpu.memory_space<vmem>>)
      tpu.yield
    }) : () -> ()
    %run_scoped3A_174 = arith.constant 0 : i32
    "tpu.region"() ({
      %run_scoped3A_195 = tpu.sem_alloc : memref<!tpu.dma_semaphore, #tpu.memory_space<semaphore_mem>>
      %dma_start3A_196 = arith.constant 0 : i32
      %dma_start3A_197 = arith.constant 0 : i32
      %dma_start3A_198 = tpu.memref_slice %arg10[%run_scoped3A_174, %dma_start3A_196, %dma_start3A_197] : memref<3x80x128xbf16, #tpu.memory_space<vmem>> -> memref<1x80x128xbf16, #tpu.memory_space<vmem>>
      %dma_start3A_199 = tpu.memref_squeeze %dma_start3A_198 : memref<1x80x128xbf16, #tpu.memory_space<vmem>> -> memref<80x128xbf16, #tpu.memory_space<vmem>>
      %dma_start3A_200 = arith.constant 0 : i32
      %dma_start3A_201 = tpu.memref_slice %arg6[%arg0, %add3A_172, %dma_start3A_200] : memref<2x10000x128xbf16, #tpu.memory_space<hbm>> -> memref<1x80x128xbf16, #tpu.memory_space<hbm>>
      %dma_start3A_202 = tpu.memref_squeeze %dma_start3A_201 : memref<1x80x128xbf16, #tpu.memory_space<hbm>> -> memref<80x128xbf16, #tpu.memory_space<hbm>>
      %dma_start3A_203 = arith.constant 0 : i32
      %dma_start3A_204 = tpu.memref_slice %arg6[%arg0, %add3A_172, %dma_start3A_203] : memref<2x10000x128xbf16, #tpu.memory_space<hbm>> -> memref<1x80x128xbf16, #tpu.memory_space<hbm>>
      %dma_start3A_205 = tpu.memref_squeeze %dma_start3A_204 : memref<1x80x128xbf16, #tpu.memory_space<hbm>> -> memref<80x128xbf16, #tpu.memory_space<hbm>>
      %dma_start3A_206 = arith.constant 0 : i32
      %dma_start3A_207 = arith.constant 0 : i32
      %dma_start3A_208 = tpu.memref_slice %arg10[%run_scoped3A_174, %dma_start3A_206, %dma_start3A_207] : memref<3x80x128xbf16, #tpu.memory_space<vmem>> -> memref<1x80x128xbf16, #tpu.memory_space<vmem>>
      %dma_start3A_209 = tpu.memref_squeeze %dma_start3A_208 : memref<1x80x128xbf16, #tpu.memory_space<vmem>> -> memref<80x128xbf16, #tpu.memory_space<vmem>>
      tpu.enqueue_dma source(%dma_start3A_209 : memref<80x128xbf16, #tpu.memory_space<vmem>>) target(%dma_start3A_205 : memref<80x128xbf16, #tpu.memory_space<hbm>>) target_semaphore(%run_scoped3A_195 : memref<!tpu.dma_semaphore, #tpu.memory_space<semaphore_mem>>)
      %dma_wait3A_210 = arith.constant 0 : i32
      %dma_wait3A_211 = arith.constant 0 : i32
      %dma_wait3A_212 = tpu.memref_slice %arg10[%run_scoped3A_174, %dma_wait3A_210, %dma_wait3A_211] : memref<3x80x128xbf16, #tpu.memory_space<vmem>> -> memref<1x80x128xbf16, #tpu.memory_space<vmem>>
      %dma_wait3A_213 = tpu.memref_squeeze %dma_wait3A_212 : memref<1x80x128xbf16, #tpu.memory_space<vmem>> -> memref<80x128xbf16, #tpu.memory_space<vmem>>
      %dma_wait3A_214 = arith.constant 0 : i32
      %dma_wait3A_215 = tpu.memref_slice %arg6[%arg0, %add3A_172, %dma_wait3A_214] : memref<2x10000x128xbf16, #tpu.memory_space<hbm>> -> memref<1x80x128xbf16, #tpu.memory_space<hbm>>
      %dma_wait3A_216 = tpu.memref_squeeze %dma_wait3A_215 : memref<1x80x128xbf16, #tpu.memory_space<hbm>> -> memref<80x128xbf16, #tpu.memory_space<hbm>>
      %dma_wait3A_217 = arith.constant 0 : i32
      %dma_wait3A_218 = tpu.memref_slice %arg6[%arg0, %add3A_172, %dma_wait3A_217] : memref<2x10000x128xbf16, #tpu.memory_space<hbm>> -> memref<1x80x128xbf16, #tpu.memory_space<hbm>>
      %dma_wait3A_219 = tpu.memref_squeeze %dma_wait3A_218 : memref<1x80x128xbf16, #tpu.memory_space<hbm>> -> memref<80x128xbf16, #tpu.memory_space<hbm>>
      %dma_wait3A_220 = arith.constant 0 : i32
      %dma_wait3A_221 = arith.constant 0 : i32
      %dma_wait3A_222 = tpu.memref_slice %arg10[%run_scoped3A_174, %dma_wait3A_220, %dma_wait3A_221] : memref<3x80x128xbf16, #tpu.memory_space<vmem>> -> memref<1x80x128xbf16, #tpu.memory_space<vmem>>
      %dma_wait3A_223 = tpu.memref_squeeze %dma_wait3A_222 : memref<1x80x128xbf16, #tpu.memory_space<vmem>> -> memref<80x128xbf16, #tpu.memory_space<vmem>>
      tpu.wait_dma2 semaphore(%run_scoped3A_195 : memref<!tpu.dma_semaphore, #tpu.memory_space<semaphore_mem>>) src(%dma_wait3A_223 : memref<80x128xbf16, #tpu.memory_space<vmem>>) dst(%dma_wait3A_219 : memref<80x128xbf16, #tpu.memory_space<hbm>>)
      tpu.yield
    }) : () -> ()
    %add3A_175 = arith.constant 240 : i32
    %add3A_176 = arith.addi %mul3A_4, %add3A_175 : i32
    %run_scoped3A_177 = arith.constant 0 : i32
    "tpu.region"() ({
      %run_scoped3A_195 = tpu.sem_alloc : memref<!tpu.dma_semaphore, #tpu.memory_space<semaphore_mem>>
      %dma_start3A_196 = arith.constant 0 : i32
      %dma_start3A_197 = arith.constant 0 : i32
      %dma_start3A_198 = tpu.memref_slice %arg10[%run_scoped3A_177, %dma_start3A_196, %dma_start3A_197] : memref<3x80x128xbf16, #tpu.memory_space<vmem>> -> memref<1x80x128xbf16, #tpu.memory_space<vmem>>
      %dma_start3A_199 = tpu.memref_squeeze %dma_start3A_198 : memref<1x80x128xbf16, #tpu.memory_space<vmem>> -> memref<80x128xbf16, #tpu.memory_space<vmem>>
      %dma_start3A_200 = arith.constant 0 : i32
      %dma_start3A_201 = tpu.memref_slice %arg17[%add3A_176, %dma_start3A_200] : memref<10000x128xbf16, #tpu.memory_space<vmem_shared>> -> memref<80x128xbf16, #tpu.memory_space<vmem_shared>>
      %dma_start3A_202 = arith.constant 0 : i32
      %dma_start3A_203 = arith.constant 0 : i32
      %dma_start3A_204 = tpu.memref_slice %arg10[%run_scoped3A_177, %dma_start3A_202, %dma_start3A_203] : memref<3x80x128xbf16, #tpu.memory_space<vmem>> -> memref<1x80x128xbf16, #tpu.memory_space<vmem>>
      %dma_start3A_205 = tpu.memref_squeeze %dma_start3A_204 : memref<1x80x128xbf16, #tpu.memory_space<vmem>> -> memref<80x128xbf16, #tpu.memory_space<vmem>>
      %dma_start3A_206 = arith.constant 0 : i32
      %dma_start3A_207 = tpu.memref_slice %arg17[%add3A_176, %dma_start3A_206] : memref<10000x128xbf16, #tpu.memory_space<vmem_shared>> -> memref<80x128xbf16, #tpu.memory_space<vmem_shared>>
      tpu.enqueue_dma source(%dma_start3A_207 : memref<80x128xbf16, #tpu.memory_space<vmem_shared>>) target(%dma_start3A_205 : memref<80x128xbf16, #tpu.memory_space<vmem>>) target_semaphore(%run_scoped3A_195 : memref<!tpu.dma_semaphore, #tpu.memory_space<semaphore_mem>>)
      %dma_wait3A_208 = arith.constant 0 : i32
      %dma_wait3A_209 = arith.constant 0 : i32
      %dma_wait3A_210 = tpu.memref_slice %arg10[%run_scoped3A_177, %dma_wait3A_208, %dma_wait3A_209] : memref<3x80x128xbf16, #tpu.memory_space<vmem>> -> memref<1x80x128xbf16, #tpu.memory_space<vmem>>
      %dma_wait3A_211 = tpu.memref_squeeze %dma_wait3A_210 : memref<1x80x128xbf16, #tpu.memory_space<vmem>> -> memref<80x128xbf16, #tpu.memory_space<vmem>>
      %dma_wait3A_212 = arith.constant 0 : i32
      %dma_wait3A_213 = tpu.memref_slice %arg17[%add3A_176, %dma_wait3A_212] : memref<10000x128xbf16, #tpu.memory_space<vmem_shared>> -> memref<80x128xbf16, #tpu.memory_space<vmem_shared>>
      %dma_wait3A_214 = arith.constant 0 : i32
      %dma_wait3A_215 = arith.constant 0 : i32
      %dma_wait3A_216 = tpu.memref_slice %arg10[%run_scoped3A_177, %dma_wait3A_214, %dma_wait3A_215] : memref<3x80x128xbf16, #tpu.memory_space<vmem>> -> memref<1x80x128xbf16, #tpu.memory_space<vmem>>
      %dma_wait3A_217 = tpu.memref_squeeze %dma_wait3A_216 : memref<1x80x128xbf16, #tpu.memory_space<vmem>> -> memref<80x128xbf16, #tpu.memory_space<vmem>>
      %dma_wait3A_218 = arith.constant 0 : i32
      %dma_wait3A_219 = tpu.memref_slice %arg17[%add3A_176, %dma_wait3A_218] : memref<10000x128xbf16, #tpu.memory_space<vmem_shared>> -> memref<80x128xbf16, #tpu.memory_space<vmem_shared>>
      tpu.wait_dma2 semaphore(%run_scoped3A_195 : memref<!tpu.dma_semaphore, #tpu.memory_space<semaphore_mem>>) src(%dma_wait3A_219 : memref<80x128xbf16, #tpu.memory_space<vmem_shared>>) dst(%dma_wait3A_217 : memref<80x128xbf16, #tpu.memory_space<vmem>>)
      tpu.yield
    }) : () -> ()
    %run_scoped3A_178 = arith.constant 0 : i32
    "tpu.region"() ({
      %run_scoped3A_195 = tpu.sem_alloc : memref<!tpu.dma_semaphore, #tpu.memory_space<semaphore_mem>>
      %dma_start3A_196 = arith.constant 0 : i32
      %dma_start3A_197 = arith.constant 0 : i32
      %dma_start3A_198 = tpu.memref_slice %arg10[%run_scoped3A_178, %dma_start3A_196, %dma_start3A_197] : memref<3x80x128xbf16, #tpu.memory_space<vmem>> -> memref<1x80x128xbf16, #tpu.memory_space<vmem>>
      %dma_start3A_199 = tpu.memref_squeeze %dma_start3A_198 : memref<1x80x128xbf16, #tpu.memory_space<vmem>> -> memref<80x128xbf16, #tpu.memory_space<vmem>>
      %dma_start3A_200 = arith.constant 0 : i32
      %dma_start3A_201 = tpu.memref_slice %arg6[%arg0, %add3A_176, %dma_start3A_200] : memref<2x10000x128xbf16, #tpu.memory_space<hbm>> -> memref<1x80x128xbf16, #tpu.memory_space<hbm>>
      %dma_start3A_202 = tpu.memref_squeeze %dma_start3A_201 : memref<1x80x128xbf16, #tpu.memory_space<hbm>> -> memref<80x128xbf16, #tpu.memory_space<hbm>>
      %dma_start3A_203 = arith.constant 0 : i32
      %dma_start3A_204 = tpu.memref_slice %arg6[%arg0, %add3A_176, %dma_start3A_203] : memref<2x10000x128xbf16, #tpu.memory_space<hbm>> -> memref<1x80x128xbf16, #tpu.memory_space<hbm>>
      %dma_start3A_205 = tpu.memref_squeeze %dma_start3A_204 : memref<1x80x128xbf16, #tpu.memory_space<hbm>> -> memref<80x128xbf16, #tpu.memory_space<hbm>>
      %dma_start3A_206 = arith.constant 0 : i32
      %dma_start3A_207 = arith.constant 0 : i32
      %dma_start3A_208 = tpu.memref_slice %arg10[%run_scoped3A_178, %dma_start3A_206, %dma_start3A_207] : memref<3x80x128xbf16, #tpu.memory_space<vmem>> -> memref<1x80x128xbf16, #tpu.memory_space<vmem>>
      %dma_start3A_209 = tpu.memref_squeeze %dma_start3A_208 : memref<1x80x128xbf16, #tpu.memory_space<vmem>> -> memref<80x128xbf16, #tpu.memory_space<vmem>>
      tpu.enqueue_dma source(%dma_start3A_209 : memref<80x128xbf16, #tpu.memory_space<vmem>>) target(%dma_start3A_205 : memref<80x128xbf16, #tpu.memory_space<hbm>>) target_semaphore(%run_scoped3A_195 : memref<!tpu.dma_semaphore, #tpu.memory_space<semaphore_mem>>)
      %dma_wait3A_210 = arith.constant 0 : i32
      %dma_wait3A_211 = arith.constant 0 : i32
      %dma_wait3A_212 = tpu.memref_slice %arg10[%run_scoped3A_178, %dma_wait3A_210, %dma_wait3A_211] : memref<3x80x128xbf16, #tpu.memory_space<vmem>> -> memref<1x80x128xbf16, #tpu.memory_space<vmem>>
      %dma_wait3A_213 = tpu.memref_squeeze %dma_wait3A_212 : memref<1x80x128xbf16, #tpu.memory_space<vmem>> -> memref<80x128xbf16, #tpu.memory_space<vmem>>
      %dma_wait3A_214 = arith.constant 0 : i32
      %dma_wait3A_215 = tpu.memref_slice %arg6[%arg0, %add3A_176, %dma_wait3A_214] : memref<2x10000x128xbf16, #tpu.memory_space<hbm>> -> memref<1x80x128xbf16, #tpu.memory_space<hbm>>
      %dma_wait3A_216 = tpu.memref_squeeze %dma_wait3A_215 : memref<1x80x128xbf16, #tpu.memory_space<hbm>> -> memref<80x128xbf16, #tpu.memory_space<hbm>>
      %dma_wait3A_217 = arith.constant 0 : i32
      %dma_wait3A_218 = tpu.memref_slice %arg6[%arg0, %add3A_176, %dma_wait3A_217] : memref<2x10000x128xbf16, #tpu.memory_space<hbm>> -> memref<1x80x128xbf16, #tpu.memory_space<hbm>>
      %dma_wait3A_219 = tpu.memref_squeeze %dma_wait3A_218 : memref<1x80x128xbf16, #tpu.memory_space<hbm>> -> memref<80x128xbf16, #tpu.memory_space<hbm>>
      %dma_wait3A_220 = arith.constant 0 : i32
      %dma_wait3A_221 = arith.constant 0 : i32
      %dma_wait3A_222 = tpu.memref_slice %arg10[%run_scoped3A_178, %dma_wait3A_220, %dma_wait3A_221] : memref<3x80x128xbf16, #tpu.memory_space<vmem>> -> memref<1x80x128xbf16, #tpu.memory_space<vmem>>
      %dma_wait3A_223 = tpu.memref_squeeze %dma_wait3A_222 : memref<1x80x128xbf16, #tpu.memory_space<vmem>> -> memref<80x128xbf16, #tpu.memory_space<vmem>>
      tpu.wait_dma2 semaphore(%run_scoped3A_195 : memref<!tpu.dma_semaphore, #tpu.memory_space<semaphore_mem>>) src(%dma_wait3A_223 : memref<80x128xbf16, #tpu.memory_space<vmem>>) dst(%dma_wait3A_219 : memref<80x128xbf16, #tpu.memory_space<hbm>>)
      tpu.yield
    }) : () -> ()
    %add3A_179 = arith.constant 320 : i32
    %add3A_180 = arith.addi %mul3A_4, %add3A_179 : i32
    %run_scoped3A_181 = arith.constant 0 : i32
    "tpu.region"() ({
      %run_scoped3A_195 = tpu.sem_alloc : memref<!tpu.dma_semaphore, #tpu.memory_space<semaphore_mem>>
      %dma_start3A_196 = arith.constant 0 : i32
      %dma_start3A_197 = arith.constant 0 : i32
      %dma_start3A_198 = tpu.memref_slice %arg10[%run_scoped3A_181, %dma_start3A_196, %dma_start3A_197] : memref<3x80x128xbf16, #tpu.memory_space<vmem>> -> memref<1x80x128xbf16, #tpu.memory_space<vmem>>
      %dma_start3A_199 = tpu.memref_squeeze %dma_start3A_198 : memref<1x80x128xbf16, #tpu.memory_space<vmem>> -> memref<80x128xbf16, #tpu.memory_space<vmem>>
      %dma_start3A_200 = arith.constant 0 : i32
      %dma_start3A_201 = tpu.memref_slice %arg17[%add3A_180, %dma_start3A_200] : memref<10000x128xbf16, #tpu.memory_space<vmem_shared>> -> memref<80x128xbf16, #tpu.memory_space<vmem_shared>>
      %dma_start3A_202 = arith.constant 0 : i32
      %dma_start3A_203 = arith.constant 0 : i32
      %dma_start3A_204 = tpu.memref_slice %arg10[%run_scoped3A_181, %dma_start3A_202, %dma_start3A_203] : memref<3x80x128xbf16, #tpu.memory_space<vmem>> -> memref<1x80x128xbf16, #tpu.memory_space<vmem>>
      %dma_start3A_205 = tpu.memref_squeeze %dma_start3A_204 : memref<1x80x128xbf16, #tpu.memory_space<vmem>> -> memref<80x128xbf16, #tpu.memory_space<vmem>>
      %dma_start3A_206 = arith.constant 0 : i32
      %dma_start3A_207 = tpu.memref_slice %arg17[%add3A_180, %dma_start3A_206] : memref<10000x128xbf16, #tpu.memory_space<vmem_shared>> -> memref<80x128xbf16, #tpu.memory_space<vmem_shared>>
      tpu.enqueue_dma source(%dma_start3A_207 : memref<80x128xbf16, #tpu.memory_space<vmem_shared>>) target(%dma_start3A_205 : memref<80x128xbf16, #tpu.memory_space<vmem>>) target_semaphore(%run_scoped3A_195 : memref<!tpu.dma_semaphore, #tpu.memory_space<semaphore_mem>>)
      %dma_wait3A_208 = arith.constant 0 : i32
      %dma_wait3A_209 = arith.constant 0 : i32
      %dma_wait3A_210 = tpu.memref_slice %arg10[%run_scoped3A_181, %dma_wait3A_208, %dma_wait3A_209] : memref<3x80x128xbf16, #tpu.memory_space<vmem>> -> memref<1x80x128xbf16, #tpu.memory_space<vmem>>
      %dma_wait3A_211 = tpu.memref_squeeze %dma_wait3A_210 : memref<1x80x128xbf16, #tpu.memory_space<vmem>> -> memref<80x128xbf16, #tpu.memory_space<vmem>>
      %dma_wait3A_212 = arith.constant 0 : i32
      %dma_wait3A_213 = tpu.memref_slice %arg17[%add3A_180, %dma_wait3A_212] : memref<10000x128xbf16, #tpu.memory_space<vmem_shared>> -> memref<80x128xbf16, #tpu.memory_space<vmem_shared>>
      %dma_wait3A_214 = arith.constant 0 : i32
      %dma_wait3A_215 = arith.constant 0 : i32
      %dma_wait3A_216 = tpu.memref_slice %arg10[%run_scoped3A_181, %dma_wait3A_214, %dma_wait3A_215] : memref<3x80x128xbf16, #tpu.memory_space<vmem>> -> memref<1x80x128xbf16, #tpu.memory_space<vmem>>
      %dma_wait3A_217 = tpu.memref_squeeze %dma_wait3A_216 : memref<1x80x128xbf16, #tpu.memory_space<vmem>> -> memref<80x128xbf16, #tpu.memory_space<vmem>>
      %dma_wait3A_218 = arith.constant 0 : i32
      %dma_wait3A_219 = tpu.memref_slice %arg17[%add3A_180, %dma_wait3A_218] : memref<10000x128xbf16, #tpu.memory_space<vmem_shared>> -> memref<80x128xbf16, #tpu.memory_space<vmem_shared>>
      tpu.wait_dma2 semaphore(%run_scoped3A_195 : memref<!tpu.dma_semaphore, #tpu.memory_space<semaphore_mem>>) src(%dma_wait3A_219 : memref<80x128xbf16, #tpu.memory_space<vmem_shared>>) dst(%dma_wait3A_217 : memref<80x128xbf16, #tpu.memory_space<vmem>>)
      tpu.yield
    }) : () -> ()
    %run_scoped3A_182 = arith.constant 0 : i32
    "tpu.region"() ({
      %run_scoped3A_195 = tpu.sem_alloc : memref<!tpu.dma_semaphore, #tpu.memory_space<semaphore_mem>>
      %dma_start3A_196 = arith.constant 0 : i32
      %dma_start3A_197 = arith.constant 0 : i32
      %dma_start3A_198 = tpu.memref_slice %arg10[%run_scoped3A_182, %dma_start3A_196, %dma_start3A_197] : memref<3x80x128xbf16, #tpu.memory_space<vmem>> -> memref<1x80x128xbf16, #tpu.memory_space<vmem>>
      %dma_start3A_199 = tpu.memref_squeeze %dma_start3A_198 : memref<1x80x128xbf16, #tpu.memory_space<vmem>> -> memref<80x128xbf16, #tpu.memory_space<vmem>>
      %dma_start3A_200 = arith.constant 0 : i32
      %dma_start3A_201 = tpu.memref_slice %arg6[%arg0, %add3A_180, %dma_start3A_200] : memref<2x10000x128xbf16, #tpu.memory_space<hbm>> -> memref<1x80x128xbf16, #tpu.memory_space<hbm>>
      %dma_start3A_202 = tpu.memref_squeeze %dma_start3A_201 : memref<1x80x128xbf16, #tpu.memory_space<hbm>> -> memref<80x128xbf16, #tpu.memory_space<hbm>>
      %dma_start3A_203 = arith.constant 0 : i32
      %dma_start3A_204 = tpu.memref_slice %arg6[%arg0, %add3A_180, %dma_start3A_203] : memref<2x10000x128xbf16, #tpu.memory_space<hbm>> -> memref<1x80x128xbf16, #tpu.memory_space<hbm>>
      %dma_start3A_205 = tpu.memref_squeeze %dma_start3A_204 : memref<1x80x128xbf16, #tpu.memory_space<hbm>> -> memref<80x128xbf16, #tpu.memory_space<hbm>>
      %dma_start3A_206 = arith.constant 0 : i32
      %dma_start3A_207 = arith.constant 0 : i32
      %dma_start3A_208 = tpu.memref_slice %arg10[%run_scoped3A_182, %dma_start3A_206, %dma_start3A_207] : memref<3x80x128xbf16, #tpu.memory_space<vmem>> -> memref<1x80x128xbf16, #tpu.memory_space<vmem>>
      %dma_start3A_209 = tpu.memref_squeeze %dma_start3A_208 : memref<1x80x128xbf16, #tpu.memory_space<vmem>> -> memref<80x128xbf16, #tpu.memory_space<vmem>>
      tpu.enqueue_dma source(%dma_start3A_209 : memref<80x128xbf16, #tpu.memory_space<vmem>>) target(%dma_start3A_205 : memref<80x128xbf16, #tpu.memory_space<hbm>>) target_semaphore(%run_scoped3A_195 : memref<!tpu.dma_semaphore, #tpu.memory_space<semaphore_mem>>)
      %dma_wait3A_210 = arith.constant 0 : i32
      %dma_wait3A_211 = arith.constant 0 : i32
      %dma_wait3A_212 = tpu.memref_slice %arg10[%run_scoped3A_182, %dma_wait3A_210, %dma_wait3A_211] : memref<3x80x128xbf16, #tpu.memory_space<vmem>> -> memref<1x80x128xbf16, #tpu.memory_space<vmem>>
      %dma_wait3A_213 = tpu.memref_squeeze %dma_wait3A_212 : memref<1x80x128xbf16, #tpu.memory_space<vmem>> -> memref<80x128xbf16, #tpu.memory_space<vmem>>
      %dma_wait3A_214 = arith.constant 0 : i32
      %dma_wait3A_215 = tpu.memref_slice %arg6[%arg0, %add3A_180, %dma_wait3A_214] : memref<2x10000x128xbf16, #tpu.memory_space<hbm>> -> memref<1x80x128xbf16, #tpu.memory_space<hbm>>
      %dma_wait3A_216 = tpu.memref_squeeze %dma_wait3A_215 : memref<1x80x128xbf16, #tpu.memory_space<hbm>> -> memref<80x128xbf16, #tpu.memory_space<hbm>>
      %dma_wait3A_217 = arith.constant 0 : i32
      %dma_wait3A_218 = tpu.memref_slice %arg6[%arg0, %add3A_180, %dma_wait3A_217] : memref<2x10000x128xbf16, #tpu.memory_space<hbm>> -> memref<1x80x128xbf16, #tpu.memory_space<hbm>>
      %dma_wait3A_219 = tpu.memref_squeeze %dma_wait3A_218 : memref<1x80x128xbf16, #tpu.memory_space<hbm>> -> memref<80x128xbf16, #tpu.memory_space<hbm>>
      %dma_wait3A_220 = arith.constant 0 : i32
      %dma_wait3A_221 = arith.constant 0 : i32
      %dma_wait3A_222 = tpu.memref_slice %arg10[%run_scoped3A_182, %dma_wait3A_220, %dma_wait3A_221] : memref<3x80x128xbf16, #tpu.memory_space<vmem>> -> memref<1x80x128xbf16, #tpu.memory_space<vmem>>
      %dma_wait3A_223 = tpu.memref_squeeze %dma_wait3A_222 : memref<1x80x128xbf16, #tpu.memory_space<vmem>> -> memref<80x128xbf16, #tpu.memory_space<vmem>>
      tpu.wait_dma2 semaphore(%run_scoped3A_195 : memref<!tpu.dma_semaphore, #tpu.memory_space<semaphore_mem>>) src(%dma_wait3A_223 : memref<80x128xbf16, #tpu.memory_space<vmem>>) dst(%dma_wait3A_219 : memref<80x128xbf16, #tpu.memory_space<hbm>>)
      tpu.yield
    }) : () -> ()
    %add3A_183 = arith.constant 400 : i32
    %add3A_184 = arith.addi %mul3A_4, %add3A_183 : i32
    %run_scoped3A_185 = arith.constant 0 : i32
    "tpu.region"() ({
      %run_scoped3A_195 = tpu.sem_alloc : memref<!tpu.dma_semaphore, #tpu.memory_space<semaphore_mem>>
      %dma_start3A_196 = arith.constant 0 : i32
      %dma_start3A_197 = arith.constant 0 : i32
      %dma_start3A_198 = tpu.memref_slice %arg10[%run_scoped3A_185, %dma_start3A_196, %dma_start3A_197] : memref<3x80x128xbf16, #tpu.memory_space<vmem>> -> memref<1x80x128xbf16, #tpu.memory_space<vmem>>
      %dma_start3A_199 = tpu.memref_squeeze %dma_start3A_198 : memref<1x80x128xbf16, #tpu.memory_space<vmem>> -> memref<80x128xbf16, #tpu.memory_space<vmem>>
      %dma_start3A_200 = arith.constant 0 : i32
      %dma_start3A_201 = tpu.memref_slice %arg17[%add3A_184, %dma_start3A_200] : memref<10000x128xbf16, #tpu.memory_space<vmem_shared>> -> memref<80x128xbf16, #tpu.memory_space<vmem_shared>>
      %dma_start3A_202 = arith.constant 0 : i32
      %dma_start3A_203 = arith.constant 0 : i32
      %dma_start3A_204 = tpu.memref_slice %arg10[%run_scoped3A_185, %dma_start3A_202, %dma_start3A_203] : memref<3x80x128xbf16, #tpu.memory_space<vmem>> -> memref<1x80x128xbf16, #tpu.memory_space<vmem>>
      %dma_start3A_205 = tpu.memref_squeeze %dma_start3A_204 : memref<1x80x128xbf16, #tpu.memory_space<vmem>> -> memref<80x128xbf16, #tpu.memory_space<vmem>>
      %dma_start3A_206 = arith.constant 0 : i32
      %dma_start3A_207 = tpu.memref_slice %arg17[%add3A_184, %dma_start3A_206] : memref<10000x128xbf16, #tpu.memory_space<vmem_shared>> -> memref<80x128xbf16, #tpu.memory_space<vmem_shared>>
      tpu.enqueue_dma source(%dma_start3A_207 : memref<80x128xbf16, #tpu.memory_space<vmem_shared>>) target(%dma_start3A_205 : memref<80x128xbf16, #tpu.memory_space<vmem>>) target_semaphore(%run_scoped3A_195 : memref<!tpu.dma_semaphore, #tpu.memory_space<semaphore_mem>>)
      %dma_wait3A_208 = arith.constant 0 : i32
      %dma_wait3A_209 = arith.constant 0 : i32
      %dma_wait3A_210 = tpu.memref_slice %arg10[%run_scoped3A_185, %dma_wait3A_208, %dma_wait3A_209] : memref<3x80x128xbf16, #tpu.memory_space<vmem>> -> memref<1x80x128xbf16, #tpu.memory_space<vmem>>
      %dma_wait3A_211 = tpu.memref_squeeze %dma_wait3A_210 : memref<1x80x128xbf16, #tpu.memory_space<vmem>> -> memref<80x128xbf16, #tpu.memory_space<vmem>>
      %dma_wait3A_212 = arith.constant 0 : i32
      %dma_wait3A_213 = tpu.memref_slice %arg17[%add3A_184, %dma_wait3A_212] : memref<10000x128xbf16, #tpu.memory_space<vmem_shared>> -> memref<80x128xbf16, #tpu.memory_space<vmem_shared>>
      %dma_wait3A_214 = arith.constant 0 : i32
      %dma_wait3A_215 = arith.constant 0 : i32
      %dma_wait3A_216 = tpu.memref_slice %arg10[%run_scoped3A_185, %dma_wait3A_214, %dma_wait3A_215] : memref<3x80x128xbf16, #tpu.memory_space<vmem>> -> memref<1x80x128xbf16, #tpu.memory_space<vmem>>
      %dma_wait3A_217 = tpu.memref_squeeze %dma_wait3A_216 : memref<1x80x128xbf16, #tpu.memory_space<vmem>> -> memref<80x128xbf16, #tpu.memory_space<vmem>>
      %dma_wait3A_218 = arith.constant 0 : i32
      %dma_wait3A_219 = tpu.memref_slice %arg17[%add3A_184, %dma_wait3A_218] : memref<10000x128xbf16, #tpu.memory_space<vmem_shared>> -> memref<80x128xbf16, #tpu.memory_space<vmem_shared>>
      tpu.wait_dma2 semaphore(%run_scoped3A_195 : memref<!tpu.dma_semaphore, #tpu.memory_space<semaphore_mem>>) src(%dma_wait3A_219 : memref<80x128xbf16, #tpu.memory_space<vmem_shared>>) dst(%dma_wait3A_217 : memref<80x128xbf16, #tpu.memory_space<vmem>>)
      tpu.yield
    }) : () -> ()
    %run_scoped3A_186 = arith.constant 0 : i32
    "tpu.region"() ({
      %run_scoped3A_195 = tpu.sem_alloc : memref<!tpu.dma_semaphore, #tpu.memory_space<semaphore_mem>>
      %dma_start3A_196 = arith.constant 0 : i32
      %dma_start3A_197 = arith.constant 0 : i32
      %dma_start3A_198 = tpu.memref_slice %arg10[%run_scoped3A_186, %dma_start3A_196, %dma_start3A_197] : memref<3x80x128xbf16, #tpu.memory_space<vmem>> -> memref<1x80x128xbf16, #tpu.memory_space<vmem>>
      %dma_start3A_199 = tpu.memref_squeeze %dma_start3A_198 : memref<1x80x128xbf16, #tpu.memory_space<vmem>> -> memref<80x128xbf16, #tpu.memory_space<vmem>>
      %dma_start3A_200 = arith.constant 0 : i32
      %dma_start3A_201 = tpu.memref_slice %arg6[%arg0, %add3A_184, %dma_start3A_200] : memref<2x10000x128xbf16, #tpu.memory_space<hbm>> -> memref<1x80x128xbf16, #tpu.memory_space<hbm>>
      %dma_start3A_202 = tpu.memref_squeeze %dma_start3A_201 : memref<1x80x128xbf16, #tpu.memory_space<hbm>> -> memref<80x128xbf16, #tpu.memory_space<hbm>>
      %dma_start3A_203 = arith.constant 0 : i32
      %dma_start3A_204 = tpu.memref_slice %arg6[%arg0, %add3A_184, %dma_start3A_203] : memref<2x10000x128xbf16, #tpu.memory_space<hbm>> -> memref<1x80x128xbf16, #tpu.memory_space<hbm>>
      %dma_start3A_205 = tpu.memref_squeeze %dma_start3A_204 : memref<1x80x128xbf16, #tpu.memory_space<hbm>> -> memref<80x128xbf16, #tpu.memory_space<hbm>>
      %dma_start3A_206 = arith.constant 0 : i32
      %dma_start3A_207 = arith.constant 0 : i32
      %dma_start3A_208 = tpu.memref_slice %arg10[%run_scoped3A_186, %dma_start3A_206, %dma_start3A_207] : memref<3x80x128xbf16, #tpu.memory_space<vmem>> -> memref<1x80x128xbf16, #tpu.memory_space<vmem>>
      %dma_start3A_209 = tpu.memref_squeeze %dma_start3A_208 : memref<1x80x128xbf16, #tpu.memory_space<vmem>> -> memref<80x128xbf16, #tpu.memory_space<vmem>>
      tpu.enqueue_dma source(%dma_start3A_209 : memref<80x128xbf16, #tpu.memory_space<vmem>>) target(%dma_start3A_205 : memref<80x128xbf16, #tpu.memory_space<hbm>>) target_semaphore(%run_scoped3A_195 : memref<!tpu.dma_semaphore, #tpu.memory_space<semaphore_mem>>)
      %dma_wait3A_210 = arith.constant 0 : i32
      %dma_wait3A_211 = arith.constant 0 : i32
      %dma_wait3A_212 = tpu.memref_slice %arg10[%run_scoped3A_186, %dma_wait3A_210, %dma_wait3A_211] : memref<3x80x128xbf16, #tpu.memory_space<vmem>> -> memref<1x80x128xbf16, #tpu.memory_space<vmem>>
      %dma_wait3A_213 = tpu.memref_squeeze %dma_wait3A_212 : memref<1x80x128xbf16, #tpu.memory_space<vmem>> -> memref<80x128xbf16, #tpu.memory_space<vmem>>
      %dma_wait3A_214 = arith.constant 0 : i32
      %dma_wait3A_215 = tpu.memref_slice %arg6[%arg0, %add3A_184, %dma_wait3A_214] : memref<2x10000x128xbf16, #tpu.memory_space<hbm>> -> memref<1x80x128xbf16, #tpu.memory_space<hbm>>
      %dma_wait3A_216 = tpu.memref_squeeze %dma_wait3A_215 : memref<1x80x128xbf16, #tpu.memory_space<hbm>> -> memref<80x128xbf16, #tpu.memory_space<hbm>>
      %dma_wait3A_217 = arith.constant 0 : i32
      %dma_wait3A_218 = tpu.memref_slice %arg6[%arg0, %add3A_184, %dma_wait3A_217] : memref<2x10000x128xbf16, #tpu.memory_space<hbm>> -> memref<1x80x128xbf16, #tpu.memory_space<hbm>>
      %dma_wait3A_219 = tpu.memref_squeeze %dma_wait3A_218 : memref<1x80x128xbf16, #tpu.memory_space<hbm>> -> memref<80x128xbf16, #tpu.memory_space<hbm>>
      %dma_wait3A_220 = arith.constant 0 : i32
      %dma_wait3A_221 = arith.constant 0 : i32
      %dma_wait3A_222 = tpu.memref_slice %arg10[%run_scoped3A_186, %dma_wait3A_220, %dma_wait3A_221] : memref<3x80x128xbf16, #tpu.memory_space<vmem>> -> memref<1x80x128xbf16, #tpu.memory_space<vmem>>
      %dma_wait3A_223 = tpu.memref_squeeze %dma_wait3A_222 : memref<1x80x128xbf16, #tpu.memory_space<vmem>> -> memref<80x128xbf16, #tpu.memory_space<vmem>>
      tpu.wait_dma2 semaphore(%run_scoped3A_195 : memref<!tpu.dma_semaphore, #tpu.memory_space<semaphore_mem>>) src(%dma_wait3A_223 : memref<80x128xbf16, #tpu.memory_space<vmem>>) dst(%dma_wait3A_219 : memref<80x128xbf16, #tpu.memory_space<hbm>>)
      tpu.yield
    }) : () -> ()
    %add3A_187 = arith.constant 480 : i32
    %add3A_188 = arith.addi %mul3A_4, %add3A_187 : i32
    %run_scoped3A_189 = arith.constant 0 : i32
    "tpu.region"() ({
      %run_scoped3A_195 = tpu.sem_alloc : memref<!tpu.dma_semaphore, #tpu.memory_space<semaphore_mem>>
      %dma_start3A_196 = arith.constant 0 : i32
      %dma_start3A_197 = arith.constant 0 : i32
      %dma_start3A_198 = tpu.memref_slice %arg10[%run_scoped3A_189, %dma_start3A_196, %dma_start3A_197] : memref<3x80x128xbf16, #tpu.memory_space<vmem>> -> memref<1x80x128xbf16, #tpu.memory_space<vmem>>
      %dma_start3A_199 = tpu.memref_squeeze %dma_start3A_198 : memref<1x80x128xbf16, #tpu.memory_space<vmem>> -> memref<80x128xbf16, #tpu.memory_space<vmem>>
      %dma_start3A_200 = arith.constant 0 : i32
      %dma_start3A_201 = tpu.memref_slice %arg17[%add3A_188, %dma_start3A_200] : memref<10000x128xbf16, #tpu.memory_space<vmem_shared>> -> memref<80x128xbf16, #tpu.memory_space<vmem_shared>>
      %dma_start3A_202 = arith.constant 0 : i32
      %dma_start3A_203 = arith.constant 0 : i32
      %dma_start3A_204 = tpu.memref_slice %arg10[%run_scoped3A_189, %dma_start3A_202, %dma_start3A_203] : memref<3x80x128xbf16, #tpu.memory_space<vmem>> -> memref<1x80x128xbf16, #tpu.memory_space<vmem>>
      %dma_start3A_205 = tpu.memref_squeeze %dma_start3A_204 : memref<1x80x128xbf16, #tpu.memory_space<vmem>> -> memref<80x128xbf16, #tpu.memory_space<vmem>>
      %dma_start3A_206 = arith.constant 0 : i32
      %dma_start3A_207 = tpu.memref_slice %arg17[%add3A_188, %dma_start3A_206] : memref<10000x128xbf16, #tpu.memory_space<vmem_shared>> -> memref<80x128xbf16, #tpu.memory_space<vmem_shared>>
      tpu.enqueue_dma source(%dma_start3A_207 : memref<80x128xbf16, #tpu.memory_space<vmem_shared>>) target(%dma_start3A_205 : memref<80x128xbf16, #tpu.memory_space<vmem>>) target_semaphore(%run_scoped3A_195 : memref<!tpu.dma_semaphore, #tpu.memory_space<semaphore_mem>>)
      %dma_wait3A_208 = arith.constant 0 : i32
      %dma_wait3A_209 = arith.constant 0 : i32
      %dma_wait3A_210 = tpu.memref_slice %arg10[%run_scoped3A_189, %dma_wait3A_208, %dma_wait3A_209] : memref<3x80x128xbf16, #tpu.memory_space<vmem>> -> memref<1x80x128xbf16, #tpu.memory_space<vmem>>
      %dma_wait3A_211 = tpu.memref_squeeze %dma_wait3A_210 : memref<1x80x128xbf16, #tpu.memory_space<vmem>> -> memref<80x128xbf16, #tpu.memory_space<vmem>>
      %dma_wait3A_212 = arith.constant 0 : i32
      %dma_wait3A_213 = tpu.memref_slice %arg17[%add3A_188, %dma_wait3A_212] : memref<10000x128xbf16, #tpu.memory_space<vmem_shared>> -> memref<80x128xbf16, #tpu.memory_space<vmem_shared>>
      %dma_wait3A_214 = arith.constant 0 : i32
      %dma_wait3A_215 = arith.constant 0 : i32
      %dma_wait3A_216 = tpu.memref_slice %arg10[%run_scoped3A_189, %dma_wait3A_214, %dma_wait3A_215] : memref<3x80x128xbf16, #tpu.memory_space<vmem>> -> memref<1x80x128xbf16, #tpu.memory_space<vmem>>
      %dma_wait3A_217 = tpu.memref_squeeze %dma_wait3A_216 : memref<1x80x128xbf16, #tpu.memory_space<vmem>> -> memref<80x128xbf16, #tpu.memory_space<vmem>>
      %dma_wait3A_218 = arith.constant 0 : i32
      %dma_wait3A_219 = tpu.memref_slice %arg17[%add3A_188, %dma_wait3A_218] : memref<10000x128xbf16, #tpu.memory_space<vmem_shared>> -> memref<80x128xbf16, #tpu.memory_space<vmem_shared>>
      tpu.wait_dma2 semaphore(%run_scoped3A_195 : memref<!tpu.dma_semaphore, #tpu.memory_space<semaphore_mem>>) src(%dma_wait3A_219 : memref<80x128xbf16, #tpu.memory_space<vmem_shared>>) dst(%dma_wait3A_217 : memref<80x128xbf16, #tpu.memory_space<vmem>>)
      tpu.yield
    }) : () -> ()
    %run_scoped3A_190 = arith.constant 0 : i32
    "tpu.region"() ({
      %run_scoped3A_195 = tpu.sem_alloc : memref<!tpu.dma_semaphore, #tpu.memory_space<semaphore_mem>>
      %dma_start3A_196 = arith.constant 0 : i32
      %dma_start3A_197 = arith.constant 0 : i32
      %dma_start3A_198 = tpu.memref_slice %arg10[%run_scoped3A_190, %dma_start3A_196, %dma_start3A_197] : memref<3x80x128xbf16, #tpu.memory_space<vmem>> -> memref<1x80x128xbf16, #tpu.memory_space<vmem>>
      %dma_start3A_199 = tpu.memref_squeeze %dma_start3A_198 : memref<1x80x128xbf16, #tpu.memory_space<vmem>> -> memref<80x128xbf16, #tpu.memory_space<vmem>>
      %dma_start3A_200 = arith.constant 0 : i32
      %dma_start3A_201 = tpu.memref_slice %arg6[%arg0, %add3A_188, %dma_start3A_200] : memref<2x10000x128xbf16, #tpu.memory_space<hbm>> -> memref<1x80x128xbf16, #tpu.memory_space<hbm>>
      %dma_start3A_202 = tpu.memref_squeeze %dma_start3A_201 : memref<1x80x128xbf16, #tpu.memory_space<hbm>> -> memref<80x128xbf16, #tpu.memory_space<hbm>>
      %dma_start3A_203 = arith.constant 0 : i32
      %dma_start3A_204 = tpu.memref_slice %arg6[%arg0, %add3A_188, %dma_start3A_203] : memref<2x10000x128xbf16, #tpu.memory_space<hbm>> -> memref<1x80x128xbf16, #tpu.memory_space<hbm>>
      %dma_start3A_205 = tpu.memref_squeeze %dma_start3A_204 : memref<1x80x128xbf16, #tpu.memory_space<hbm>> -> memref<80x128xbf16, #tpu.memory_space<hbm>>
      %dma_start3A_206 = arith.constant 0 : i32
      %dma_start3A_207 = arith.constant 0 : i32
      %dma_start3A_208 = tpu.memref_slice %arg10[%run_scoped3A_190, %dma_start3A_206, %dma_start3A_207] : memref<3x80x128xbf16, #tpu.memory_space<vmem>> -> memref<1x80x128xbf16, #tpu.memory_space<vmem>>
      %dma_start3A_209 = tpu.memref_squeeze %dma_start3A_208 : memref<1x80x128xbf16, #tpu.memory_space<vmem>> -> memref<80x128xbf16, #tpu.memory_space<vmem>>
      tpu.enqueue_dma source(%dma_start3A_209 : memref<80x128xbf16, #tpu.memory_space<vmem>>) target(%dma_start3A_205 : memref<80x128xbf16, #tpu.memory_space<hbm>>) target_semaphore(%run_scoped3A_195 : memref<!tpu.dma_semaphore, #tpu.memory_space<semaphore_mem>>)
      %dma_wait3A_210 = arith.constant 0 : i32
      %dma_wait3A_211 = arith.constant 0 : i32
      %dma_wait3A_212 = tpu.memref_slice %arg10[%run_scoped3A_190, %dma_wait3A_210, %dma_wait3A_211] : memref<3x80x128xbf16, #tpu.memory_space<vmem>> -> memref<1x80x128xbf16, #tpu.memory_space<vmem>>
      %dma_wait3A_213 = tpu.memref_squeeze %dma_wait3A_212 : memref<1x80x128xbf16, #tpu.memory_space<vmem>> -> memref<80x128xbf16, #tpu.memory_space<vmem>>
      %dma_wait3A_214 = arith.constant 0 : i32
      %dma_wait3A_215 = tpu.memref_slice %arg6[%arg0, %add3A_188, %dma_wait3A_214] : memref<2x10000x128xbf16, #tpu.memory_space<hbm>> -> memref<1x80x128xbf16, #tpu.memory_space<hbm>>
      %dma_wait3A_216 = tpu.memref_squeeze %dma_wait3A_215 : memref<1x80x128xbf16, #tpu.memory_space<hbm>> -> memref<80x128xbf16, #tpu.memory_space<hbm>>
      %dma_wait3A_217 = arith.constant 0 : i32
      %dma_wait3A_218 = tpu.memref_slice %arg6[%arg0, %add3A_188, %dma_wait3A_217] : memref<2x10000x128xbf16, #tpu.memory_space<hbm>> -> memref<1x80x128xbf16, #tpu.memory_space<hbm>>
      %dma_wait3A_219 = tpu.memref_squeeze %dma_wait3A_218 : memref<1x80x128xbf16, #tpu.memory_space<hbm>> -> memref<80x128xbf16, #tpu.memory_space<hbm>>
      %dma_wait3A_220 = arith.constant 0 : i32
      %dma_wait3A_221 = arith.constant 0 : i32
      %dma_wait3A_222 = tpu.memref_slice %arg10[%run_scoped3A_190, %dma_wait3A_220, %dma_wait3A_221] : memref<3x80x128xbf16, #tpu.memory_space<vmem>> -> memref<1x80x128xbf16, #tpu.memory_space<vmem>>
      %dma_wait3A_223 = tpu.memref_squeeze %dma_wait3A_222 : memref<1x80x128xbf16, #tpu.memory_space<vmem>> -> memref<80x128xbf16, #tpu.memory_space<vmem>>
      tpu.wait_dma2 semaphore(%run_scoped3A_195 : memref<!tpu.dma_semaphore, #tpu.memory_space<semaphore_mem>>) src(%dma_wait3A_223 : memref<80x128xbf16, #tpu.memory_space<vmem>>) dst(%dma_wait3A_219 : memref<80x128xbf16, #tpu.memory_space<hbm>>)
      tpu.yield
    }) : () -> ()
    %add3A_191 = arith.constant 560 : i32
    %add3A_192 = arith.addi %mul3A_4, %add3A_191 : i32
    %run_scoped3A_193 = arith.constant 0 : i32
    "tpu.region"() ({
      %run_scoped3A_195 = tpu.sem_alloc : memref<!tpu.dma_semaphore, #tpu.memory_space<semaphore_mem>>
      %dma_start3A_196 = arith.constant 0 : i32
      %dma_start3A_197 = arith.constant 0 : i32
      %dma_start3A_198 = tpu.memref_slice %arg10[%run_scoped3A_193, %dma_start3A_196, %dma_start3A_197] : memref<3x80x128xbf16, #tpu.memory_space<vmem>> -> memref<1x65x128xbf16, #tpu.memory_space<vmem>>
      %dma_start3A_199 = tpu.memref_squeeze %dma_start3A_198 : memref<1x65x128xbf16, #tpu.memory_space<vmem>> -> memref<65x128xbf16, #tpu.memory_space<vmem>>
      %dma_start3A_200 = arith.constant 0 : i32
      %dma_start3A_201 = tpu.memref_slice %arg17[%add3A_192, %dma_start3A_200] : memref<10000x128xbf16, #tpu.memory_space<vmem_shared>> -> memref<65x128xbf16, #tpu.memory_space<vmem_shared>>
      %dma_start3A_202 = arith.constant 0 : i32
      %dma_start3A_203 = arith.constant 0 : i32
      %dma_start3A_204 = tpu.memref_slice %arg10[%run_scoped3A_193, %dma_start3A_202, %dma_start3A_203] : memref<3x80x128xbf16, #tpu.memory_space<vmem>> -> memref<1x65x128xbf16, #tpu.memory_space<vmem>>
      %dma_start3A_205 = tpu.memref_squeeze %dma_start3A_204 : memref<1x65x128xbf16, #tpu.memory_space<vmem>> -> memref<65x128xbf16, #tpu.memory_space<vmem>>
      %dma_start3A_206 = arith.constant 0 : i32
      %dma_start3A_207 = tpu.memref_slice %arg17[%add3A_192, %dma_start3A_206] : memref<10000x128xbf16, #tpu.memory_space<vmem_shared>> -> memref<65x128xbf16, #tpu.memory_space<vmem_shared>>
      tpu.enqueue_dma source(%dma_start3A_207 : memref<65x128xbf16, #tpu.memory_space<vmem_shared>>) target(%dma_start3A_205 : memref<65x128xbf16, #tpu.memory_space<vmem>>) target_semaphore(%run_scoped3A_195 : memref<!tpu.dma_semaphore, #tpu.memory_space<semaphore_mem>>)
      %dma_wait3A_208 = arith.constant 0 : i32
      %dma_wait3A_209 = arith.constant 0 : i32
      %dma_wait3A_210 = tpu.memref_slice %arg10[%run_scoped3A_193, %dma_wait3A_208, %dma_wait3A_209] : memref<3x80x128xbf16, #tpu.memory_space<vmem>> -> memref<1x65x128xbf16, #tpu.memory_space<vmem>>
      %dma_wait3A_211 = tpu.memref_squeeze %dma_wait3A_210 : memref<1x65x128xbf16, #tpu.memory_space<vmem>> -> memref<65x128xbf16, #tpu.memory_space<vmem>>
      %dma_wait3A_212 = arith.constant 0 : i32
      %dma_wait3A_213 = tpu.memref_slice %arg17[%add3A_192, %dma_wait3A_212] : memref<10000x128xbf16, #tpu.memory_space<vmem_shared>> -> memref<65x128xbf16, #tpu.memory_space<vmem_shared>>
      %dma_wait3A_214 = arith.constant 0 : i32
      %dma_wait3A_215 = arith.constant 0 : i32
      %dma_wait3A_216 = tpu.memref_slice %arg10[%run_scoped3A_193, %dma_wait3A_214, %dma_wait3A_215] : memref<3x80x128xbf16, #tpu.memory_space<vmem>> -> memref<1x65x128xbf16, #tpu.memory_space<vmem>>
      %dma_wait3A_217 = tpu.memref_squeeze %dma_wait3A_216 : memref<1x65x128xbf16, #tpu.memory_space<vmem>> -> memref<65x128xbf16, #tpu.memory_space<vmem>>
      %dma_wait3A_218 = arith.constant 0 : i32
      %dma_wait3A_219 = tpu.memref_slice %arg17[%add3A_192, %dma_wait3A_218] : memref<10000x128xbf16, #tpu.memory_space<vmem_shared>> -> memref<65x128xbf16, #tpu.memory_space<vmem_shared>>
      tpu.wait_dma2 semaphore(%run_scoped3A_195 : memref<!tpu.dma_semaphore, #tpu.memory_space<semaphore_mem>>) src(%dma_wait3A_219 : memref<65x128xbf16, #tpu.memory_space<vmem_shared>>) dst(%dma_wait3A_217 : memref<65x128xbf16, #tpu.memory_space<vmem>>)
      tpu.yield
    }) : () -> ()
    %run_scoped3A_194 = arith.constant 0 : i32
    "tpu.region"() ({
      %run_scoped3A_195 = tpu.sem_alloc : memref<!tpu.dma_semaphore, #tpu.memory_space<semaphore_mem>>
      %dma_start3A_196 = arith.constant 0 : i32
      %dma_start3A_197 = arith.constant 0 : i32
      %dma_start3A_198 = tpu.memref_slice %arg10[%run_scoped3A_194, %dma_start3A_196, %dma_start3A_197] : memref<3x80x128xbf16, #tpu.memory_space<vmem>> -> memref<1x65x128xbf16, #tpu.memory_space<vmem>>
      %dma_start3A_199 = tpu.memref_squeeze %dma_start3A_198 : memref<1x65x128xbf16, #tpu.memory_space<vmem>> -> memref<65x128xbf16, #tpu.memory_space<vmem>>
      %dma_start3A_200 = arith.constant 0 : i32
      %dma_start3A_201 = tpu.memref_slice %arg6[%arg0, %add3A_192, %dma_start3A_200] : memref<2x10000x128xbf16, #tpu.memory_space<hbm>> -> memref<1x65x128xbf16, #tpu.memory_space<hbm>>
      %dma_start3A_202 = tpu.memref_squeeze %dma_start3A_201 : memref<1x65x128xbf16, #tpu.memory_space<hbm>> -> memref<65x128xbf16, #tpu.memory_space<hbm>>
      %dma_start3A_203 = arith.constant 0 : i32
      %dma_start3A_204 = tpu.memref_slice %arg6[%arg0, %add3A_192, %dma_start3A_203] : memref<2x10000x128xbf16, #tpu.memory_space<hbm>> -> memref<1x65x128xbf16, #tpu.memory_space<hbm>>
      %dma_start3A_205 = tpu.memref_squeeze %dma_start3A_204 : memref<1x65x128xbf16, #tpu.memory_space<hbm>> -> memref<65x128xbf16, #tpu.memory_space<hbm>>
      %dma_start3A_206 = arith.constant 0 : i32
      %dma_start3A_207 = arith.constant 0 : i32
      %dma_start3A_208 = tpu.memref_slice %arg10[%run_scoped3A_194, %dma_start3A_206, %dma_start3A_207] : memref<3x80x128xbf16, #tpu.memory_space<vmem>> -> memref<1x65x128xbf16, #tpu.memory_space<vmem>>
      %dma_start3A_209 = tpu.memref_squeeze %dma_start3A_208 : memref<1x65x128xbf16, #tpu.memory_space<vmem>> -> memref<65x128xbf16, #tpu.memory_space<vmem>>
      tpu.enqueue_dma source(%dma_start3A_209 : memref<65x128xbf16, #tpu.memory_space<vmem>>) target(%dma_start3A_205 : memref<65x128xbf16, #tpu.memory_space<hbm>>) target_semaphore(%run_scoped3A_195 : memref<!tpu.dma_semaphore, #tpu.memory_space<semaphore_mem>>)
      %dma_wait3A_210 = arith.constant 0 : i32
      %dma_wait3A_211 = arith.constant 0 : i32
      %dma_wait3A_212 = tpu.memref_slice %arg10[%run_scoped3A_194, %dma_wait3A_210, %dma_wait3A_211] : memref<3x80x128xbf16, #tpu.memory_space<vmem>> -> memref<1x65x128xbf16, #tpu.memory_space<vmem>>
      %dma_wait3A_213 = tpu.memref_squeeze %dma_wait3A_212 : memref<1x65x128xbf16, #tpu.memory_space<vmem>> -> memref<65x128xbf16, #tpu.memory_space<vmem>>
      %dma_wait3A_214 = arith.constant 0 : i32
      %dma_wait3A_215 = tpu.memref_slice %arg6[%arg0, %add3A_192, %dma_wait3A_214] : memref<2x10000x128xbf16, #tpu.memory_space<hbm>> -> memref<1x65x128xbf16, #tpu.memory_space<hbm>>
      %dma_wait3A_216 = tpu.memref_squeeze %dma_wait3A_215 : memref<1x65x128xbf16, #tpu.memory_space<hbm>> -> memref<65x128xbf16, #tpu.memory_space<hbm>>
      %dma_wait3A_217 = arith.constant 0 : i32
      %dma_wait3A_218 = tpu.memref_slice %arg6[%arg0, %add3A_192, %dma_wait3A_217] : memref<2x10000x128xbf16, #tpu.memory_space<hbm>> -> memref<1x65x128xbf16, #tpu.memory_space<hbm>>
      %dma_wait3A_219 = tpu.memref_squeeze %dma_wait3A_218 : memref<1x65x128xbf16, #tpu.memory_space<hbm>> -> memref<65x128xbf16, #tpu.memory_space<hbm>>
      %dma_wait3A_220 = arith.constant 0 : i32
      %dma_wait3A_221 = arith.constant 0 : i32
      %dma_wait3A_222 = tpu.memref_slice %arg10[%run_scoped3A_194, %dma_wait3A_220, %dma_wait3A_221] : memref<3x80x128xbf16, #tpu.memory_space<vmem>> -> memref<1x65x128xbf16, #tpu.memory_space<vmem>>
      %dma_wait3A_223 = tpu.memref_squeeze %dma_wait3A_222 : memref<1x65x128xbf16, #tpu.memory_space<vmem>> -> memref<65x128xbf16, #tpu.memory_space<vmem>>
      tpu.wait_dma2 semaphore(%run_scoped3A_195 : memref<!tpu.dma_semaphore, #tpu.memory_space<semaphore_mem>>) src(%dma_wait3A_223 : memref<65x128xbf16, #tpu.memory_space<vmem>>) dst(%dma_wait3A_219 : memref<65x128xbf16, #tpu.memory_space<hbm>>)
      tpu.yield
    }) : () -> ()
    return
  }
}

module attributes {stable_mosaic.version = 14 : i64} {
  func.func @_tc1_body(%arg0: memref<10000x128xf32, #tpu.memory_space<vmem>>, %arg1: memref<128x128xf32, #tpu.memory_space<vmem>>, %arg2: memref<1x128xf32, #tpu.memory_space<vmem>>, %arg3: memref<10000x128xbf16, #tpu.memory_space<vmem>>, %arg4: memref<10000x128xf32, #tpu.memory_space<vmem>>) attributes {dimension_semantics = [], scalar_prefetch = 0 : i64, scratch_operands = 0 : i64, tpu.core_type = #tpu.core_type<tc>} {
    %get3A = arith.constant 0 : index
    %get3A_0 = arith.constant 0 : index
    %get3A_1 = vector.load %arg0[%get3A, %get3A_0] : memref<10000x128xf32, #tpu.memory_space<vmem>>, vector<10000x128xf32>
    %get3A_2 = arith.constant 0 : index
    %get3A_3 = arith.constant 0 : index
    %get3A_4 = vector.load %arg1[%get3A_2, %get3A_3] : memref<128x128xf32, #tpu.memory_space<vmem>>, vector<128x128xf32>
    %dot_general3A = arith.constant dense<0.000000e+00> : vector<10000x128xf32>
    %dot_general3A_5 = tpu.matmul %get3A_1, %get3A_4, %dot_general3A {dimension_numbers = #tpu.dot_dimension_numbers<[1], [0], [0], [1], [0, 0, 1, 1], [], []>, transpose_lhs_hint = false} : vector<10000x128xf32>, vector<128x128xf32>, vector<10000x128xf32> -> vector<10000x128xf32>
    %jit3A = arith.constant 2.000000e-01 : f32
    %ge3A = arith.constant 0.000000e+00 : f32
    %ge3A_6 = vector.broadcast %ge3A : f32 to vector<10000x128xf32>
    %ge3A_7 = arith.cmpf oge, %dot_general3A_5, %ge3A_6 : vector<10000x128xf32>
    %mul3A = vector.broadcast %jit3A : f32 to vector<10000x128xf32>
    %mul3A_8 = arith.mulf %mul3A, %dot_general3A_5 : vector<10000x128xf32>
    %select_n3A = arith.select %ge3A_7, %dot_general3A_5, %mul3A_8 : vector<10000x128xi1>, vector<10000x128xf32>
    %get3A_9 = arith.constant 0 : index
    %get3A_10 = arith.constant 0 : index
    %get3A_11 = vector.load %arg2[%get3A_9, %get3A_10] : memref<1x128xf32, #tpu.memory_space<vmem>>, vector<1x128xf32>
    %mul3A_12 = vector.broadcast %get3A_11 : vector<1x128xf32> to vector<10000x128xf32>
    %mul3A_13 = arith.mulf %select_n3A, %mul3A_12 : vector<10000x128xf32>
    %reduce_sum3A = arith.constant dense<0.000000e+00> : vector<10000xf32>
    %reduce_sum3A_14 = vector.multi_reduction <add>, %mul3A_13, %reduce_sum3A [1] : vector<10000x128xf32> to vector<10000xf32>
    %broadcast_in_dim3A = vector.shape_cast %reduce_sum3A_14 : vector<10000xf32> to vector<10000x1xf32>
    %reduce_max3A = vector.shape_cast %broadcast_in_dim3A : vector<10000x1xf32> to vector<1x10000x1xf32>
    %reduce_max3A_15 = arith.constant dense<0xFF800000> : vector<1xf32>
    %reduce_max3A_16 = vector.multi_reduction <maximumf>, %reduce_max3A, %reduce_max3A_15 [1, 2] : vector<1x10000x1xf32> to vector<1xf32>
    %reduce_max3A_17 = vector.shape_cast %reduce_max3A_16 : vector<1xf32> to vector<1x1x1xf32>
    %reduce_max3A_18 = vector.extract %reduce_max3A_17[0, 0, 0] : f32 from vector<1x1x1xf32>
    %sub3A = vector.broadcast %reduce_max3A_18 : f32 to vector<10000x1xf32>
    %sub3A_19 = arith.subf %broadcast_in_dim3A, %sub3A : vector<10000x1xf32>
    %exp3A = math.exp %sub3A_19 : vector<10000x1xf32>
    %mul3A_20 = vector.broadcast %exp3A : vector<10000x1xf32> to vector<10000x128xf32>
    %mul3A_21 = arith.mulf %select_n3A, %mul3A_20 : vector<10000x128xf32>
    %convert_element_type3A = arith.truncf %mul3A_21 : vector<10000x128xf32> to vector<10000x128xbf16>
    %swap3A = arith.constant 0 : index
    %swap3A_22 = arith.constant 0 : index
    %swap3A_23 = vector.load %arg3[%swap3A, %swap3A_22] : memref<10000x128xbf16, #tpu.memory_space<vmem>>, vector<10000x128xbf16>
    tpu.vector_store %arg3[%swap3A, %swap3A_22], %convert_element_type3A {strides = array<i32>} : memref<10000x128xbf16, #tpu.memory_space<vmem>>, vector<10000x128xbf16>,
    %iota3A = tpu.iota {dimensions = array<i32: 1>} : vector<10000x128xi32>
    %eq3A = arith.constant 0 : i32
    %eq3A_24 = vector.broadcast %eq3A : i32 to vector<10000x128xi32>
    %eq3A_25 = arith.cmpi eq, %iota3A, %eq3A_24 : vector<10000x128xi32>
    %jit3A_26 = arith.constant 0.000000e+00 : f32
    %broadcast_in_dim3A_27 = vector.shape_cast %exp3A : vector<10000x1xf32> to vector<10000x1xf32>
    %broadcast_in_dim3A_28 = vector.broadcast %broadcast_in_dim3A_27 : vector<10000x1xf32> to vector<10000x128xf32>
    %broadcast_in_dim3A_29 = vector.broadcast %jit3A_26 : f32 to vector<10000x128xf32>
    %select_n3A_30 = arith.select %eq3A_25, %broadcast_in_dim3A_28, %broadcast_in_dim3A_29 : vector<10000x128xi1>, vector<10000x128xf32>
    %swap3A_31 = arith.constant 0 : index
    %swap3A_32 = arith.constant 0 : index
    %swap3A_33 = vector.load %arg4[%swap3A_31, %swap3A_32] : memref<10000x128xf32, #tpu.memory_space<vmem>>, vector<10000x128xf32>
    tpu.vector_store %arg4[%swap3A_31, %swap3A_32], %select_n3A_30 {strides = array<i32>} : memref<10000x128xf32, #tpu.memory_space<vmem>>, vector<10000x128xf32>,
    return
  }
}

module attributes {stable_mosaic.version = 14 : i64} {
  func.func @_tc2_body(%arg0: memref<2560000xbf16, #tpu.memory_space<vmem>>, %arg1: memref<2x10000x16xf32, #tpu.memory_space<vmem>>, %arg2: memref<10000x128xf32, #tpu.memory_space<vmem>>) attributes {dimension_semantics = [], scalar_prefetch = 0 : i64, scratch_operands = 0 : i64, tpu.core_type = #tpu.core_type<tc>} {
    %get3A = arith.constant 0 : index
    %get3A_0 = vector.load %arg0[%get3A] : memref<2560000xbf16, #tpu.memory_space<vmem>>, vector<2560000xbf16>
    %reshape3A = vector.shape_cast %get3A_0 : vector<2560000xbf16> to vector<20000x128xbf16>
    %slice3A = vector.extract_strided_slice %reshape3A {offsets = [0, 0], sizes = [10000, 128], strides = [1, 1]} : vector<20000x128xbf16> to vector<10000x128xbf16>
    %convert_element_type3A = arith.extf %slice3A : vector<10000x128xbf16> to vector<10000x128xf32>
    %slice3A_1 = vector.extract_strided_slice %reshape3A {offsets = [10000, 0], sizes = [10000, 128], strides = [1, 1]} : vector<20000x128xbf16> to vector<10000x128xbf16>
    %convert_element_type3A_2 = arith.extf %slice3A_1 : vector<10000x128xbf16> to vector<10000x128xf32>
    %add3A = arith.addf %convert_element_type3A, %convert_element_type3A_2 : vector<10000x128xf32>
    %get3A_3 = arith.constant 0 : index
    %get3A_4 = arith.constant 0 : index
    %get3A_5 = arith.constant 0 : index
    %get3A_6 = vector.load %arg1[%get3A_3, %get3A_4, %get3A_5] : memref<2x10000x16xf32, #tpu.memory_space<vmem>>, vector<1x10000x16xf32>
    %get3A_7 = vector.shape_cast %get3A_6 : vector<1x10000x16xf32> to vector<10000x16xf32>
    %get3A_8 = arith.constant 1 : index
    %get3A_9 = arith.constant 0 : index
    %get3A_10 = arith.constant 0 : index
    %get3A_11 = vector.load %arg1[%get3A_8, %get3A_9, %get3A_10] : memref<2x10000x16xf32, #tpu.memory_space<vmem>>, vector<1x10000x16xf32>
    %get3A_12 = vector.shape_cast %get3A_11 : vector<1x10000x16xf32> to vector<10000x16xf32>
    %add3A_13 = arith.addf %get3A_7, %get3A_12 : vector<10000x16xf32>
    %reduce_sum3A = arith.constant dense<0.000000e+00> : vector<10000xf32>
    %reduce_sum3A_14 = vector.multi_reduction <add>, %add3A_13, %reduce_sum3A [1] : vector<10000x16xf32> to vector<10000xf32>
    %broadcast_in_dim3A = vector.shape_cast %reduce_sum3A_14 : vector<10000xf32> to vector<10000x1xf32>
    %gt3A = arith.constant 0.000000e+00 : f32
    %gt3A_15 = vector.broadcast %gt3A : f32 to vector<10000x1xf32>
    %gt3A_16 = arith.cmpf ogt, %broadcast_in_dim3A, %gt3A_15 : vector<10000x1xf32>
    %jit3A = arith.constant 1.000000e+00 : f32
    %broadcast_in_dim3A_17 = vector.broadcast %jit3A : f32 to vector<10000x1xf32>
    %select_n3A = arith.select %gt3A_16, %broadcast_in_dim3A, %broadcast_in_dim3A_17 : vector<10000x1xi1>, vector<10000x1xf32>
    %div3A = vector.broadcast %select_n3A : vector<10000x1xf32> to vector<10000x128xf32>
    %div3A_18 = arith.divf %add3A, %div3A : vector<10000x128xf32>
    %jit3A_19 = arith.constant 0.000000e+00 : f32
    %broadcast_in_dim3A_20 = vector.shape_cast %gt3A_16 : vector<10000x1xi1> to vector<10000x1xi1>
    %broadcast_in_dim3A_21 = vector.broadcast %broadcast_in_dim3A_20 : vector<10000x1xi1> to vector<10000x128xi1>
    %broadcast_in_dim3A_22 = vector.broadcast %jit3A_19 : f32 to vector<10000x128xf32>
    %select_n3A_23 = arith.select %broadcast_in_dim3A_21, %div3A_18, %broadcast_in_dim3A_22 : vector<10000x128xi1>, vector<10000x128xf32>
    %gt3A_24 = arith.constant 0.000000e+00 : f32
    %gt3A_25 = vector.broadcast %gt3A_24 : f32 to vector<10000x128xf32>
    %gt3A_26 = arith.cmpf ogt, %select_n3A_23, %gt3A_25 : vector<10000x128xf32>
    %min3A = arith.constant 0.000000e+00 : f32
    %min3A_27 = vector.broadcast %min3A : f32 to vector<10000x128xf32>
    %min3A_28 = arith.minimumf %select_n3A_23, %min3A_27 : vector<10000x128xf32>
    %exp3A = math.exp %min3A_28 : vector<10000x128xf32>
    %sub3A = arith.constant 1.000000e+00 : f32
    %sub3A_29 = vector.broadcast %sub3A : f32 to vector<10000x128xf32>
    %sub3A_30 = arith.subf %exp3A, %sub3A_29 : vector<10000x128xf32>
    %select_n3A_31 = arith.select %gt3A_26, %select_n3A_23, %sub3A_30 : vector<10000x128xi1>, vector<10000x128xf32>
    %swap3A = arith.constant 0 : index
    %swap3A_32 = arith.constant 0 : index
    %swap3A_33 = vector.load %arg2[%swap3A, %swap3A_32] : memref<10000x128xf32, #tpu.memory_space<vmem>>, vector<10000x128xf32>
    tpu.vector_store %arg2[%swap3A, %swap3A_32], %select_n3A_31 {strides = array<i32>} : memref<10000x128xf32, #tpu.memory_space<vmem>>, vector<10000x128xf32>,
    return
  }
}

</mosaic_0001>

<sc_bundles>
// kernel: kernel.5.cloned.1.call-start
scs
__scs_entry_jumppad:
0x0: {  	(pc) =	sbr.rel $0x88, $3  }
0x1: {  	(tag) =	ssettag $0x0;
	lr =	simm.s32 $0x1  }
0x2: {  	[smem:$0x3F9D] =	sst lr;
	_ =	strace $0xD0000000  }
0x3: {  	_ = 	snop  }
0x4: {  	_ = 	snop  }
0x5: {  	_ = 	snop  }
0x6: {  	_ = 	snop  }
0x7: {  	_ = 	snop  }
__scs_overlays_trampoline_lowered:
0x8: {  	[smem:$0x3FAC] =	sst s0  }
0x9: {  	[smem:$0x3FAD] =	sst s1  }
0xa: {  	[smem:$0x3FAE] =	sst s2  }
0xb: {  	[smem:$0x3FAF] =	sst s3  }
0xc: {  	[smem:$0x3FB0] =	sst s4  }
0xd: {  	[smem:$0x3FB1] =	sst s5  }
0xe: {  	[smem:$0x3FB2] =	sst s6  }
0xf: {  	[smem:$0x3FB3] =	sst s7  }
0x10: {  	[smem:$0x3FB4] =	sst s8  }
0x11: {  	[smem:$0x3FB5] =	sst s9;
	s0 =	simm.s32 @!p0 $0x0  }
0x12: {  	s1 =	sld [smem:$0x3F9B];
	s0 =	simm.s32 @p0 $0x1  }
0x13: {  	[smem:$0x3FB6] =	sst s0;
	s0 =	simm.s32 @!p1 $0x0  }
0x14: {  	s2 =	sld [smem:$0x3F9A];
	s0 =	simm.s32 @p1 $0x1  }
0x15: {  	[smem:$0x3FB7] =	sst s0;
	s0 =	simm.s32 @!p2 $0x0  }
0x16: {  	s3 =	sld [smem:$0x3FDB];
	s0 =	simm.s32 @p2 $0x1  }
0x17: {  	s4 =	simm.s32 $0x1BF5;
	[smem:$0x3FB9] =	sst s0  }
0x18: {  	s0 =	sld [smem:$0x3F9C];
	_ =	swait.ge [sflag:s4], $0x0  }
0x19: {  	s7 =	sld [smem:$0x3F9D]  }
0x1a: {  	s8 =	sadd.s32 $0xFFFFE003, lr  }
0x1b: {  	s9 =	sadd.s32 $0xFFFFFEF7, lr;
	s5 =	simm.s32 $0xFFFFFFFF;
	p2 =	slt.u32 s8, $0xFFFFF086  }
0x1c: {  	p1 =	slt.u32 s9, $0xF7A;
	s5 =	simm.s32 @!p2 $0x0  }
0x1d: {  	s5 =	simm.s32 @p1 $0x1;
	p0 =	seq.s32 s7, s2  }
0x1e: {  	s7 =	smul.u32 @!p0 $0xF7A, s2;
	p2 =	seq.s32 @!p0 s5, $0x0  }
0x1f: {  	s9 =	smul.u32 $0xF7A, s1;
	s8 =	simm.s32 @!p0 $0x1BF5;
	p2 =	por !p2, p0  }
0x20: {  	[sflag:s8] =	ssyncset.s32 @!p0 $0xFFFFF086;
	s6 =	sadd.s32 @!p0 s3, s7;
	s7 =	simm.s32 @!p0 $0x108  }
0x21: {  	s3 =	sadd.s32 s3, s9;
	s6 =	sadd.s32 @!p0 $0x88, s6;
	s7 =	simm.s32 @p2 $0x1082  }
0x22: {  	[simem:s7], [sflag:s8] =	dma.local @!p0 [hbm:s6], $0xF7A  }
0x23: {  	s9 =	sor.u32 $0xD0000000, s2;
	s6 =	simm.s32 $0x108;
	_ =	swait.ge @!p0 [sflag:s8], $0x0  }
0x24: {  	s3 =	sadd.s32 $0x88, s3;
	s6 =	simm.s32 @!p1 $0x1082;
	[sflag:s4] =	ssyncset.s32 $0xFFFFF086  }
0x25: {  	[simem:s6], [sflag:s4] =	dma.local [hbm:s3], $0xF7A  }
0x26: {  	[smem:$0x3F9D] =	sst s1;
	(tag) =	ssettag s2;
	_ =	strace s9  }
0x27: {  	s1 =	sld [smem:$0x3FAD]  }
0x28: {  	s2 =	sld [smem:$0x3FAE]  }
0x29: {  	s4 =	sld [smem:$0x3FB0]  }
0x2a: {  	p0 =	seq.s32 s5, $0x0;
	s5 =	sld [smem:$0x3FB1]  }
0x2b: {  	s6 =	sld [smem:$0x3FB2]  }
0x2c: {  	s7 =	sld [smem:$0x3FB3]  }
0x2d: {  	s3 =	simm.s32 $0x108;
	s8 =	sld [smem:$0x3FB4]  }
0x2e: {  	s3 =	simm.s32 @!p0 $0x1082;
	s9 =	sld [smem:$0x3FB5]  }
0x2f: {  	lr =	sadd.s32 s0, s3;
	s0 =	sld [smem:$0x3FAC]  }
0x30: {  	s3 =	sld [smem:$0x3FAF]  }
0x31: {  	[smem:$0x3FB8] =	sst s10  }
0x32: {  	s10 =	sld [smem:$0x3FB6];
	_ =	sdelay $0x3  }
0x33: {  	p0 =	seq.s32 s10, $0x1;
	s10 =	sld [smem:$0x3FB8];
	_ =	sdelay $0x3  }
0x34: {  	[smem:$0x3FB8] =	sst s10  }
0x35: {  	s10 =	sld [smem:$0x3FB7];
	_ =	sdelay $0x3  }
0x36: {  	p1 =	seq.s32 s10, $0x1;
	s10 =	sld [smem:$0x3FB8];
	_ =	sdelay $0x3  }
0x37: {  	[smem:$0x3FB8] =	sst s10  }
0x38: {  	s10 =	sld [smem:$0x3FB9]  }
0x39: {  	_ = 	snop;
	(pc) =	sbr.ind lr, $3  }
0x3a: {  	_ = 	snop  }
0x3b: {  	_ = 	snop  }
0x3c: {  	p2 =	seq.s32 s10, $0x1;
	s10 =	sld [smem:$0x3FB8]  }
0x3d: {  	_ =	shalt  }
0x3e: {  	_ =	shalt  }
0x3f: {  	_ =	shalt  }
0x40: {  	_ =	shalt  }
0x41: {  	_ =	shalt  }
0x42: {  	_ =	shalt  }
0x43: {  	_ =	shalt  }
0x44: {  	_ =	shalt  }
0x45: {  	_ =	shalt  }
0x46: {  	_ =	shalt  }
0x47: {  	_ =	shalt  }
0x48: {  	_ =	shalt  }
0x49: {  	_ =	shalt  }
0x4a: {  	_ =	shalt  }
0x4b: {  	_ =	shalt  }
0x4c: {  	_ =	shalt  }
0x4d: {  	_ =	shalt  }
0x4e: {  	_ =	shalt  }
0x4f: {  	_ =	shalt  }
0x50: {  	_ =	shalt  }
0x51: {  	_ =	shalt  }
0x52: {  	_ =	shalt  }
0x53: {  	_ =	shalt  }
0x54: {  	_ =	shalt  }
0x55: {  	_ =	shalt  }
0x56: {  	_ =	shalt  }
0x57: {  	_ =	shalt  }
0x58: {  	_ =	shalt  }
0x59: {  	_ =	shalt  }
0x5a: {  	_ =	shalt  }
0x5b: {  	_ =	shalt  }
0x5c: {  	_ =	shalt  }
0x5d: {  	_ =	shalt  }
0x5e: {  	_ =	shalt  }
0x5f: {  	_ =	shalt  }
0x60: {  	_ =	shalt  }
0x61: {  	_ =	shalt  }
0x62: {  	_ =	shalt  }
0x63: {  	_ =	shalt  }
0x64: {  	_ =	shalt  }
0x65: {  	_ =	shalt  }
0x66: {  	_ =	shalt  }
0x67: {  	_ =	shalt  }
0x68: {  	_ =	shalt  }
0x69: {  	_ =	shalt  }
0x6a: {  	_ =	shalt  }
0x6b: {  	_ =	shalt  }
0x6c: {  	_ =	shalt  }
0x6d: {  	_ =	shalt  }
0x6e: {  	_ =	shalt  }
0x6f: {  	_ =	shalt  }
0x70: {  	_ =	shalt  }
0x71: {  	_ =	shalt  }
0x72: {  	_ =	shalt  }
0x73: {  	_ =	shalt  }
0x74: {  	_ =	shalt  }
0x75: {  	_ =	shalt  }
0x76: {  	_ =	shalt  }
0x77: {  	_ =	shalt  }
0x78: {  	_ =	shalt  }
0x79: {  	_ =	shalt  }
0x7a: {  	_ =	shalt  }
0x7b: {  	_ =	shalt  }
0x7c: {  	_ =	shalt  }
0x7d: {  	_ =	shalt  }
0x7e: {  	_ =	shalt  }
0x7f: {  	_ =	shalt  }
0x80: {  	_ =	shalt  }
0x81: {  	_ =	shalt  }
0x82: {  	_ =	shalt  }
0x83: {  	_ =	shalt  }
0x84: {  	_ =	shalt  }
0x85: {  	_ =	shalt  }
0x86: {  	_ =	shalt  }
0x87: {  	_ =	shalt  }
.Lfunc_end0:
.L_simem_size_0:
called_computation_lowered:
.L_overlay_start_0:
0x88: {  	s2 =	sld [smem:$0x3FD9]  }
0x89: {  	s3 =	sld [smem:$0x3FFE];
	_ =	sdelay $0x1  }
0x8a: {  	s1 =	srdreg.scid  }
0x8b: {  	s0 =	sand.u32 $0x1, s1  }
0x8c: {  	s17 =	sshll.u32 s0, $0xA;
	s2 =	sadd.s32 s3, s2  }
0x8d: {  	s2 =	sadd.s32 s2, s17  }
0x8e: {  	[smem:$0x3FC4] =	sst s2  }
0x8f: {  	_ = 	snop  }
0x90: {  	s2 =	sld [smem:$0x3FD0];
	(tm) =	ssettm $0x1  }
0x91: {  	s18 =	sld [smem:$0x3FFB];
	_ =	sdelay $0x3  }
0x92: {  	_ =	strace s18  }
0x93: {  	s3 =	sld [smem:$0x3FFC];
	_ =	sdelay $0x3  }
0x94: {  	_ =	strace s3  }
0x95: {  	s3 =	sld [smem:$0x3FFD];
	_ =	sdelay $0x3  }
0x96: {  	_ =	strace s3  }
0x97: {  	_ =	strace $0x8FFFFFFF  }
0x98: {  	s19 =	sld [smem:$0x3FDB];
	_ =	sdelay $0x1  }
0x99: {  	s4 =	simm.s32 $_scs_section_size  }
0x9a: {  	s5 =	simm.s32 $_size__tile_overlayer_lowered;
	s6 =	simm.s32 $_tile_overlayer_lowered  }
0x9b: {  	s22 =	simm.s32 $0x1BFF;
	s21 =	sshll.u32 s6, $0x1;
	s3 =	sadd.s32 s4, s19  }
0x9c: {  	s7 =	simm.s32 $0x0;
	s20 =	sshll.u32 s5, $0x1;
	s5 =	sadd.s32 s21, s3  }
0x9d: {  	[timem:s7], [sflag:s22] =	dma.local [hbm:s5], s20  }
0x9e: {  	_ =	swait.ge [sflag:s22], s20  }
0x9f: {  	s4 =	ssub.s32 $0x0, s20;
	[sflag:s22] =	ssyncset.done $0x0  }
0xa0: {  	[sflag:s22] =	ssyncadd.s32 s4;
	_ =	sdelay $0x1  }
0xa1: {  	s23 =	simm.s32 $0x1B8B  }
0xa2: {  	_ =	swait.ge [sflag:s23], $0x1  }
0xa3: {  	[sflag:s23] =	ssyncset.done $0x0  }
0xa4: {  	s25 =	simm.s32 $0x1B8E;
	s24 =	sld [smem:$0x3FFE];
	[sflag:s23] =	ssyncadd.s32 $0xFFFFFFFF  }
0xa5: {  	s26 =	simm.s32 $execute0_lowered;
	[smem:$0x3FD2] =	sst s25  }
0xa6: {  	s5 =	sshll.u32 s26, $0x1;
	_ =	strace $0x80000046;
	[dreg:$0x1] =	wrdreg $0xFFFFFFFF  }
0xa7: {  	s28 =	simm.s32 $_size_execute0_lowered;
	s3 =	sadd.s32 s3, s5;
	[dreg:$0x0] =	wrdreg $0x0  }
0xa8: {  	s5 =	sshll.u32 s28, $0x1;
	[dreg:$0x2] =	wrdreg s3  }
0xa9: {  	[dreg:$0x3] =	wrdreg s5  }
0xaa: {  	[dreg:$0x4] =	wrdreg $0xC0  }
0xab: {  	_ =	task [dreg:s7], $0x5FFFF  }
0xac: {  	[dreg:$0x1] =	wrdreg $0xFFFFFFFF  }
0xad: {  	[dreg:$0x0] =	wrdreg $0x60  }
0xae: {  	[dreg:$0x2] =	wrdreg s24  }
0xaf: {  	[dreg:$0x3] =	wrdreg s2  }
0xb0: {  	[dreg:$0x4] =	wrdreg $0x12C200  }
0xb1: {  	[dreg:$0x5] =	wrdreg $0x1C8600  }
0xb2: {  	[dreg:$0x6] =	wrdreg $0x1CAD80  }
0xb3: {  	[dreg:$0x7] =	wrdreg $0x9  }
0xb4: {  	_ =	task.clear_ibuf [dreg:s7], $0x8FFFF;
	_ =	strace $0x90000046  }
0xb5: {  	s29 =	simm.s32 $0x9;
	_ =	strace $0x80000048  }
0xb6: {  	_ =	swait.ge [sflag:s29], $0x1  }
0xb7: {  	[sflag:s29] =	ssyncadd.s32 $0xFFFFFFFF  }
0xb8: {  	_ =	strace $0x90000048  }
0xb9: {  	_ =	sfence  }
0xba: {  	s30 =	sld [smem:$0x0];
	_ =	sdelay $0x2  }
0xbb: {  	s31 =	sshll.u32 s1, $0xD;
	s1 =	sshrl.u32 s1, $0x2  }
0xbc: {  	s3 =	sand.u32 $0x4000, s31;
	s1 =	sadd.s32 s1, s30  }
0xbd: {  	s0 =	sor.u32 s3, s0;
	s1 =	sshll.u32 s1, $0x11  }
0xbe: {  	s0 =	sor.u32 s1, s0  }
0xbf: {  	s0 =	sadd.s32 $0x8F2B, s0  }
0xc0: {  	[sflag:s0] =	ssyncadd.remote.s32 $0x1  }
0xc1: {  	_ =	sfence.sel $0xFFFF  }
0xc2: {  	[dreg:$0x0] =	wrdreg $0xFFFFFFFF;
	(pc) =	sbr.abs _section_cstart, $3  }
0xc3: {  	[dreg:$0x1] =	wrdreg $0xFFFFFFFF  }
0xc4: {  	_ =	task.clear_ibuf [dreg:s7], $0x2FFFF;
	_ =	strace $0x9FFFFFFF  }
0xc5: {  	(tm) =	ssettm $0x7FFFFFFF  }
tec
execute0_lowered:
.L_overlay_start_1:
0x0: {  	(tag) =	ssettag $0x1  }
0x1: {  	s4 =	rddreg [dreg:$0x0]  }
0x2: {  	s5 =	rddreg [dreg:$0x1]  }
0x3: {  	s17 =	stileid.u32;
	s0 =	srdreg.scid  }
0x4: {  	s1 =	rddreg [dreg:$0x2];
	s3 =	smul.u32 $0x271, s17  }
0x5: {  	s2 =	simm.s32 $0x0;
	s6 =	sand.u32 $0x1, s0;
	s11 =	smul.u32 $0x13880, s17  }
0x6: {  	[smem:$0x7FF] =	sst s2;
	s8 =	sadd.s32 $0x28A00, s4;
	s20 =	smul.u32 $0x2710, s17  }
0x7: {  	s10 =	sshll.u32 s17, $0x1;
	s18 =	smul.u32 $0x27100, s6;
	s19 =	ssub.s32 $0x2, s6  }
0x8: {  	s14 =	smul.u32 $0x138800, s6;
	s0 =	sand.u32 $0x3FF8, s3;
	s9 =	sshrl.u32 s19, $0x1  }
0x9: {  	s12 =	sadd.s32 $0x2800, s11;
	s13 =	sadd.s32 $0x5000, s11;
	s16 =	sadd.s32 $0x7800, s11  }
0xa: {  	s22 =	sadd.s32 $0xC800, s11;
	s23 =	sadd.s32 $0xF000, s11;
	s7 =	sshll.u32 s0, $0x4  }
0xb: {  	s3 =	ssub.s32 s19, s9;
	s9 =	sor.u32 s6, s10;
	s19 =	sadd.s32 $0xA000, s11  }
0xc: {  	s10 =	sand.u32 $0x3FF80, s20;
	s15 =	sadd.s32 s11, s14;
	s24 =	sadd.s32 s14, s12  }
0xd: {  	s26 =	sadd.s32 s14, s13;
	s29 =	sadd.s32 s14, s16;
	s20 =	sadd.s32 s14, s23  }
0xe: {  	s6 =	smul.u32 $0x2710, s6;
	s7 =	sadd.s32 s18, s7;
	s5 =	sadd.s32 s5, s10  }
0xf: {  	s21 =	sshrl.u32 s15, $0x4;
	s25 =	sshrl.u32 s24, $0x4;
	s28 =	sshrl.u32 s26, $0x4  }
0x10: {  	s30 =	sshrl.u32 s29, $0x4;
	s31 =	sadd.s32 s14, s19;
	s15 =	sadd.s32 s14, s22  }
0x11: {  	s24 =	smul.u32 $0x4E20, s17;
	s29 =	sshrl.u32 s11, $0x1;
	[dreg:$0x6] =	wrdreg s5  }
0x12: {  	s5 =	sadd.s32 s8, s21;
	s10 =	sshrl.u32 s31, $0x4;
	s18 =	sshrl.u32 s15, $0x4  }
0x13: {  	s21 =	sshrl.u32 s20, $0x4;
	s15 =	sadd.s32 $0x1600, s4;
	[dreg:$0x7] =	wrdreg s5  }
0x14: {  	s31 =	smul.u32 $0x2710, s9;
	s5 =	sadd.s32 s8, s25;
	s25 =	rddreg [dreg:$0x4]  }
0x15: {  	s9 =	sshrl.u32 s16, $0x1;
	s16 =	smul.u32 $0x9C40, s17;
	[dreg:$0x8] =	wrdreg s5  }
0x16: {  	s5 =	sadd.s32 s8, s28;
	s28 =	sshrl.u32 s7, $0x3;
	s7 =	sshrl.u32 s13, $0x1  }
0x17: {  	[dreg:$0x9] =	wrdreg s5;
	s5 =	sadd.s32 s8, s30;
	s30 =	sshrl.u32 s12, $0x1  }
0x18: {  	[dreg:$0xa] =	wrdreg s5;
	s5 =	sadd.s32 s8, s10;
	s10 =	sadd.s32 $0x11800, s11  }
0x19: {  	s11 =	sshrl.u32 s19, $0x1;
	s19 =	sadd.s32 s7, s1;
	[dreg:$0xb] =	wrdreg s5  }
0x1a: {  	s5 =	sadd.s32 s8, s18;
	s14 =	sadd.s32 s14, s10;
	s18 =	rddreg [dreg:$0x3]  }
0x1b: {  	[dreg:$0xc] =	wrdreg s5;
	s14 =	sshrl.u32 s14, $0x4;
	s5 =	sadd.s32 s8, s21  }
0x1c: {  	s21 =	sadd.s32 s29, s1;
	s29 =	sshrl.u32 s16, $0x2;
	[dreg:$0xd] =	wrdreg s5  }
0x1d: {  	s26 =	sadd.s32 s8, s14;
	s5 =	sadd.s32 s6, s24;
	s6 =	sadd.s32 s28, s4  }
0x1e: {  	s14 =	sadd.s32 $0x15000, s4;
	s4 =	sadd.s32 $0x1200, s4;
	[dreg:$0xe] =	wrdreg s26  }
0x1f: {  	s7 =	sadd.s32 s29, s25;
	_ =	strace $0x80000047;
	[dreg:$0xf] =	wrdreg s4  }
0x20: {  	s20 =	sadd.s32 s30, s1;
	s30 =	sadd.s32 $0x4FC00, s6;
	[dreg:$0x14] =	wrdreg s7  }
0x21: {  	s28 =	sshrl.u32 s31, $0x3;
	s31 =	smax.u32 s3, $0x1;
	[dreg:$0x17] =	wrdreg s30  }
0x22: {  	s12 =	sshrl.u32 s22, $0x1;
	s3 =	sadd.s32 $0x50, s5;
	[dreg:$0x18] =	wrdreg s31  }
0x23: {  	s13 =	sshrl.u32 s23, $0x1;
	s17 =	sadd.s32 s12, s1;
	[dreg:$0x19] =	wrdreg s3  }
0x24: {  	s22 =	sadd.s32 s13, s1;
	s23 =	sshrl.u32 s10, $0x1;
	[dreg:$0x10] =	wrdreg s17  }
0x25: {  	s10 =	sadd.s32 s23, s1;
	[dreg:$0x11] =	wrdreg s22  }
0x26: {  	s7 =	sadd.s32 s0, s25;
	s0 =	sadd.s32 s0, s18;
	[dreg:$0x12] =	wrdreg s10  }
0x27: {  	s4 =	sadd.s32 s15, s28;
	[dreg:$0x16] =	wrdreg s0  }
0x28: {  	[dreg:$0x13] =	wrdreg s4  }
0x29: {  	s4 =	sadd.s32 $0x9C40, s4;
	[dreg:$0x15] =	wrdreg s7  }
0x2a: {  	s5 =	sadd.s32 $0x2710, s7;
	[dreg:$0x1a] =	wrdreg s4  }
0x2b: {  	s6 =	sadd.s32 $0x4E20, s7;
	[dreg:$0x1b] =	wrdreg s5  }
0x2c: {  	s8 =	sadd.s32 $0x7530, s7;
	[dreg:$0x1c] =	wrdreg s6  }
0x2d: {  	s24 =	sadd.s32 s9, s1;
	s9 =	sadd.s32 $0x9C40, s7;
	[dreg:$0x1d] =	wrdreg s8  }
0x2e: {  	s26 =	sadd.s32 s11, s1;
	s11 =	sadd.s32 $0xC350, s7;
	[dreg:$0x1e] =	wrdreg s9  }
0x2f: {  	s12 =	sadd.s32 $0xEA60, s7;
	[dreg:$0x1f] =	wrdreg s11  }
0x30: {  	s13 =	sadd.s32 $0x11170, s7;
	[smem:$0x7F4] =	sst s12  }
0x31: {  	s16 =	sadd.s32 $0x13880, s7;
	[smem:$0x7F5] =	sst s13  }
0x32: {  	s18 =	sadd.s32 $0x15F90, s7;
	[smem:$0x7F6] =	sst s16  }
0x33: {  	s23 =	sadd.s32 $0x186A0, s7;
	[smem:$0x7F7] =	sst s18  }
0x34: {  	s25 =	sadd.s32 $0x1ADB0, s7;
	[smem:$0x7F8] =	sst s23  }
0x35: {  	s28 =	sadd.s32 $0x1D4C0, s7;
	[smem:$0x7F9] =	sst s25  }
0x36: {  	s29 =	sadd.s32 $0x1FBD0, s7;
	[smem:$0x7FA] =	sst s28  }
0x37: {  	s3 =	simm.s32 $0x2;
	s30 =	sadd.s32 $0x222E0, s7;
	[smem:$0x7FB] =	sst s29  }
0x38: {  	s31 =	sadd.s32 $0x249F0, s7;
	s0 =	simm.s32 $0x2800;
	[smem:$0x7FC] =	sst s30  }
0x39: {  	s7 =	simm.s32 $0x50;
	[smem:$0x7FD] =	sst s31;
	s11 =	simm.s32 $0x4  }
0x3a: {  	s18 =	simm.s32 $0xF0;
	s4 =	simm.s32 $0x6400;
	s23 =	simm.s32 $0x8C00  }
0x3b: {  	v0 =	vlaneseq.u32;
	s6 =	simm.s32 $0x8E80;
	s8 =	simm.s32 $0x1;
	s9 =	simm.s32 $0xB590  }
0x3c: {  	v2 =	vimm.f32 $0.0e+00;
	v1 =	vmul.u32 $0x10, v0;
	s12 =	simm.s32 $0x3;
	s13 =	simm.s32 $0xDCA0;
	s5 =	simm.s32 $0x0  }
.LBB2_1:
0x3d: {  	s16 =	rddreg [dreg:$0xf]  }
0x3e: {  	[tilespmem:s0], [sflag:$0x4] =	stream.linear.gather [hbm4b:s16+s2], $0x1400, $0x38;
	[tilespmem:$0x1F1E8] =	vst v63  }
0x3f: {  	_ =	swait.ge [sflag:s11], $0x1400  }
0x40: {  	[sflag:s11] =	ssyncset.done $0x0  }
0x41: {  	[sflag:s11] =	ssyncadd.s32 $0xFFFFEC00  }
0x42: {  	[spmem:s21] =	stream.linear.scatter [tilespmem:s0], [sflag:$0x4], $0x1400, $0x38;
	[tilespmem:$0x1F1E8] =	vst v63  }
0x43: {  	_ =	swait.ge [sflag:s11], $0x1400  }
0x44: {  	[sflag:s11] =	ssyncset.done $0x0  }
0x45: {  	[sflag:s11] =	ssyncadd.s32 $0xFFFFEC00  }
0x46: {  	[spmem:s20] =	stream.linear.scatter [tilespmem:s0], [sflag:$0x4], $0x1400, $0x38;
	[tilespmem:$0x1F1E8] =	vst v63  }
0x47: {  	_ =	swait.ge [sflag:s11], $0x1400  }
0x48: {  	[sflag:s11] =	ssyncset.done $0x0  }
0x49: {  	[sflag:s11] =	ssyncadd.s32 $0xFFFFEC00  }
0x4a: {  	[spmem:s19] =	stream.linear.scatter [tilespmem:s0], [sflag:$0x4], $0x1400, $0x38;
	[tilespmem:$0x1F1E8] =	vst v63  }
0x4b: {  	_ =	swait.ge [sflag:s11], $0x1400  }
0x4c: {  	[sflag:s11] =	ssyncset.done $0x0  }
0x4d: {  	[sflag:s11] =	ssyncadd.s32 $0xFFFFEC00  }
0x4e: {  	[spmem:s24] =	stream.linear.scatter [tilespmem:s0], [sflag:$0x4], $0x1400, $0x38;
	[tilespmem:$0x1F1E8] =	vst v63  }
0x4f: {  	_ =	swait.ge [sflag:s11], $0x1400  }
0x50: {  	[sflag:s11] =	ssyncset.done $0x0  }
0x51: {  	[sflag:s11] =	ssyncadd.s32 $0xFFFFEC00  }
0x52: {  	[spmem:s26] =	stream.linear.scatter [tilespmem:s0], [sflag:$0x4], $0x1400, $0x38;
	[tilespmem:$0x1F1E8] =	vst v63  }
0x53: {  	_ =	swait.ge [sflag:s11], $0x1400  }
0x54: {  	[sflag:s11] =	ssyncset.done $0x0  }
0x55: {  	[sflag:s11] =	ssyncadd.s32 $0xFFFFEC00  }
0x56: {  	[spmem:s17] =	stream.linear.scatter [tilespmem:s0], [sflag:$0x4], $0x1400, $0x38;
	[tilespmem:$0x1F1E8] =	vst v63  }
0x57: {  	_ =	swait.ge [sflag:s11], $0x1400  }
0x58: {  	[sflag:s11] =	ssyncset.done $0x0  }
0x59: {  	[sflag:s11] =	ssyncadd.s32 $0xFFFFEC00  }
0x5a: {  	[spmem:s22] =	stream.linear.scatter [tilespmem:s0], [sflag:$0x4], $0x1400, $0x38;
	[tilespmem:$0x1F1E8] =	vst v63  }
0x5b: {  	_ =	swait.ge [sflag:s11], $0x1400  }
0x5c: {  	[sflag:s11] =	ssyncset.done $0x0  }
0x5d: {  	[sflag:s11] =	ssyncadd.s32 $0xFFFFEC00  }
0x5e: {  	[spmem:s10] =	stream.linear.scatter [tilespmem:s0], [sflag:$0x4], $0x1040, $0x38;
	[tilespmem:$0x1F1E8] =	vst v63  }
0x5f: {  	_ =	swait.ge [sflag:s11], $0x1040  }
0x60: {  	[sflag:s11] =	ssyncset.done $0x0  }
0x61: {  	s22 =	rddreg [dreg:$0x1a];
	[sflag:s11] =	ssyncadd.s32 $0xFFFFEFC0  }
0x62: {  	[tilespmem:s18], [sflag:$0x4] =	stream.linear.gather [hbm4b:s22+s2], $0x2710, $0x38;
	[tilespmem:$0x1F1E8] =	vst v63  }
0x63: {  	v3 =	vmov s2;
	_ =	swait.ge [sflag:s11], $0x2710  }
0x64: {  	s28 =	simm.s32 $0x10;
	v3 =	vshll.u32 v3, $0x4;
	[sflag:s11] =	ssyncset.done $0x0  }
0x65: {  	s29 =	simm.s32 $0x80;
	v3 =	vor.u32 v1, v3;
	s25 =	rddreg [dreg:$0x6];
	[sflag:s11] =	ssyncadd.s32 $0xFFFFD8F0  }
0x66: {  	[tilespmem:s4], [sflag:$0x4] =	stream.strided.gather [hbm4b:s25+s28], $0x2780, s29, s28, $0x38;
	[tilespmem:$0x1F1E8] =	vst v63  }
0x67: {  	_ =	swait.ge [sflag:s11], $0x2780  }
0x68: {  	s30 =	simm.s32 $0x10;
	[sflag:s11] =	ssyncset.done $0x0  }
0x69: {  	v4 =	vmov s30;
	[sflag:s11] =	ssyncadd.s32 $0xFFFFD880  }
0x6a: {  	v4 =	vshll.u32 v4, $0x4;
	v3 =	vld.idx.msk [tilespmem:v3+s4+$0x0], $0xffff  }
0x6b: {  	v5 =	vor.u32 v1, v4;
	_ =	sdelay $0x3  }
0x6c: {  	s31 =	simm.s32 $0x20;
	[tilespmem:s23+$0x0] =	vst v3  }
0x6d: {  	s16 =	simm.s32 $0x8C00;
	v4 =	vmov s31;
	s25 =	simm.s32 $0x30;
	v3 =	vld.idx.msk [tilespmem:v5+s4+$0x0], $0xffff  }
.LBB2_2:
0x6e: {  	p0 =	sne.s32 s25, $0x270;
	v4 =	vshll.u32 v4, $0x4  }
0x6f: {  	v5 =	vor.u32 v1, v4  }
.Ltmp0:
0x70: {  	(pc) =	sbr.rel @p0 .LBB2_2-.Ltmp0, $4  }
0x71: {  	_ = 	snop  }
0x72: {  	s16 =	sadd.s32 $0x10, s16  }
0x73: {  	[tilespmem:s16+$0x0] =	vst v3  }
0x74: {  	v4 =	vmov s25;
	s25 =	sadd.s32 $0x10, s25;
	v3 =	vld.idx.msk [tilespmem:v5+s4+$0x0], $0xffff  }
0x75: {  	v4 =	vshll.u32 v4, $0x4  }
0x76: {  	v4 =	vor.u32 v1, v4;
	_ =	sdelay $0x2  }
0x77: {  	s16 =	sadd.s32 $0x10, s16  }
0x78: {  	[tilespmem:s16+$0x0] =	vst v3  }
0x79: {  	v3 =	vld.idx.msk [tilespmem:v4+s4+$0x0], $0xffff;
	_ =	sdelay $0x3  }
0x7a: {  	s16 =	sadd.s32 $0x10, s16  }
0x7b: {  	s31 =	rddreg [dreg:$0x16];
	[tilespmem:s16+$0x0] =	vst v3  }
0x7c: {  	[spmem:s31] =	stream.linear.scatter [tilespmem:s23], [sflag:$0x4], $0x278, $0x38;
	[tilespmem:$0x1F1E8] =	vst v63  }
0x7d: {  	_ =	swait.ge [sflag:s11], $0x278  }
0x7e: {  	s10 =	smov.u32 s26;
	s22 =	smov.u32 s20;
	[sflag:s11] =	ssyncset.done $0x0  }
0x7f: {  	s25 =	simm.s32 $0x0;
	s16 =	simm.s32 $0x40;
	[sflag:s11] =	ssyncadd.s32 $0xFFFFFD88  }
.LBB2_4:
0x80: {  	p0 =	sne.s32 s16, $0x9C00;
	[tilespmem:s25+$0xB590] =	vst v2;
	s25 =	smov.u32 s16;
	s16 =	sadd.s32 $0x40, s16  }
.Ltmp1:
0x81: {  	(pc) =	sbr.rel @p0 .LBB2_4-.Ltmp1, $2  }
0x82: {  	_ =	sdelay $0x2  }
0x83: {  	s25 =	sshra.s32 s25, $0x2  }
0x84: {  	[tilespmem:s25+$0xB590] =	vst v2  }
0x85: {  	[bflag:$0x0] =	sbarrier.arrive $0xFFFF  }
0x86: {  	s16 =	rddreg [dreg:$0x3]  }
0x87: {  	[tilespmem:s6], [sflag:$0x4] =	stream.linear.gather [spmem:s16], $0x2710, $0x38;
	[tilespmem:$0x1F1E8] =	vst v63  }
0x88: {  	p0 =	por $0x0, $0x0;
	s16 =	simm.s32 $0x1  }
0x89: {  	_ =	swait.ge [sflag:s11], $0x2710;
	s26 =	smul.u32 @!p0 $0xAB, s16  }
0x8a: {  	s23 =	smov.u32 s19;
	s17 =	simm.s32 $0x0;
	[sflag:s11] =	ssyncset.done $0x0  }
0x8b: {  	s19 =	rddreg [dreg:$0x13];
	[sflag:s11] =	ssyncadd.s32 $0xFFFFD8F0;
	s26 =	sshrl.u32 @!p0 s26, $0x9  }
0x8c: {  	[tilespmem:s17], [sflag:$0x1] =	stream.linear.gather [hbm4b:s19+s17], $0x50, $0x38;
	[tilespmem:$0x1F1E8] =	vst v63  }
0x8d: {  	s25 =	smul.u32 $0xAB, s17;
	s26 =	sand.u32 @!p0 $0x7F, s26  }
0x8e: {  	s28 =	simm.s32 $0x140;
	s26 =	smul.u32 @!p0 $0x3, s26  }
0x8f: {  	[tilespmem:s0], [sflag:$0x2] =	stream.indirect.gather [hbm4b:s14+s7], $0x40, s18, s7, $0xb8;
	[tilespmem:$0x1F1E8] =	vst v63  }
0x90: {  	p1 =	por @!p0 $0x1, $0x1;
	s29 =	simm.s32 @!p0 $0x0;
	s26 =	ssub.s32 @!p0 $0x1, s26  }
0x91: {  	p1 =	por p1, p0;
	s25 =	sshrl.u32 s25, $0x9;
	s26 =	sand.u32 @!p0 $0xFF, s26  }
0x92: {  	s17 =	simm.s32 @!p1 $0x3;
	s18 =	rddreg [dreg:$0x19];
	s31 =	smul.u32 @!p0 $0x140, s26  }
0x93: {  	s30 =	sshrl.u32 @!p0 s18, $0x3;
	_ =	swait.ge @!p1 [sflag:s17], $0x1400;
	s26 =	smul.u32 @!p0 $0x5000, s26  }
0x94: {  	s25 =	sand.u32 $0x7F, s25;
	s30 =	sadd.s32 @!p0 s15, s30;
	[sflag:s17] =	ssyncset.done @!p1 $0x0  }
0x95: {  	[sflag:s17] =	ssyncadd.s32 @!p1 $0xFFFFEC00;
	s31 =	sshrl.u32 @!p0 s31, $0x2;
	s26 =	sshrl.u32 @!p0 s26, $0x2  }
0x96: {  	[tilespmem:s31], [sflag:$0x1] =	stream.linear.gather @!p0 [hbm4b:s30+s29], $0x50, $0x38;
	[tilespmem:$0x1F1E8] =	vst v63  }
0x97: {  	s20 =	smul.u32 $0x3, s25;
	s25 =	sadd.s32 @!p0 $0x2800, s26;
	s26 =	simm.s32 @!p0 $0x50  }
0x98: {  	[tilespmem:s25], [sflag:$0x2] =	stream.indirect.gather @!p0 [hbm4b:s14+s26], $0x40, s28, s26, $0xb8;
	[tilespmem:$0x1F1E8] =	vst v63  }
0x99: {  	s17 =	ssub.s32 $0x0, s20;
	_ =	swait.ge [sflag:s3], $0x1400  }
0x9a: {  	s17 =	sand.u32 $0xFF, s17;
	[sflag:s3] =	ssyncset.done $0x0  }
0x9b: {  	s26 =	smul.u32 $0x5000, s17;
	[sflag:s3] =	ssyncadd.s32 $0xFFFFEC00  }
0x9c: {  	s17 =	smul.u32 $0x140, s17;
	_ =	swait.ge [sflag:s8], $0x50  }
0x9d: {  	s25 =	sshrl.u32 s26, $0x2;
	[sflag:s8] =	ssyncset.done $0x0  }
0x9e: {  	s17 =	sshrl.u32 s17, $0x2;
	s25 =	sadd.s32 $0x2800, s25;
	[sflag:s8] =	ssyncadd.s32 $0xFFFFFFB0  }
0x9f: {  	[spmem:s1] =	stream.indirect.scatter.add.bf16 [tilespmem:s25], [sflag:$0x3], $0x40, s17, s7, $0xb8;
	[tilespmem:$0x1F1E8] =	vst v63  }
0xa0: {  	v3 =	vld [tilespmem:s28+$0xFFFFFFB0];
	_ =	sdelay $0x4  }
0xa1: {  	v4 =	vld [tilespmem:s17+$0x0];
	_ =	sdelay $0x2  }
0xa2: {  	v3 =	vld.idx.msk [tilespmem:v3+s6+$0x0], $0xffff;
	_ =	sdelay $0x4  }
0xa3: {  	[tilespmem:v4+s9+$0x0] =	vst.idx.add.f32.msk $0xffff, v3  }
0xa4: {  	v3 =	vld [tilespmem:s28+$0xFFFFFFC0];
	_ =	sdelay $0x4  }
0xa5: {  	v4 =	vld [tilespmem:s17+$0x10];
	_ =	sdelay $0x2  }
0xa6: {  	v3 =	vld.idx.msk [tilespmem:v3+s6+$0x0], $0xffff;
	_ =	sdelay $0x4  }
0xa7: {  	[tilespmem:v4+s9+$0x0] =	vst.idx.add.f32.msk $0xffff, v3  }
0xa8: {  	v3 =	vld [tilespmem:s28+$0xFFFFFFD0];
	_ =	sdelay $0x4  }
0xa9: {  	v4 =	vld [tilespmem:s17+$0x20];
	_ =	sdelay $0x2  }
0xaa: {  	v3 =	vld.idx.msk [tilespmem:v3+s6+$0x0], $0xffff;
	_ =	sdelay $0x4  }
0xab: {  	[tilespmem:v4+s9+$0x0] =	vst.idx.add.f32.msk $0xffff, v3  }
0xac: {  	v3 =	vld [tilespmem:s28+$0xFFFFFFE0];
	_ =	sdelay $0x4  }
0xad: {  	v4 =	vld [tilespmem:s17+$0x30];
	_ =	sdelay $0x2  }
0xae: {  	v3 =	vld.idx.msk [tilespmem:v3+s6+$0x0], $0xffff;
	_ =	sdelay $0x4  }
0xaf: {  	[tilespmem:v4+s9+$0x0] =	vst.idx.add.f32.msk $0xffff, v3  }
0xb0: {  	v4 =	vld [tilespmem:s28+$0xFFFFFFF0];
	_ =	sdelay $0x1  }
0xb1: {  	p1 =	por $0x0, $0x0;
	s29 =	simm.s32 $0x2  }
0xb2: {  	s25 =	smul.u32 @!p1 $0xAB, s29;
	_ =	sdelay $0x1  }
0xb3: {  	s25 =	sshrl.u32 @!p1 s25, $0x9;
	v3 =	vld [tilespmem:s17+$0x40]  }
0xb4: {  	s25 =	sand.u32 @!p1 $0x7F, s25  }
0xb5: {  	s30 =	sadd.s32 $0x50, s18;
	s26 =	smul.u32 @!p1 $0x3, s25  }
0xb6: {  	p2 =	por @!p1 $0x1, $0x1;
	s31 =	simm.s32 @!p1 $0x0;
	s17 =	sshrl.u32 @!p1 s30, $0x3;
	v4 =	vld.idx.msk [tilespmem:v4+s6+$0x0], $0xffff  }
0xb7: {  	s28 =	ssub.s32 @!p1 $0x2, s26;
	s26 =	simm.s32 $0x190;
	s25 =	sadd.s32 @!p1 s15, s17  }
.LBB2_6:
0xb8: {  	s17 =	sand.u32 @!p1 $0xFF, s28  }
0xb9: {  	s28 =	smul.u32 $0xAB, s16;
	s18 =	smov.u32 s29;
	s29 =	sadd.s32 $0x1, s29  }
0xba: {  	p2 =	por p2, p1;
	p0 =	sne.s32 s29, $0x7D;
	s19 =	smul.u32 @!p1 $0x140, s17  }
0xbb: {  	s20 =	simm.s32 @!p2 $0x3;
	s17 =	smul.u32 @!p1 $0x5000, s17;
	s28 =	sshrl.u32 s28, $0x9;
	[tilespmem:v3+s9+$0x0] =	vst.idx.add.f32.msk $0xffff, v4  }
0xbc: {  	_ =	swait.ge @!p2 [sflag:s20], $0x1400;
	s19 =	sshrl.u32 @!p1 s19, $0x2;
	s28 =	sand.u32 $0x7F, s28  }
0xbd: {  	s17 =	sshrl.u32 @!p1 s17, $0x2;
	[sflag:s20] =	ssyncset.done @!p2 $0x0;
	s28 =	smul.u32 $0x3, s28  }
0xbe: {  	s17 =	sadd.s32 @!p1 $0x2800, s17;
	[sflag:s20] =	ssyncadd.s32 @!p2 $0xFFFFEC00;
	s20 =	simm.s32 @!p1 $0x50  }
0xbf: {  	[tilespmem:s19], [sflag:$0x1] =	stream.linear.gather @!p1 [hbm4b:s25+s31], $0x50, $0x38;
	[tilespmem:$0x1F1E8] =	vst v63  }
0xc0: {  	s19 =	ssub.s32 s16, s28;
	s16 =	smov.u32 s18  }
0xc1: {  	[tilespmem:s17], [sflag:$0x2] =	stream.indirect.gather @!p1 [hbm4b:s14+s20], $0x40, s26, s20, $0xb8;
	[tilespmem:$0x1F1E8] =	vst v63  }
0xc2: {  	s17 =	sand.u32 $0xFF, s19;
	_ =	swait.ge [sflag:s3], $0x1400  }
0xc3: {  	s18 =	smul.u32 $0x5000, s17;
	[sflag:s3] =	ssyncset.done $0x0  }
0xc4: {  	s17 =	smul.u32 $0x140, s17;
	[sflag:s3] =	ssyncadd.s32 $0xFFFFEC00  }
0xc5: {  	s18 =	sshrl.u32 s18, $0x2;
	_ =	swait.ge [sflag:s8], $0x50  }
0xc6: {  	[sflag:s8] =	ssyncset.done $0x0  }
0xc7: {  	s31 =	sshrl.u32 s17, $0x2;
	s18 =	sadd.s32 $0x2800, s18;
	[sflag:s8] =	ssyncadd.s32 $0xFFFFFFB0  }
0xc8: {  	[spmem:s1] =	stream.indirect.scatter.add.bf16 [tilespmem:s18], [sflag:$0x3], $0x40, s31, s7, $0xb8;
	[tilespmem:$0x1F1E8] =	vst v63  }
0xc9: {  	v3 =	vld [tilespmem:s26+$0xFFFFFFB0];
	_ =	sdelay $0x5  }
0xca: {  	v4 =	vld [tilespmem:s31+$0x0];
	_ =	sdelay $0x1  }
0xcb: {  	v3 =	vld.idx.msk [tilespmem:v3+s6+$0x0], $0xffff;
	_ =	sdelay $0x5  }
0xcc: {  	[tilespmem:v4+s9+$0x0] =	vst.idx.add.f32.msk $0xffff, v3  }
0xcd: {  	v3 =	vld [tilespmem:s26+$0xFFFFFFC0]  }
0xce: {  	v4 =	vld [tilespmem:s31+$0x10];
	_ =	sdelay $0x6  }
0xcf: {  	v3 =	vld.idx.msk [tilespmem:v3+s6+$0x0], $0xffff;
	_ =	sdelay $0x5  }
0xd0: {  	[tilespmem:v4+s9+$0x0] =	vst.idx.add.f32.msk $0xffff, v3  }
0xd1: {  	v3 =	vld [tilespmem:s26+$0xFFFFFFD0]  }
0xd2: {  	v4 =	vld [tilespmem:s31+$0x20];
	_ =	sdelay $0x6  }
0xd3: {  	v3 =	vld.idx.msk [tilespmem:v3+s6+$0x0], $0xffff;
	_ =	sdelay $0x5  }
0xd4: {  	[tilespmem:v4+s9+$0x0] =	vst.idx.add.f32.msk $0xffff, v3  }
0xd5: {  	v3 =	vld [tilespmem:s26+$0xFFFFFFE0]  }
0xd6: {  	v4 =	vld [tilespmem:s31+$0x30];
	_ =	sdelay $0x6  }
0xd7: {  	v3 =	vld.idx.msk [tilespmem:v3+s6+$0x0], $0xffff;
	_ =	sdelay $0x5  }
0xd8: {  	[tilespmem:v4+s9+$0x0] =	vst.idx.add.f32.msk $0xffff, v3  }
0xd9: {  	v4 =	vld [tilespmem:s26+$0xFFFFFFF0]  }
0xda: {  	v3 =	vld [tilespmem:s31+$0x40];
	_ =	sdelay $0x2  }
0xdb: {  	s30 =	sadd.s32 $0x50, s30;
	p1 =	seq.s32 s16, $0x7C  }
0xdc: {  	p2 =	slt.u32 @!p1 s16, $0x2;
	s17 =	smul.u32 @!p1 $0xAB, s29;
	s31 =	simm.s32 @!p1 $0x0  }
0xdd: {  	s18 =	sshrl.u32 @!p1 s30, $0x3  }
.Ltmp2:
0xde: {  	s17 =	sshrl.u32 @!p1 s17, $0x9;
	s25 =	sadd.s32 @!p1 s15, s18;
	(pc) =	sbr.rel @p0 .LBB2_6-.Ltmp2, $3  }
0xdf: {  	s17 =	sand.u32 @!p1 $0x7F, s17;
	v4 =	vld.idx.msk [tilespmem:v4+s6+$0x0], $0xffff  }
0xe0: {  	s17 =	smul.u32 @!p1 $0x3, s17;
	_ =	sdelay $0x1  }
0xe1: {  	s28 =	ssub.s32 @!p1 s29, s17;
	s26 =	sadd.s32 $0x50, s26  }
0xe2: {  	_ =	sdelay $0x2  }
0xe3: {  	p0 =	por p2, p1  }
0xe4: {  	s17 =	sand.u32 @!p1 $0xFF, s28;
	s18 =	simm.s32 @!p0 $0x3;
	[tilespmem:v3+s9+$0x0] =	vst.idx.add.f32.msk $0xffff, v4  }
0xe5: {  	s19 =	smul.u32 @!p1 $0x140, s17;
	_ =	swait.ge @!p0 [sflag:s18], $0x1400  }
0xe6: {  	s20 =	smul.u32 $0xAB, s16;
	[sflag:s18] =	ssyncset.done @!p0 $0x0  }
0xe7: {  	s17 =	smul.u32 @!p1 $0x5000, s17;
	[sflag:s18] =	ssyncadd.s32 @!p0 $0xFFFFEC00;
	s18 =	sshrl.u32 @!p1 s19, $0x2  }
0xe8: {  	[tilespmem:s18], [sflag:$0x1] =	stream.linear.gather @!p1 [hbm4b:s25+s31], $0x50, $0x38;
	[tilespmem:$0x1F1E8] =	vst v63  }
0xe9: {  	s18 =	sshrl.u32 s20, $0x9  }
0xea: {  	s17 =	sshrl.u32 @!p1 s17, $0x2;
	s18 =	sand.u32 $0x7F, s18  }
0xeb: {  	s17 =	sadd.s32 @!p1 $0x2800, s17;
	s19 =	simm.s32 @!p1 $0x50;
	s18 =	smul.u32 $0x3, s18  }
0xec: {  	[tilespmem:s17], [sflag:$0x2] =	stream.indirect.gather @!p1 [hbm4b:s14+s19], $0x40, s26, s19, $0xb8;
	[tilespmem:$0x1F1E8] =	vst v63  }
0xed: {  	_ =	swait.ge [sflag:s3], $0x1400;
	s25 =	ssub.s32 s16, s18  }
0xee: {  	[sflag:s3] =	ssyncset.done $0x0;
	s16 =	sand.u32 $0xFF, s25  }
0xef: {  	[sflag:s3] =	ssyncadd.s32 $0xFFFFEC00;
	s28 =	smul.u32 $0x5000, s16  }
0xf0: {  	s16 =	smul.u32 $0x140, s16;
	_ =	swait.ge [sflag:s8], $0x50  }
0xf1: {  	[sflag:s8] =	ssyncset.done $0x0;
	s17 =	sshrl.u32 s28, $0x2  }
0xf2: {  	[sflag:s8] =	ssyncadd.s32 $0xFFFFFFB0;
	s16 =	sshrl.u32 s16, $0x2;
	s17 =	sadd.s32 $0x2800, s17  }
0xf3: {  	[spmem:s1] =	stream.indirect.scatter.add.bf16 [tilespmem:s17], [sflag:$0x3], $0x40, s16, s7, $0xb8;
	[tilespmem:$0x1F1E8] =	vst v63  }
0xf4: {  	v3 =	vld [tilespmem:s26+$0xFFFFFFB0];
	_ =	sdelay $0x4  }
0xf5: {  	v63 =	vld [tilespmem:s16+$0x0];
	_ =	sdelay $0x2  }
0xf6: {  	v3 =	vld.idx.msk [tilespmem:v3+s6+$0x0], $0xffff;
	_ =	sdelay $0x4  }
0xf7: {  	[tilespmem:v63+s9+$0x0] =	vst.idx.add.f32.msk $0xffff, v3  }
0xf8: {  	v3 =	vld [tilespmem:s26+$0xFFFFFFC0];
	_ =	sdelay $0x4  }
0xf9: {  	v4 =	vld [tilespmem:s16+$0x10];
	_ =	sdelay $0x2  }
0xfa: {  	v3 =	vld.idx.msk [tilespmem:v3+s6+$0x0], $0xffff;
	_ =	sdelay $0x4  }
0xfb: {  	[tilespmem:v4+s9+$0x0] =	vst.idx.add.f32.msk $0xffff, v3  }
0xfc: {  	v3 =	vld [tilespmem:s26+$0xFFFFFFD0];
	_ =	sdelay $0x4  }
0xfd: {  	v4 =	vld [tilespmem:s16+$0x20];
	_ =	sdelay $0x2  }
0xfe: {  	v3 =	vld.idx.msk [tilespmem:v3+s6+$0x0], $0xffff;
	_ =	sdelay $0x4  }
0xff: {  	[tilespmem:v4+s9+$0x0] =	vst.idx.add.f32.msk $0xffff, v3  }
0x100: {  	v3 =	vld [tilespmem:s26+$0xFFFFFFE0];
	_ =	sdelay $0x4  }
0x101: {  	v4 =	vld [tilespmem:s16+$0x30];
	_ =	sdelay $0x2  }
0x102: {  	v3 =	vld.idx.msk [tilespmem:v3+s6+$0x0], $0xffff;
	_ =	sdelay $0x4  }
0x103: {  	[tilespmem:v4+s9+$0x0] =	vst.idx.add.f32.msk $0xffff, v3  }
0x104: {  	v3 =	vld [tilespmem:s26+$0xFFFFFFF0];
	_ =	sdelay $0x4  }
0x105: {  	v4 =	vld [tilespmem:s16+$0x40];
	_ =	sdelay $0x2  }
0x106: {  	v3 =	vld.idx.msk [tilespmem:v3+s6+$0x0], $0xffff;
	_ =	sdelay $0x4  }
0x107: {  	[tilespmem:v4+s9+$0x0] =	vst.idx.add.f32.msk $0xffff, v3  }
0x108: {  	_ =	swait.ge [sflag:s12], $0x1400  }
0x109: {  	[sflag:s12] =	ssyncset.done $0x0  }
0x10a: {  	[sflag:s12] =	ssyncadd.s32 $0xFFFFEC00  }
0x10b: {  	_ =	swait.ge [sflag:s12], $0x1400  }
0x10c: {  	[sflag:s12] =	ssyncset.done $0x0  }
0x10d: {  	[sflag:s12] =	ssyncadd.s32 $0xFFFFEC00  }
0x10e: {  	_ =	swait.ge [sflag:s12], $0x1400  }
0x10f: {  	[sflag:s12] =	ssyncset.done $0x0  }
0x110: {  	s29 =	rddreg [dreg:$0x14];
	[sflag:s12] =	ssyncadd.s32 $0xFFFFEC00  }
0x111: {  	[spmem:s29] =	stream.linear.scatter [tilespmem:s9], [sflag:$0x4], $0x2710, $0x38;
	[tilespmem:$0x1F1E8] =	vst v63  }
0x112: {  	_ =	swait.ge [sflag:s11], $0x2710  }
0x113: {  	[sflag:s11] =	ssyncset.done $0x0  }
0x114: {  	[sflag:s11] =	ssyncadd.s32 $0xFFFFD8F0  }
0x115: {  	[bflag:$0x0] =	sbarrier.arrive $0xFFFF  }
0x116: {  	s31 =	simm.s32 $0x10420;
	s30 =	rddreg [dreg:$0x15]  }
0x117: {  	[tilespmem:s31], [sflag:$0x4] =	stream.linear.gather [spmem:s30], $0x278, $0x38;
	[tilespmem:$0x1F1E8] =	vst v63  }
0x118: {  	_ =	swait.ge [sflag:s11], $0x278  }
0x119: {  	[sflag:s11] =	ssyncset.done $0x0  }
0x11a: {  	s18 =	simm.s32 $0x106A0;
	s17 =	rddreg [dreg:$0x1b];
	[sflag:s11] =	ssyncadd.s32 $0xFFFFFD88  }
0x11b: {  	[tilespmem:s18], [sflag:$0x4] =	stream.linear.gather [spmem:s17], $0x278, $0x38;
	[tilespmem:$0x1F1E8] =	vst v63  }
0x11c: {  	_ =	swait.ge [sflag:s11], $0x278  }
0x11d: {  	[sflag:s11] =	ssyncset.done $0x0  }
0x11e: {  	s20 =	simm.s32 $0x10920;
	s19 =	rddreg [dreg:$0x1c];
	[sflag:s11] =	ssyncadd.s32 $0xFFFFFD88  }
0x11f: {  	[tilespmem:s20], [sflag:$0x4] =	stream.linear.gather [spmem:s19], $0x278, $0x38;
	[tilespmem:$0x1F1E8] =	vst v63  }
0x120: {  	_ =	swait.ge [sflag:s11], $0x278  }
0x121: {  	[sflag:s11] =	ssyncset.done $0x0  }
0x122: {  	s26 =	simm.s32 $0x10BA0;
	s25 =	rddreg [dreg:$0x1d];
	[sflag:s11] =	ssyncadd.s32 $0xFFFFFD88  }
0x123: {  	[tilespmem:s26], [sflag:$0x4] =	stream.linear.gather [spmem:s25], $0x278, $0x38;
	[tilespmem:$0x1F1E8] =	vst v63  }
0x124: {  	_ =	swait.ge [sflag:s11], $0x278  }
0x125: {  	[sflag:s11] =	ssyncset.done $0x0  }
0x126: {  	s29 =	simm.s32 $0x10E20;
	s28 =	rddreg [dreg:$0x1e];
	[sflag:s11] =	ssyncadd.s32 $0xFFFFFD88  }
0x127: {  	[tilespmem:s29], [sflag:$0x4] =	stream.linear.gather [spmem:s28], $0x278, $0x38;
	[tilespmem:$0x1F1E8] =	vst v63  }
0x128: {  	_ =	swait.ge [sflag:s11], $0x278  }
0x129: {  	[sflag:s11] =	ssyncset.done $0x0  }
0x12a: {  	s31 =	simm.s32 $0x110A0;
	s30 =	rddreg [dreg:$0x1f];
	[sflag:s11] =	ssyncadd.s32 $0xFFFFFD88  }
0x12b: {  	[tilespmem:s31], [sflag:$0x4] =	stream.linear.gather [spmem:s30], $0x278, $0x38;
	[tilespmem:$0x1F1E8] =	vst v63  }
0x12c: {  	_ =	swait.ge [sflag:s11], $0x278  }
0x12d: {  	s17 =	sld [smem:$0x7F4]  }
0x12e: {  	[sflag:s11] =	ssyncset.done $0x0  }
0x12f: {  	s18 =	simm.s32 $0x11320;
	[sflag:s11] =	ssyncadd.s32 $0xFFFFFD88  }
0x130: {  	[tilespmem:s18], [sflag:$0x4] =	stream.linear.gather [spmem:s17], $0x278, $0x38;
	[tilespmem:$0x1F1E8] =	vst v63  }
0x131: {  	_ =	swait.ge [sflag:s11], $0x278  }
0x132: {  	s19 =	sld [smem:$0x7F5]  }
0x133: {  	[sflag:s11] =	ssyncset.done $0x0  }
0x134: {  	s20 =	simm.s32 $0x115A0;
	[sflag:s11] =	ssyncadd.s32 $0xFFFFFD88  }
0x135: {  	[tilespmem:s20], [sflag:$0x4] =	stream.linear.gather [spmem:s19], $0x278, $0x38;
	[tilespmem:$0x1F1E8] =	vst v63  }
0x136: {  	_ =	swait.ge [sflag:s11], $0x278  }
0x137: {  	s25 =	sld [smem:$0x7F6]  }
0x138: {  	[sflag:s11] =	ssyncset.done $0x0  }
0x139: {  	s26 =	simm.s32 $0x11820;
	[sflag:s11] =	ssyncadd.s32 $0xFFFFFD88  }
0x13a: {  	[tilespmem:s26], [sflag:$0x4] =	stream.linear.gather [spmem:s25], $0x278, $0x38;
	[tilespmem:$0x1F1E8] =	vst v63  }
0x13b: {  	_ =	swait.ge [sflag:s11], $0x278  }
0x13c: {  	s28 =	sld [smem:$0x7F7]  }
0x13d: {  	[sflag:s11] =	ssyncset.done $0x0  }
0x13e: {  	s29 =	simm.s32 $0x11AA0;
	[sflag:s11] =	ssyncadd.s32 $0xFFFFFD88  }
0x13f: {  	[tilespmem:s29], [sflag:$0x4] =	stream.linear.gather [spmem:s28], $0x278, $0x38;
	[tilespmem:$0x1F1E8] =	vst v63  }
0x140: {  	_ =	swait.ge [sflag:s11], $0x278  }
0x141: {  	s30 =	sld [smem:$0x7F8]  }
0x142: {  	[sflag:s11] =	ssyncset.done $0x0  }
0x143: {  	s31 =	simm.s32 $0x11D20;
	[sflag:s11] =	ssyncadd.s32 $0xFFFFFD88  }
0x144: {  	[tilespmem:s31], [sflag:$0x4] =	stream.linear.gather [spmem:s30], $0x278, $0x38;
	[tilespmem:$0x1F1E8] =	vst v63  }
0x145: {  	_ =	swait.ge [sflag:s11], $0x278  }
0x146: {  	s17 =	sld [smem:$0x7F9]  }
0x147: {  	[sflag:s11] =	ssyncset.done $0x0  }
0x148: {  	s18 =	simm.s32 $0x11FA0;
	[sflag:s11] =	ssyncadd.s32 $0xFFFFFD88  }
0x149: {  	[tilespmem:s18], [sflag:$0x4] =	stream.linear.gather [spmem:s17], $0x278, $0x38;
	[tilespmem:$0x1F1E8] =	vst v63  }
0x14a: {  	_ =	swait.ge [sflag:s11], $0x278  }
0x14b: {  	s19 =	sld [smem:$0x7FA]  }
0x14c: {  	[sflag:s11] =	ssyncset.done $0x0  }
0x14d: {  	s20 =	simm.s32 $0x12220;
	[sflag:s11] =	ssyncadd.s32 $0xFFFFFD88  }
0x14e: {  	[tilespmem:s20], [sflag:$0x4] =	stream.linear.gather [spmem:s19], $0x278, $0x38;
	[tilespmem:$0x1F1E8] =	vst v63  }
0x14f: {  	_ =	swait.ge [sflag:s11], $0x278  }
0x150: {  	s25 =	sld [smem:$0x7FB]  }
0x151: {  	[sflag:s11] =	ssyncset.done $0x0  }
0x152: {  	s26 =	simm.s32 $0x124A0;
	[sflag:s11] =	ssyncadd.s32 $0xFFFFFD88  }
0x153: {  	[tilespmem:s26], [sflag:$0x4] =	stream.linear.gather [spmem:s25], $0x278, $0x38;
	[tilespmem:$0x1F1E8] =	vst v63  }
0x154: {  	_ =	swait.ge [sflag:s11], $0x278  }
0x155: {  	s28 =	sld [smem:$0x7FC]  }
0x156: {  	[sflag:s11] =	ssyncset.done $0x0  }
0x157: {  	s29 =	simm.s32 $0x12720;
	[sflag:s11] =	ssyncadd.s32 $0xFFFFFD88  }
0x158: {  	[tilespmem:s29], [sflag:$0x4] =	stream.linear.gather [spmem:s28], $0x278, $0x38;
	[tilespmem:$0x1F1E8] =	vst v63  }
0x159: {  	_ =	swait.ge [sflag:s11], $0x278  }
0x15a: {  	s30 =	sld [smem:$0x7FD]  }
0x15b: {  	[sflag:s11] =	ssyncset.done $0x0  }
0x15c: {  	s31 =	simm.s32 $0x129A0;
	[sflag:s11] =	ssyncadd.s32 $0xFFFFFD88  }
0x15d: {  	[tilespmem:s31], [sflag:$0x4] =	stream.linear.gather [spmem:s30], $0x278, $0x38;
	[tilespmem:$0x1F1E8] =	vst v63  }
0x15e: {  	_ =	swait.ge [sflag:s11], $0x278  }
0x15f: {  	[sflag:s11] =	ssyncset.done $0x0  }
0x160: {  	s16 =	simm.s32 $0x0;
	s25 =	simm.s32 $0x0;
	[sflag:s11] =	ssyncadd.s32 $0xFFFFFD88  }
.LBB2_8:
0x161: {  	p0 =	sne.s32 s25, $0x9DC0  }
.Ltmp3:
0x162: {  	_ = 	snop;
	(pc) =	sbr.rel @p0 .LBB2_8-.Ltmp3, $3  }
0x163: {  	_ =	sdelay $0x1  }
0x164: {  	s17 =	sshra.s32 s25, $0x2  }
0x165: {  	s25 =	sadd.s32 $0x40, s25;
	[tilespmem:s17+$0xDCA0] =	vst v2  }
0x166: {  	s26 =	simm.s32 $0x11820;
	s29 =	simm.s32 $0x10  }
0x167: {  	s20 =	smov.u32 s22;
	s19 =	smov.u32 s23;
	s18 =	simm.s32 $0xF0;
	v3 =	vld [tilespmem:s26+$0xFFFFEC00]  }
.LBB2_10:
0x168: {  	p0 =	sne.s32 s29, $0x270  }
0x169: {  	v4 =	vld [tilespmem:s26+$0xFFFFEE80];
	_ =	sdelay $0x1  }
0x16a: {  	v5 =	vld [tilespmem:s26+$0xFFFFF100]  }
0x16b: {  	v3 =	vadd.f32 $0.0e+00, v3  }
0x16c: {  	v6 =	vld [tilespmem:s26+$0xFFFFF380]  }
0x16d: {  	v3 =	vadd.f32 v4, v3  }
0x16e: {  	v4 =	vld [tilespmem:s26+$0xFFFFF600]  }
0x16f: {  	v3 =	vadd.f32 v5, v3  }
0x170: {  	v5 =	vld [tilespmem:s26+$0xFFFFF880]  }
0x171: {  	v3 =	vadd.f32 v6, v3  }
0x172: {  	v6 =	vld [tilespmem:s26+$0xFFFFFB00]  }
0x173: {  	v3 =	vadd.f32 v4, v3  }
0x174: {  	v4 =	vld [tilespmem:s26+$0xFFFFFD80]  }
0x175: {  	v3 =	vadd.f32 v5, v3  }
0x176: {  	v5 =	vld [tilespmem:s26+$0x0]  }
0x177: {  	v3 =	vadd.f32 v6, v3  }
0x178: {  	v6 =	vld [tilespmem:s26+$0x280]  }
0x179: {  	v3 =	vadd.f32 v4, v3  }
0x17a: {  	v4 =	vld [tilespmem:s26+$0x500]  }
0x17b: {  	v3 =	vadd.f32 v5, v3  }
0x17c: {  	v5 =	vld [tilespmem:s26+$0x780]  }
0x17d: {  	v3 =	vadd.f32 v6, v3  }
0x17e: {  	v6 =	vld [tilespmem:s26+$0xA00]  }
0x17f: {  	v3 =	vadd.f32 v4, v3  }
0x180: {  	v4 =	vld [tilespmem:s26+$0xC80]  }
0x181: {  	v3 =	vadd.f32 v5, v3  }
0x182: {  	v5 =	vld [tilespmem:s26+$0xF00]  }
0x183: {  	v3 =	vadd.f32 v6, v3  }
0x184: {  	v7 =	vor.u32 s16, v0;
	s16 =	smov.u32 s29;
	v6 =	vld [tilespmem:s26+$0x1180]  }
0x185: {  	vm0 =	vlt.u32 v7, $0x278;
	v3 =	vadd.f32 v4, v3  }
0x186: {  	v4 =	vshll.u32 v7, $0x4  }
0x187: {  	v3 =	vadd.f32 v5, v3  }
.Ltmp4:
0x188: {  	(pc) =	sbr.rel @p0 .LBB2_10-.Ltmp4, $3  }
0x189: {  	v3 =	vadd.f32 v6, v3;
	_ =	sdelay $0x1  }
0x18a: {  	s26 =	sadd.s32 $0x10, s26;
	[tilespmem:v4+s13+$0x0] =	vst.idx.msk vm0, v3  }
0x18b: {  	s29 =	sadd.s32 $0x10, s29;
	v3 =	vld [tilespmem:s26+$0xFFFFEC00]  }
0x18c: {  	_ = 	snop  }
0x18d: {  	v4 =	vld [tilespmem:s26+$0xFFFFEE80];
	_ =	sdelay $0x1  }
0x18e: {  	v5 =	vld [tilespmem:s26+$0xFFFFF100]  }
0x18f: {  	v3 =	vadd.f32 $0.0e+00, v3  }
0x190: {  	v6 =	vld [tilespmem:s26+$0xFFFFF380]  }
0x191: {  	v3 =	vadd.f32 v4, v3  }
0x192: {  	v51 =	vld [tilespmem:s26+$0xFFFFF600]  }
0x193: {  	v3 =	vadd.f32 v5, v3  }
0x194: {  	v52 =	vld [tilespmem:s26+$0xFFFFF880]  }
0x195: {  	v3 =	vadd.f32 v6, v3  }
0x196: {  	v53 =	vld [tilespmem:s26+$0xFFFFFB00]  }
0x197: {  	v3 =	vadd.f32 v51, v3  }
0x198: {  	v54 =	vld [tilespmem:s26+$0xFFFFFD80]  }
0x199: {  	v3 =	vadd.f32 v52, v3  }
0x19a: {  	v55 =	vld [tilespmem:s26+$0x0]  }
0x19b: {  	v3 =	vadd.f32 v53, v3  }
0x19c: {  	v56 =	vld [tilespmem:s26+$0x280]  }
0x19d: {  	v3 =	vadd.f32 v54, v3  }
0x19e: {  	v57 =	vld [tilespmem:s26+$0x500]  }
0x19f: {  	v3 =	vadd.f32 v55, v3  }
0x1a0: {  	v58 =	vld [tilespmem:s26+$0x780]  }
0x1a1: {  	v3 =	vadd.f32 v56, v3  }
0x1a2: {  	v59 =	vld [tilespmem:s26+$0xA00]  }
0x1a3: {  	v3 =	vadd.f32 v57, v3  }
0x1a4: {  	v60 =	vld [tilespmem:s26+$0xC80]  }
0x1a5: {  	v3 =	vadd.f32 v58, v3  }
0x1a6: {  	v61 =	vld [tilespmem:s26+$0xF00]  }
0x1a7: {  	v3 =	vadd.f32 v59, v3  }
0x1a8: {  	v62 =	vld [tilespmem:s26+$0x1180];
	v7 =	vor.u32 s16, v0  }
0x1a9: {  	vm0 =	vlt.u32 v7, $0x278;
	v3 =	vadd.f32 v60, v3  }
0x1aa: {  	v63 =	vshll.u32 v7, $0x4  }
0x1ab: {  	v3 =	vadd.f32 v61, v3;
	_ =	sdelay $0x1  }
0x1ac: {  	v3 =	vadd.f32 v62, v3;
	_ =	sdelay $0x1  }
0x1ad: {  	s30 =	rddreg [dreg:$0x17];
	[tilespmem:v63+s13+$0x0] =	vst.idx.msk vm0, v3  }
0x1ae: {  	[hbm4b:s30+s2] =	stream.linear.scatter [tilespmem:s13], [sflag:$0x4], $0x2780, $0x38;
	[tilespmem:$0x1F1E8] =	vst v63  }
0x1af: {  	_ =	swait.ge [sflag:s11], $0x2780  }
0x1b0: {  	[sflag:s11] =	ssyncset.done $0x0  }
0x1b1: {  	[sflag:s11] =	ssyncadd.s32 $0xFFFFD880  }
0x1b2: {  	[tilespmem:s0], [sflag:$0x4] =	stream.linear.gather [spmem:s21], $0x1400, $0x38;
	[tilespmem:$0x1F1E8] =	vst v63  }
0x1b3: {  	_ =	swait.ge [sflag:s11], $0x1400  }
0x1b4: {  	[sflag:s11] =	ssyncset.done $0x0  }
0x1b5: {  	s31 =	rddreg [dreg:$0x7];
	[sflag:s11] =	ssyncadd.s32 $0xFFFFEC00  }
0x1b6: {  	[hbm4b:s31+s2] =	stream.linear.scatter [tilespmem:s0], [sflag:$0x4], $0x1400, $0x38;
	[tilespmem:$0x1F1E8] =	vst v63  }
0x1b7: {  	_ =	swait.ge [sflag:s11], $0x1400  }
0x1b8: {  	[sflag:s11] =	ssyncset.done $0x0  }
0x1b9: {  	[sflag:s11] =	ssyncadd.s32 $0xFFFFEC00  }
0x1ba: {  	[tilespmem:s0], [sflag:$0x4] =	stream.linear.gather [spmem:s20], $0x1400, $0x38;
	[tilespmem:$0x1F1E8] =	vst v63  }
0x1bb: {  	_ =	swait.ge [sflag:s11], $0x1400  }
0x1bc: {  	[sflag:s11] =	ssyncset.done $0x0  }
0x1bd: {  	s17 =	rddreg [dreg:$0x8];
	[sflag:s11] =	ssyncadd.s32 $0xFFFFEC00  }
0x1be: {  	[hbm4b:s17+s2] =	stream.linear.scatter [tilespmem:s0], [sflag:$0x4], $0x1400, $0x38;
	[tilespmem:$0x1F1E8] =	vst v63  }
0x1bf: {  	_ =	swait.ge [sflag:s11], $0x1400  }
0x1c0: {  	[sflag:s11] =	ssyncset.done $0x0  }
0x1c1: {  	[sflag:s11] =	ssyncadd.s32 $0xFFFFEC00  }
0x1c2: {  	[tilespmem:s0], [sflag:$0x4] =	stream.linear.gather [spmem:s19], $0x1400, $0x38;
	[tilespmem:$0x1F1E8] =	vst v63  }
0x1c3: {  	_ =	swait.ge [sflag:s11], $0x1400  }
0x1c4: {  	[sflag:s11] =	ssyncset.done $0x0  }
0x1c5: {  	s22 =	rddreg [dreg:$0x9];
	[sflag:s11] =	ssyncadd.s32 $0xFFFFEC00  }
0x1c6: {  	[hbm4b:s22+s2] =	stream.linear.scatter [tilespmem:s0], [sflag:$0x4], $0x1400, $0x38;
	[tilespmem:$0x1F1E8] =	vst v63  }
0x1c7: {  	_ =	swait.ge [sflag:s11], $0x1400  }
0x1c8: {  	[sflag:s11] =	ssyncset.done $0x0  }
0x1c9: {  	[sflag:s11] =	ssyncadd.s32 $0xFFFFEC00  }
0x1ca: {  	[tilespmem:s0], [sflag:$0x4] =	stream.linear.gather [spmem:s24], $0x1400, $0x38;
	[tilespmem:$0x1F1E8] =	vst v63  }
0x1cb: {  	_ =	swait.ge [sflag:s11], $0x1400  }
0x1cc: {  	[sflag:s11] =	ssyncset.done $0x0  }
0x1cd: {  	s23 =	rddreg [dreg:$0xa];
	[sflag:s11] =	ssyncadd.s32 $0xFFFFEC00  }
0x1ce: {  	[hbm4b:s23+s2] =	stream.linear.scatter [tilespmem:s0], [sflag:$0x4], $0x1400, $0x38;
	[tilespmem:$0x1F1E8] =	vst v63  }
0x1cf: {  	_ =	swait.ge [sflag:s11], $0x1400  }
0x1d0: {  	[sflag:s11] =	ssyncset.done $0x0  }
0x1d1: {  	[sflag:s11] =	ssyncadd.s32 $0xFFFFEC00  }
0x1d2: {  	[tilespmem:s0], [sflag:$0x4] =	stream.linear.gather [spmem:s10], $0x1400, $0x38;
	[tilespmem:$0x1F1E8] =	vst v63  }
0x1d3: {  	_ =	swait.ge [sflag:s11], $0x1400  }
0x1d4: {  	[sflag:s11] =	ssyncset.done $0x0  }
0x1d5: {  	s25 =	rddreg [dreg:$0xb];
	[sflag:s11] =	ssyncadd.s32 $0xFFFFEC00  }
0x1d6: {  	[hbm4b:s25+s2] =	stream.linear.scatter [tilespmem:s0], [sflag:$0x4], $0x1400, $0x38;
	[tilespmem:$0x1F1E8] =	vst v63  }
0x1d7: {  	_ =	swait.ge [sflag:s11], $0x1400  }
0x1d8: {  	[sflag:s11] =	ssyncset.done $0x0  }
0x1d9: {  	s17 =	rddreg [dreg:$0x10];
	[sflag:s11] =	ssyncadd.s32 $0xFFFFEC00  }
0x1da: {  	[tilespmem:s0], [sflag:$0x4] =	stream.linear.gather [spmem:s17], $0x1400, $0x38;
	[tilespmem:$0x1F1E8] =	vst v63  }
0x1db: {  	_ =	swait.ge [sflag:s11], $0x1400  }
0x1dc: {  	[sflag:s11] =	ssyncset.done $0x0  }
0x1dd: {  	s28 =	rddreg [dreg:$0xc];
	[sflag:s11] =	ssyncadd.s32 $0xFFFFEC00  }
0x1de: {  	[hbm4b:s28+s2] =	stream.linear.scatter [tilespmem:s0], [sflag:$0x4], $0x1400, $0x38;
	[tilespmem:$0x1F1E8] =	vst v63  }
0x1df: {  	_ =	swait.ge [sflag:s11], $0x1400  }
0x1e0: {  	[sflag:s11] =	ssyncset.done $0x0  }
0x1e1: {  	s22 =	rddreg [dreg:$0x11];
	[sflag:s11] =	ssyncadd.s32 $0xFFFFEC00  }
0x1e2: {  	[tilespmem:s0], [sflag:$0x4] =	stream.linear.gather [spmem:s22], $0x1400, $0x38;
	[tilespmem:$0x1F1E8] =	vst v63  }
0x1e3: {  	_ =	swait.ge [sflag:s11], $0x1400  }
0x1e4: {  	[sflag:s11] =	ssyncset.done $0x0  }
0x1e5: {  	s29 =	rddreg [dreg:$0xd];
	[sflag:s11] =	ssyncadd.s32 $0xFFFFEC00  }
0x1e6: {  	[hbm4b:s29+s2] =	stream.linear.scatter [tilespmem:s0], [sflag:$0x4], $0x1400, $0x38;
	[tilespmem:$0x1F1E8] =	vst v63  }
0x1e7: {  	_ =	swait.ge [sflag:s11], $0x1400  }
0x1e8: {  	[sflag:s11] =	ssyncset.done $0x0  }
0x1e9: {  	s26 =	smov.u32 s10;
	s10 =	rddreg [dreg:$0x12];
	[sflag:s11] =	ssyncadd.s32 $0xFFFFEC00  }
0x1ea: {  	[tilespmem:s0], [sflag:$0x4] =	stream.linear.gather [spmem:s10], $0x1040, $0x38;
	[tilespmem:$0x1F1E8] =	vst v63  }
0x1eb: {  	_ =	swait.ge [sflag:s11], $0x1040  }
0x1ec: {  	[sflag:s11] =	ssyncset.done $0x0  }
0x1ed: {  	s30 =	rddreg [dreg:$0xe];
	[sflag:s11] =	ssyncadd.s32 $0xFFFFEFC0  }
0x1ee: {  	[hbm4b:s30+s2] =	stream.linear.scatter [tilespmem:s0], [sflag:$0x4], $0x1040, $0x38;
	[tilespmem:$0x1F1E8] =	vst v63  }
0x1ef: {  	_ =	swait.ge [sflag:s11], $0x1040  }
0x1f0: {  	s5 =	sadd.s32 $0x1, s5;
	s31 =	rddreg [dreg:$0x18]  }
0x1f1: {  	p0 =	sne.s32 s5, s31  }
.Ltmp5:
0x1f2: {  	_ = 	snop;
	(pc) =	sbr.rel @p0 .LBB2_1-.Ltmp5, $3  }
0x1f3: {  	_ =	sdelay $0x1  }
0x1f4: {  	[sflag:s11] =	ssyncset.done $0x0  }
0x1f5: {  	s23 =	simm.s32 $0x8C00;
	[sflag:s11] =	ssyncadd.s32 $0xFFFFEFC0  }
0x1f6: {  	_ =	sfence.sel $0x180000  }
0x1f7: {  	[bflag:$0x0] =	sbarrier.arrive $0xFFFF  }
0x1f8: {  	_ =	strace $0x90000047  }
0x1f9: {  	s0 =	stileid.u32;
	[bflag:$0x2] =	sbarrier.arrive $0xFFFF  }
0x1fa: {  	p0 =	sne.s32 s0, $0x0;
	s0 =	rddreg [dreg:$0x5]  }
0x1fb: {  	s0 =	sadd.s32 @!p0 $0x100000, s0  }
0x1fc: {  	[sflag:s0] =	ssyncadd.tile.s32 @!p0 $0x1;
	_ =	shalt  }
.Lfunc_end2:
_tile_overlayer_lowered:
.L_overlay_start_2:
0x1fd: {  	(tag) =	ssettag $0x2  }
0x1fe: {  	s0 =	rddreg [dreg:$0x0];
	s2 =	stileid.u32  }
0x1ff: {  	s1 =	rddreg [dreg:$0x1];
	p0 =	sne.s32 s2, $0x0  }
0x200: {  	s3 =	rddreg [dreg:$0x2];
	[bflag:$0x3] =	sbarrier.arrive $0xFFFF;
	s2 =	simm.s32 @!p0 $0x1C04  }
0x201: {  	[timem:s3], [sflag:s2] =	dma.local @!p0 [hbm:s0], s1  }
0x202: {  	s0 =	simm.s32 @!p0 $0x4  }
0x203: {  	_ =	swait.ge @!p0 [sflag:s0], s1  }
0x204: {  	s1 =	ssub.s32 @!p0 $0x0, s1;
	[sflag:s0] =	ssyncset.done @!p0 $0x0  }
0x205: {  	[sflag:s0] =	ssyncadd.s32 @!p0 s1  }
0x206: {  	[bflag:$0x3] =	sbarrier.arrive $0xFFFF  }
0x207: {  	_ =	shalt  }

</sc_bundles>
